<compile_context>
chip_gen: v7x
topology: tpu7x:2x2x1
jax: 0.10.2.dev20260603
libtpu: 0.0.44.dev20260713+nightly
codegen_flags: <defaults>
</compile_context>

<pallas_src>
import functools

import jax
import jax.numpy as jnp
from jax import lax
from jax.experimental import pallas as pl
from jax.experimental.pallas import tpu as pltpu
from jax.experimental.pallas import tpu_sc as plsc

N_NODES = 10000
E_EDGES = 320000
D = 128
DOUT = 2
DPAD = 16
NC, NS = 2, 16
NW = NC * NS
B = 128
NB = 4
K = 79
E_PAD = NW * B * K
CW = 64
K2 = 157
E_PAD2 = NS * B * K2
NP = 10240
RPT = NP // NS
BLK = 1024

_mesh = plsc.VectorSubcoreMesh(
    core_axis_name="c", subcore_axis_name="s", num_cores=NC, num_subcores=NS)


def _fill_rows(ref, rows, width, value):
  vec = jnp.full((16,), value, jnp.float32)
  def body(i, _):
    for c in range(width // 16):
      ref[i, pl.ds(c * 16, 16)] = vec
    return 0
  lax.fori_loop(0, rows, body, 0, unroll=False)


@functools.partial(
    pl.kernel,
    out_type=jax.ShapeDtypeStruct((NC, NP, DPAD), jnp.float32),
    mesh=_mesh,
    scratch_types=[
        pltpu.VMEM((B, DPAD), jnp.float32),
        pltpu.VMEM((B, DPAD), jnp.float32),
        pltpu.VMEM((K, B), jnp.int32),
        pltpu.VMEM_SHARED((NP, DPAD), jnp.float32),
    ],
    compiler_params=pltpu.CompilerParams(use_tc_tiling_on_sc=False),
)
def _deg_kernel(dst_hbm, out_hbm, ones_v, zeros_v, idx_v, acc_sh):
  cid = lax.axis_index("c")
  sid = lax.axis_index("s")
  wid = cid * NS + sid
  _fill_rows(ones_v, B, DPAD, 1.0)
  _fill_rows(zeros_v, B, DPAD, 0.0)

  def zrow(t, _):
    pltpu.sync_copy(zeros_v, acc_sh.at[pl.ds(sid * RPT + t * B, B)])
    return 0
  lax.fori_loop(0, RPT // B, zrow, 0)
  pltpu.sync_copy(dst_hbm.at[wid], idx_v)
  plsc.subcore_barrier()

  def chunk(j, _):
    pltpu.sync_copy(ones_v, acc_sh.at[idx_v.at[j]], add=True)
    return 0
  lax.fori_loop(0, K, chunk, 0)
  plsc.subcore_barrier()

  def wrow(t, _):
    r = sid * RPT + t * B
    pltpu.sync_copy(acc_sh.at[pl.ds(r, B)], out_hbm.at[cid, pl.ds(r, B)])
    return 0
  lax.fori_loop(0, RPT // B, wrow, 0)


@functools.partial(
    pl.kernel,
    out_type=jax.ShapeDtypeStruct((NC, NP, CW), jnp.float32),
    mesh=_mesh,
    scratch_types=[
        pltpu.VMEM((B, CW), jnp.float32),
        pltpu.VMEM((K2, B), jnp.int32),
        pltpu.VMEM((K2, B), jnp.int32),
        [pltpu.VMEM((B, CW), jnp.float32)] * NB,
        pltpu.VMEM_SHARED((NP, CW), jnp.float32),
        [pltpu.SemaphoreType.DMA] * NB,
        [pltpu.SemaphoreType.DMA] * NB,
    ],
    compiler_params=pltpu.CompilerParams(use_tc_tiling_on_sc=False),
)
def _agg128(h_hbm, src_hbm, dst_hbm, out_hbm, zeros_v, src_v, dst_v, rows,
            acc_sh, semg, sems):
  cid = lax.axis_index("c")
  sid = lax.axis_index("s")
  _fill_rows(zeros_v, B, CW, 0.0)

  def zrow(t, _):
    pltpu.sync_copy(zeros_v, acc_sh.at[pl.ds(sid * RPT + t * B, B)])
    return 0
  lax.fori_loop(0, RPT // B, zrow, 0)
  pltpu.sync_copy(src_hbm.at[sid], src_v)
  pltpu.sync_copy(dst_hbm.at[sid], dst_v)
  plsc.subcore_barrier()

  def gat(j, b):
    pltpu.async_copy(h_hbm.at[cid].at[src_v.at[j]], rows[b], semg[b])
  def gat_wait(j, b):
    pltpu.make_async_copy(h_hbm.at[cid].at[src_v.at[j]], rows[b],
                          semg[b]).wait()
  def sca(j, b):
    pltpu.async_copy(rows[b], acc_sh.at[dst_v.at[j]], sems[b], add=True)
  def sca_wait(j, b):
    pltpu.make_async_copy(rows[b], acc_sh.at[dst_v.at[j]], sems[b]).wait()
  for b in range(NB):
    gat(b, b)
  def group(g, _):
    base = g * NB
    for b in range(NB):
      gat_wait(base + b, b)
      sca(base + b, b)
    for b in range(NB):
      sca_wait(base + b, b)
      gat(base + NB + b, b)
    return 0
  lax.fori_loop(0, K2 // NB - 1, group, 0)
  last = (K2 // NB - 1) * NB
  for b in range(NB):
    gat_wait(last + b, b)
    sca(last + b, b)
  for b in range(NB):
    sca_wait(last + b, b)
  for j in range(K2 // NB * NB, K2):
    gat(j, 0)
    gat_wait(j, 0)
    sca(j, 0)
    sca_wait(j, 0)
  plsc.subcore_barrier()

  def wrow(t, _):
    r = sid * RPT + t * B
    pltpu.sync_copy(acc_sh.at[pl.ds(r, B)], out_hbm.at[cid, pl.ds(r, B)])
    return 0
  lax.fori_loop(0, RPT // B, wrow, 0)


@functools.partial(
    pl.kernel,
    out_type=jax.ShapeDtypeStruct((NC, NP, DPAD), jnp.float32),
    mesh=_mesh,
    scratch_types=[
        pltpu.VMEM((B, DPAD), jnp.float32),
        pltpu.VMEM((K, B), jnp.int32),
        pltpu.VMEM((K, B), jnp.int32),
        [pltpu.VMEM((B, DPAD), jnp.float32)] * NB,
        [pltpu.SemaphoreType.DMA] * NB,
        [pltpu.SemaphoreType.DMA] * NB,
        pltpu.VMEM_SHARED((NP, DPAD), jnp.float32),
    ],
    compiler_params=pltpu.CompilerParams(use_tc_tiling_on_sc=False),
)
def _agg16(h_hbm, src_hbm, dst_hbm, out_hbm, zeros_v, src_v, dst_v, rows,
           semg, sems, acc_sh):
  cid = lax.axis_index("c")
  sid = lax.axis_index("s")
  wid = cid * NS + sid
  _fill_rows(zeros_v, B, DPAD, 0.0)

  def zrow(t, _):
    pltpu.sync_copy(zeros_v, acc_sh.at[pl.ds(sid * RPT + t * B, B)])
    return 0
  lax.fori_loop(0, RPT // B, zrow, 0)
  pltpu.sync_copy(src_hbm.at[wid], src_v)
  pltpu.sync_copy(dst_hbm.at[wid], dst_v)
  plsc.subcore_barrier()

  def gat(j, b):
    pltpu.async_copy(h_hbm.at[src_v.at[j]], rows[b], semg[b])
  def gat_wait(j, b):
    pltpu.make_async_copy(h_hbm.at[src_v.at[j]], rows[b], semg[b]).wait()
  def sca(j, b):
    pltpu.async_copy(rows[b], acc_sh.at[dst_v.at[j]], sems[b], add=True)
  def sca_wait(j, b):
    pltpu.make_async_copy(rows[b], acc_sh.at[dst_v.at[j]], sems[b]).wait()
  for b in range(NB):
    gat(b, b)
  def group(g, _):
    base = g * NB
    for b in range(NB):
      gat_wait(base + b, b)
      sca(base + b, b)
    for b in range(NB):
      sca_wait(base + b, b)
      gat(base + NB + b, b)
    return 0
  lax.fori_loop(0, K // NB - 1, group, 0)
  last = (K // NB - 1) * NB
  for b in range(NB):
    gat_wait(last + b, b)
    sca(last + b, b)
  for b in range(NB):
    sca_wait(last + b, b)
  for j in range(K // NB * NB, K):
    gat(j, 0)
    gat_wait(j, 0)
    sca(j, 0)
    sca_wait(j, 0)
  plsc.subcore_barrier()

  def wrow(t, _):
    r = sid * RPT + t * B
    pltpu.sync_copy(acc_sh.at[pl.ds(r, B)], out_hbm.at[cid, pl.ds(r, B)])
    return 0
  lax.fori_loop(0, RPT // B, wrow, 0)


def _dinv_from(degp0, degp1):
  deg = degp0 + degp1 + 1.0
  return lax.rsqrt(deg)[:, 0:1]


def _mm1_body(x_ref, w_ref, degp_ref, o_ref):
  dinv = _dinv_from(degp_ref[0], degp_ref[1])
  h = jnp.dot(x_ref[...], w_ref[0], preferred_element_type=jnp.float32)
  o_ref[0] = h * dinv


def _mm2_body(acc1_ref, hp_ref, degp_ref, w2_ref, b1_ref, o_ref):
  dinv = _dinv_from(degp_ref[0], degp_ref[1])
  acc = jnp.concatenate([acc1_ref[0] + hp_ref[0], acc1_ref[1] + hp_ref[1]],
                        axis=1)
  h1 = jnp.maximum(acc * dinv + b1_ref[...], 0.0)
  g = jnp.dot(h1 * dinv, w2_ref[...], preferred_element_type=jnp.float32)
  row = pl.program_id(0) * BLK + lax.broadcasted_iota(jnp.int32, (BLK, DPAD), 0)
  o_ref[...] = jnp.where(row < N_NODES, g, 0.0)


def _final_body(a0a1_ref, g_ref, degp_ref, b2_ref, o_ref):
  dinv = _dinv_from(degp_ref[0], degp_ref[1])
  acc = a0a1_ref[0] + a0a1_ref[1] + g_ref[...]
  o_ref[...] = acc * dinv + b2_ref[...]


def kernel(x, edge_index, W1, b1, W2, b2):
  f32 = jnp.float32
  x_pad = jnp.pad(x, ((0, NP - N_NODES), (0, 0)))
  spread = N_NODES + jnp.arange(E_PAD - E_EDGES, dtype=jnp.int32) % (NP - N_NODES)
  pad = jnp.full((E_PAD - E_EDGES,), N_NODES, jnp.int32)
  src3 = jnp.concatenate([edge_index[0], pad]).reshape(NW, K, B)
  dst3 = jnp.concatenate([edge_index[1], spread]).reshape(NW, K, B)
  spread2 = N_NODES + jnp.arange(E_PAD2 - E_EDGES, dtype=jnp.int32) % (NP - N_NODES)
  pad2 = jnp.full((E_PAD2 - E_EDGES,), N_NODES, jnp.int32)
  src2 = jnp.concatenate([edge_index[0], pad2]).reshape(NS, K2, B)
  dst2 = jnp.concatenate([edge_index[1], spread2]).reshape(NS, K2, B)
  w1_split = W1.reshape(D, NC, CW).transpose(1, 0, 2)
  w2_pad = jnp.pad(W2, ((0, 0), (0, DPAD - DOUT)))
  b1r = b1.reshape(1, D)
  b2r = jnp.pad(b2, (0, DPAD - DOUT)).reshape(1, DPAD)

  degp = _deg_kernel(dst3)

  grid = (NP // BLK,)
  degp_spec = pl.BlockSpec((2, BLK, DPAD), lambda g: (0, g, 0))
  degp_spec2 = pl.BlockSpec((2, BLK, DPAD), lambda g, c: (0, g, 0))
  hprime = pl.pallas_call(
      _mm1_body,
      grid=(NP // BLK, NC),
      in_specs=[
          pl.BlockSpec((BLK, D), lambda g, c: (g, 0)),
          pl.BlockSpec((1, D, CW), lambda g, c: (c, 0, 0)),
          degp_spec2,
      ],
      out_specs=pl.BlockSpec((1, BLK, CW), lambda g, c: (c, g, 0)),
      out_shape=jax.ShapeDtypeStruct((NC, NP, CW), f32),
  )(x_pad, w1_split, degp)

  acc1 = _agg128(hprime, src2, dst2)

  g = pl.pallas_call(
      _mm2_body,
      grid=grid,
      in_specs=[
          pl.BlockSpec((2, BLK, CW), lambda g: (0, g, 0)),
          pl.BlockSpec((2, BLK, CW), lambda g: (0, g, 0)),
          degp_spec,
          pl.BlockSpec((D, DPAD), lambda g: (0, 0)),
          pl.BlockSpec((1, D), lambda g: (0, 0)),
      ],
      out_specs=pl.BlockSpec((BLK, DPAD), lambda g: (g, 0)),
      out_shape=jax.ShapeDtypeStruct((NP, DPAD), f32),
  )(acc1, hprime, degp, w2_pad, b1r)

  acc2 = _agg16(g, src3, dst3)

  out = pl.pallas_call(
      _final_body,
      grid=grid,
      in_specs=[
          pl.BlockSpec((2, BLK, DPAD), lambda g: (0, g, 0)),
          pl.BlockSpec((BLK, DPAD), lambda g: (g, 0)),
          degp_spec,
          pl.BlockSpec((1, DPAD), lambda g: (0, 0)),
      ],
      out_specs=pl.BlockSpec((BLK, DPAD), lambda g: (g, 0)),
      out_shape=jax.ShapeDtypeStruct((NP, DPAD), f32),
  )(acc2, g, degp, b2r)

  return out[:N_NODES, :DOUT]

# --- scband reference (transcript-rebuilt; emitter-appended) ---
"""Pipeline reference for scband-bot-detect-74337293959192 (READ-ONLY COPY).

The authoritative reference and input builder live on the scoring server;
editing this copy changes nothing except your own understanding.
"""

import jax, jax.numpy as jnp
import numpy as np

N = 10000
E = 320000
D_IN = 128
D_H = 128
D_OUT = 2


def glorot(key, shape):
    lim = float(np.sqrt(6.0 / (shape[0] + shape[1])))
    return jax.random.uniform(key, shape, dtype=jnp.float32, minval=-lim, maxval=lim)


def setup_inputs(seed: int = 0) -> dict:
    key = jax.random.key(seed)
    k1, k2, k3, k4 = jax.random.split(key, 4)
    x = jax.random.normal(k1, (N, D_IN), dtype=jnp.float32)
    edge_index = jax.random.randint(k2, (2, E), 0, N, dtype=jnp.int32)
    W1 = glorot(k3, (D_IN, D_H))
    b1 = jnp.zeros((D_H,), dtype=jnp.float32)
    W2 = glorot(k4, (D_H, D_OUT))
    b2 = jnp.zeros((D_OUT,), dtype=jnp.float32)
    return {"x": x, "edge_index": edge_index, "W1": W1, "b1": b1, "W2": W2, "b2": b2}


def gcn_conv(x, edge_index, W, b, num_nodes):
    # PyG GCNConv: add self-loops, symmetric normalization, scatter-add aggregation
    loop = jnp.arange(num_nodes, dtype=edge_index.dtype)
    src = jnp.concatenate([edge_index[0], loop])
    dst = jnp.concatenate([edge_index[1], loop])
    deg = jnp.zeros((num_nodes,), dtype=jnp.float32).at[dst].add(1.0)
    deg_inv_sqrt = jnp.where(deg > 0, deg ** -0.5, 0.0)
    norm = deg_inv_sqrt[src] * deg_inv_sqrt[dst]
    h = x @ W
    msg = jnp.take(h, src, axis=0) * norm[:, None]
    out = jnp.zeros((num_nodes, W.shape[1]), dtype=jnp.float32).at[dst].add(msg)
    return out + b


def reference(x, edge_index, W1, b1, W2, b2):
    h1 = gcn_conv(x, edge_index, W1, b1, N)
    h1 = jax.nn.relu(h1)
    # dropout p=0.5 is identity in eval mode (self.training=False)
    out = gcn_conv(h1, edge_index, W2, b2, N)
    return out

if __name__ == "__main__":
    import jax
    _d = setup_inputs()
    print(jax.jit(kernel)(*tuple(_d.values())))

</pallas_src>

<mosaic_0001>
#map = affine_map<(d0, d1) -> (0, 0, 0)>
module attributes {stable_mosaic.version = 14 : i64} {
  func.func @_deg_kernel(%arg0: i32, %arg1: i32, %arg2: memref<32x79x128xi32, #tpu.memory_space<hbm>>, %arg3: memref<2x10240x16xf32, #tpu.memory_space<hbm>>, %arg4: memref<128x16xf32, #tpu.memory_space<vmem>>, %arg5: memref<128x16xf32, #tpu.memory_space<vmem>>, %arg6: memref<79x128xi32, #tpu.memory_space<vmem>>, %arg7: memref<10240x16xf32, #tpu.memory_space<vmem_shared>>) attributes {dimension_semantics = [#tpu.dimension_semantics<core_parallel>, #tpu.dimension_semantics<subcore_parallel>], iteration_bounds = array<i64: 2, 16>, scalar_prefetch = 0 : i64, scratch_operands = 4 : i64, tpu.core_type = #tpu.core_type<sc_vector_subcore>, window_params = [{transform_indices = #map}, {transform_indices = #map}]} {
    %mul3A = arith.constant 16 : i32
    %mul3A_0 = arith.muli %arg0, %mul3A : i32
    %add3A = arith.addi %mul3A_0, %arg1 : i32
    %broadcast_in_dim3A = arith.constant 1.000000e+00 : f32
    %broadcast_in_dim3A_1 = vector.broadcast %broadcast_in_dim3A : f32 to vector<16xf32>
    %scan3A = arith.constant 0 : i32
    %scan3A_2 = arith.constant 0 : i32
    %scan3A_3 = arith.constant 128 : i32
    %scan3A_4 = arith.addi %scan3A_2, %scan3A_3 : i32
    %scan3A_5 = arith.constant 1 : i32
    %scan3A_6 = scf.for %scan3A_39 = %scan3A_2 to %scan3A_4 step %scan3A_5 iter_args(%scan3A_40 = %scan3A) -> (i32)  : i32 {
      %swap3A = arith.index_cast %scan3A_39 : i32 to index
      %swap3A_41 = arith.constant 0 : index
      %swap3A_42 = tpu.vector_load %arg4[%swap3A, %swap3A_41] {strides = array<i32>} : memref<128x16xf32, #tpu.memory_space<vmem>>, vector<1x16xf32>,
      %swap3A_43 = vector.shape_cast %swap3A_42 : vector<1x16xf32> to vector<16xf32>
      %swap3A_44 = vector.shape_cast %broadcast_in_dim3A_1 : vector<16xf32> to vector<1x16xf32>
      tpu.vector_store %arg4[%swap3A, %swap3A_41], %swap3A_44 {strides = array<i32>} : memref<128x16xf32, #tpu.memory_space<vmem>>, vector<1x16xf32>,
      %scan3A_45 = arith.constant 0 : i32
      scf.yield %scan3A_45 : i32
    }
    %scan3A_7 = arith.constant 128 : i32
    %broadcast_in_dim3A_8 = arith.constant 0.000000e+00 : f32
    %broadcast_in_dim3A_9 = vector.broadcast %broadcast_in_dim3A_8 : f32 to vector<16xf32>
    %scan3A_10 = arith.constant 0 : i32
    %scan3A_11 = arith.constant 0 : i32
    %scan3A_12 = arith.constant 128 : i32
    %scan3A_13 = arith.addi %scan3A_11, %scan3A_12 : i32
    %scan3A_14 = arith.constant 1 : i32
    %scan3A_15 = scf.for %scan3A_39 = %scan3A_11 to %scan3A_13 step %scan3A_14 iter_args(%scan3A_40 = %scan3A_10) -> (i32)  : i32 {
      %swap3A = arith.index_cast %scan3A_39 : i32 to index
      %swap3A_41 = arith.constant 0 : index
      %swap3A_42 = tpu.vector_load %arg5[%swap3A, %swap3A_41] {strides = array<i32>} : memref<128x16xf32, #tpu.memory_space<vmem>>, vector<1x16xf32>,
      %swap3A_43 = vector.shape_cast %swap3A_42 : vector<1x16xf32> to vector<16xf32>
      %swap3A_44 = vector.shape_cast %broadcast_in_dim3A_9 : vector<16xf32> to vector<1x16xf32>
      tpu.vector_store %arg5[%swap3A, %swap3A_41], %swap3A_44 {strides = array<i32>} : memref<128x16xf32, #tpu.memory_space<vmem>>, vector<1x16xf32>,
      %scan3A_45 = arith.constant 0 : i32
      scf.yield %scan3A_45 : i32
    }
    %scan3A_16 = arith.constant 128 : i32
    %scan3A_17 = arith.constant 0 : i32
    %scan3A_18 = arith.constant 0 : i32
    %scan3A_19 = arith.constant 5 : i32
    %scan3A_20 = arith.addi %scan3A_18, %scan3A_19 : i32
    %scan3A_21 = arith.constant 1 : i32
    %scan3A_22 = scf.for %scan3A_39 = %scan3A_18 to %scan3A_20 step %scan3A_21 iter_args(%scan3A_40 = %scan3A_17) -> (i32)  : i32 {
      %mul3A_41 = arith.constant 640 : i32
      %mul3A_42 = arith.muli %arg1, %mul3A_41 : i32
      %mul3A_43 = arith.constant 128 : i32
      %mul3A_44 = arith.muli %scan3A_39, %mul3A_43 : i32
      %add3A_45 = arith.addi %mul3A_42, %mul3A_44 : i32
      "tpu.region"() ({
        %run_scoped3A = tpu.sem_alloc : memref<!tpu.dma_semaphore, #tpu.memory_space<semaphore_mem>>
        %dma_start3A = arith.constant 0 : i32
        %dma_start3A_47 = tpu.memref_slice %arg7[%add3A_45, %dma_start3A] : memref<10240x16xf32, #tpu.memory_space<vmem_shared>> -> memref<128x16xf32, #tpu.memory_space<vmem_shared>>
        %dma_start3A_48 = arith.constant 0 : i32
        %dma_start3A_49 = tpu.memref_slice %arg7[%add3A_45, %dma_start3A_48] : memref<10240x16xf32, #tpu.memory_space<vmem_shared>> -> memref<128x16xf32, #tpu.memory_space<vmem_shared>>
        tpu.enqueue_dma source(%arg5 : memref<128x16xf32, #tpu.memory_space<vmem>>) target(%dma_start3A_49 : memref<128x16xf32, #tpu.memory_space<vmem_shared>>) target_semaphore(%run_scoped3A : memref<!tpu.dma_semaphore, #tpu.memory_space<semaphore_mem>>)
        %dma_wait3A = arith.constant 0 : i32
        %dma_wait3A_50 = tpu.memref_slice %arg7[%add3A_45, %dma_wait3A] : memref<10240x16xf32, #tpu.memory_space<vmem_shared>> -> memref<128x16xf32, #tpu.memory_space<vmem_shared>>
        %dma_wait3A_51 = arith.constant 0 : i32
        %dma_wait3A_52 = tpu.memref_slice %arg7[%add3A_45, %dma_wait3A_51] : memref<10240x16xf32, #tpu.memory_space<vmem_shared>> -> memref<128x16xf32, #tpu.memory_space<vmem_shared>>
        tpu.wait_dma2 semaphore(%run_scoped3A : memref<!tpu.dma_semaphore, #tpu.memory_space<semaphore_mem>>) src(%arg5 : memref<128x16xf32, #tpu.memory_space<vmem>>) dst(%dma_wait3A_52 : memref<128x16xf32, #tpu.memory_space<vmem_shared>>)
        tpu.yield
      }) : () -> ()
      %scan3A_46 = arith.constant 0 : i32
      scf.yield %scan3A_46 : i32
    }
    %scan3A_23 = arith.constant 5 : i32
    "tpu.region"() ({
      %run_scoped3A = tpu.sem_alloc : memref<!tpu.dma_semaphore, #tpu.memory_space<semaphore_mem>>
      %dma_start3A = arith.constant 0 : i32
      %dma_start3A_39 = arith.constant 0 : i32
      %dma_start3A_40 = tpu.memref_slice %arg2[%add3A, %dma_start3A, %dma_start3A_39] : memref<32x79x128xi32, #tpu.memory_space<hbm>> -> memref<1x79x128xi32, #tpu.memory_space<hbm>>
      %dma_start3A_41 = tpu.memref_squeeze %dma_start3A_40 : memref<1x79x128xi32, #tpu.memory_space<hbm>> -> memref<79x128xi32, #tpu.memory_space<hbm>>
      %dma_start3A_42 = arith.constant 0 : i32
      %dma_start3A_43 = arith.constant 0 : i32
      %dma_start3A_44 = tpu.memref_slice %arg2[%add3A, %dma_start3A_42, %dma_start3A_43] : memref<32x79x128xi32, #tpu.memory_space<hbm>> -> memref<1x79x128xi32, #tpu.memory_space<hbm>>
      %dma_start3A_45 = tpu.memref_squeeze %dma_start3A_44 : memref<1x79x128xi32, #tpu.memory_space<hbm>> -> memref<79x128xi32, #tpu.memory_space<hbm>>
      tpu.enqueue_dma source(%dma_start3A_45 : memref<79x128xi32, #tpu.memory_space<hbm>>) target(%arg6 : memref<79x128xi32, #tpu.memory_space<vmem>>) target_semaphore(%run_scoped3A : memref<!tpu.dma_semaphore, #tpu.memory_space<semaphore_mem>>)
      %dma_wait3A = arith.constant 0 : i32
      %dma_wait3A_46 = arith.constant 0 : i32
      %dma_wait3A_47 = tpu.memref_slice %arg2[%add3A, %dma_wait3A, %dma_wait3A_46] : memref<32x79x128xi32, #tpu.memory_space<hbm>> -> memref<1x79x128xi32, #tpu.memory_space<hbm>>
      %dma_wait3A_48 = tpu.memref_squeeze %dma_wait3A_47 : memref<1x79x128xi32, #tpu.memory_space<hbm>> -> memref<79x128xi32, #tpu.memory_space<hbm>>
      %dma_wait3A_49 = arith.constant 0 : i32
      %dma_wait3A_50 = arith.constant 0 : i32
      %dma_wait3A_51 = tpu.memref_slice %arg2[%add3A, %dma_wait3A_49, %dma_wait3A_50] : memref<32x79x128xi32, #tpu.memory_space<hbm>> -> memref<1x79x128xi32, #tpu.memory_space<hbm>>
      %dma_wait3A_52 = tpu.memref_squeeze %dma_wait3A_51 : memref<1x79x128xi32, #tpu.memory_space<hbm>> -> memref<79x128xi32, #tpu.memory_space<hbm>>
      tpu.wait_dma2 semaphore(%run_scoped3A : memref<!tpu.dma_semaphore, #tpu.memory_space<semaphore_mem>>) src(%dma_wait3A_52 : memref<79x128xi32, #tpu.memory_space<hbm>>) dst(%arg6 : memref<79x128xi32, #tpu.memory_space<vmem>>)
      tpu.yield
    }) : () -> ()
    %barrier3A = arith.constant 0 : index
    tpu.barrier barrier_id(%barrier3A)
    %scan3A_24 = arith.constant 0 : i32
    %scan3A_25 = arith.constant 0 : i32
    %scan3A_26 = arith.constant 79 : i32
    %scan3A_27 = arith.addi %scan3A_25, %scan3A_26 : i32
    %scan3A_28 = arith.constant 1 : i32
    %scan3A_29 = scf.for %scan3A_39 = %scan3A_25 to %scan3A_27 step %scan3A_28 iter_args(%scan3A_40 = %scan3A_24) -> (i32)  : i32 {
      "tpu.region"() ({
        %run_scoped3A = tpu.sem_alloc : memref<!tpu.dma_semaphore, #tpu.memory_space<semaphore_mem>>
        %dma_start3A = arith.constant 0 : i32
        %dma_start3A_42 = tpu.memref_slice %arg6[%scan3A_39, %dma_start3A] : memref<79x128xi32, #tpu.memory_space<vmem>> -> memref<1x128xi32, #tpu.memory_space<vmem>>
        %dma_start3A_43 = tpu.memref_squeeze %dma_start3A_42 : memref<1x128xi32, #tpu.memory_space<vmem>> -> memref<128xi32, #tpu.memory_space<vmem>>
        %dma_start3A_44 = arith.constant 0 : i32
        %dma_start3A_45 = arith.constant 0 : i32
        %dma_start3A_46 = tpu.memref_slice %arg7[%dma_start3A_44, %dma_start3A_45] : memref<10240x16xf32, #tpu.memory_space<vmem_shared>> -> memref<10240x16xf32, #tpu.memory_space<vmem_shared>>
        tpu.enqueue_indirect_dma source(%arg4 : memref<128x16xf32, #tpu.memory_space<vmem>>) target(%dma_start3A_46 : memref<10240x16xf32, #tpu.memory_space<vmem_shared>>) offsets(%dma_start3A_43 : memref<128xi32, #tpu.memory_space<vmem>>) semaphore(%run_scoped3A : memref<!tpu.dma_semaphore, #tpu.memory_space<semaphore_mem>>) {add = true}
        %dma_wait3A = arith.constant 0 : i32
        %dma_wait3A_47 = tpu.memref_slice %arg6[%scan3A_39, %dma_wait3A] : memref<79x128xi32, #tpu.memory_space<vmem>> -> memref<1x128xi32, #tpu.memory_space<vmem>>
        %dma_wait3A_48 = tpu.memref_squeeze %dma_wait3A_47 : memref<1x128xi32, #tpu.memory_space<vmem>> -> memref<128xi32, #tpu.memory_space<vmem>>
        %dma_wait3A_49 = arith.constant 0 : i32
        %dma_wait3A_50 = arith.constant 0 : i32
        %dma_wait3A_51 = tpu.memref_slice %arg7[%dma_wait3A_49, %dma_wait3A_50] : memref<10240x16xf32, #tpu.memory_space<vmem_shared>> -> memref<10240x16xf32, #tpu.memory_space<vmem_shared>>
        tpu.wait_indirect_dma semaphore(%run_scoped3A : memref<!tpu.dma_semaphore, #tpu.memory_space<semaphore_mem>>) src(%arg4 : memref<128x16xf32, #tpu.memory_space<vmem>>) dst(%dma_wait3A_51 : memref<10240x16xf32, #tpu.memory_space<vmem_shared>>)
        tpu.yield
      }) : () -> ()
      %scan3A_41 = arith.constant 0 : i32
      scf.yield %scan3A_41 : i32
    }
    %scan3A_30 = arith.constant 79 : i32
    %barrier3A_31 = arith.constant 0 : index
    tpu.barrier barrier_id(%barrier3A_31)
    %scan3A_32 = arith.constant 0 : i32
    %scan3A_33 = arith.constant 0 : i32
    %scan3A_34 = arith.constant 5 : i32
    %scan3A_35 = arith.addi %scan3A_33, %scan3A_34 : i32
    %scan3A_36 = arith.constant 1 : i32
    %scan3A_37 = scf.for %scan3A_39 = %scan3A_33 to %scan3A_35 step %scan3A_36 iter_args(%scan3A_40 = %scan3A_32) -> (i32)  : i32 {
      %mul3A_41 = arith.constant 640 : i32
      %mul3A_42 = arith.muli %arg1, %mul3A_41 : i32
      %mul3A_43 = arith.constant 128 : i32
      %mul3A_44 = arith.muli %scan3A_39, %mul3A_43 : i32
      %add3A_45 = arith.addi %mul3A_42, %mul3A_44 : i32
      "tpu.region"() ({
        %run_scoped3A = tpu.sem_alloc : memref<!tpu.dma_semaphore, #tpu.memory_space<semaphore_mem>>
        %dma_start3A = arith.constant 0 : i32
        %dma_start3A_47 = tpu.memref_slice %arg3[%arg0, %add3A_45, %dma_start3A] : memref<2x10240x16xf32, #tpu.memory_space<hbm>> -> memref<1x128x16xf32, #tpu.memory_space<hbm>>
        %dma_start3A_48 = tpu.memref_squeeze %dma_start3A_47 : memref<1x128x16xf32, #tpu.memory_space<hbm>> -> memref<128x16xf32, #tpu.memory_space<hbm>>
        %dma_start3A_49 = arith.constant 0 : i32
        %dma_start3A_50 = tpu.memref_slice %arg7[%add3A_45, %dma_start3A_49] : memref<10240x16xf32, #tpu.memory_space<vmem_shared>> -> memref<128x16xf32, #tpu.memory_space<vmem_shared>>
        tpu.enqueue_dma source(%dma_start3A_50 : memref<128x16xf32, #tpu.memory_space<vmem_shared>>) target(%dma_start3A_48 : memref<128x16xf32, #tpu.memory_space<hbm>>) target_semaphore(%run_scoped3A : memref<!tpu.dma_semaphore, #tpu.memory_space<semaphore_mem>>)
        %dma_wait3A = arith.constant 0 : i32
        %dma_wait3A_51 = tpu.memref_slice %arg3[%arg0, %add3A_45, %dma_wait3A] : memref<2x10240x16xf32, #tpu.memory_space<hbm>> -> memref<1x128x16xf32, #tpu.memory_space<hbm>>
        %dma_wait3A_52 = tpu.memref_squeeze %dma_wait3A_51 : memref<1x128x16xf32, #tpu.memory_space<hbm>> -> memref<128x16xf32, #tpu.memory_space<hbm>>
        %dma_wait3A_53 = arith.constant 0 : i32
        %dma_wait3A_54 = tpu.memref_slice %arg7[%add3A_45, %dma_wait3A_53] : memref<10240x16xf32, #tpu.memory_space<vmem_shared>> -> memref<128x16xf32, #tpu.memory_space<vmem_shared>>
        tpu.wait_dma2 semaphore(%run_scoped3A : memref<!tpu.dma_semaphore, #tpu.memory_space<semaphore_mem>>) src(%dma_wait3A_54 : memref<128x16xf32, #tpu.memory_space<vmem_shared>>) dst(%dma_wait3A_52 : memref<128x16xf32, #tpu.memory_space<hbm>>)
        tpu.yield
      }) : () -> ()
      %scan3A_46 = arith.constant 0 : i32
      scf.yield %scan3A_46 : i32
    }
    %scan3A_38 = arith.constant 5 : i32
    return
  }
}

#map = affine_map<(d0, d1) -> (0, 0, 0)>
module attributes {stable_mosaic.version = 14 : i64} {
  func.func @_agg128(%arg0: i32, %arg1: i32, %arg2: memref<2x10240x64xf32, #tpu.memory_space<hbm>>, %arg3: memref<16x157x128xi32, #tpu.memory_space<hbm>>, %arg4: memref<16x157x128xi32, #tpu.memory_space<hbm>>, %arg5: memref<2x10240x64xf32, #tpu.memory_space<hbm>>, %arg6: memref<128x64xf32, #tpu.memory_space<vmem>>, %arg7: memref<157x128xi32, #tpu.memory_space<vmem>>, %arg8: memref<157x128xi32, #tpu.memory_space<vmem>>, %arg9: memref<128x64xf32, #tpu.memory_space<vmem>>, %arg10: memref<128x64xf32, #tpu.memory_space<vmem>>, %arg11: memref<128x64xf32, #tpu.memory_space<vmem>>, %arg12: memref<128x64xf32, #tpu.memory_space<vmem>>, %arg13: memref<10240x64xf32, #tpu.memory_space<vmem_shared>>, %arg14: memref<!tpu.dma_semaphore, #tpu.memory_space<semaphore_mem>>, %arg15: memref<!tpu.dma_semaphore, #tpu.memory_space<semaphore_mem>>, %arg16: memref<!tpu.dma_semaphore, #tpu.memory_space<semaphore_mem>>, %arg17: memref<!tpu.dma_semaphore, #tpu.memory_space<semaphore_mem>>, %arg18: memref<!tpu.dma_semaphore, #tpu.memory_space<semaphore_mem>>, %arg19: memref<!tpu.dma_semaphore, #tpu.memory_space<semaphore_mem>>, %arg20: memref<!tpu.dma_semaphore, #tpu.memory_space<semaphore_mem>>, %arg21: memref<!tpu.dma_semaphore, #tpu.memory_space<semaphore_mem>>) attributes {dimension_semantics = [#tpu.dimension_semantics<core_parallel>, #tpu.dimension_semantics<subcore_parallel>], iteration_bounds = array<i64: 2, 16>, scalar_prefetch = 0 : i64, scratch_operands = 16 : i64, tpu.core_type = #tpu.core_type<sc_vector_subcore>, window_params = [{transform_indices = #map}, {transform_indices = #map}, {transform_indices = #map}, {transform_indices = #map}]} {
    %broadcast_in_dim3A = arith.constant 0.000000e+00 : f32
    %broadcast_in_dim3A_0 = vector.broadcast %broadcast_in_dim3A : f32 to vector<16xf32>
    %scan3A = arith.constant 0 : i32
    %scan3A_1 = arith.constant 0 : i32
    %scan3A_2 = arith.constant 128 : i32
    %scan3A_3 = arith.addi %scan3A_1, %scan3A_2 : i32
    %scan3A_4 = arith.constant 1 : i32
    %scan3A_5 = scf.for %scan3A_207 = %scan3A_1 to %scan3A_3 step %scan3A_4 iter_args(%scan3A_208 = %scan3A) -> (i32)  : i32 {
      %swap3A = arith.index_cast %scan3A_207 : i32 to index
      %swap3A_209 = arith.constant 0 : index
      %swap3A_210 = tpu.vector_load %arg6[%swap3A, %swap3A_209] {strides = array<i32>} : memref<128x64xf32, #tpu.memory_space<vmem>>, vector<1x16xf32>,
      %swap3A_211 = vector.shape_cast %swap3A_210 : vector<1x16xf32> to vector<16xf32>
      %swap3A_212 = vector.shape_cast %broadcast_in_dim3A_0 : vector<16xf32> to vector<1x16xf32>
      tpu.vector_store %arg6[%swap3A, %swap3A_209], %swap3A_212 {strides = array<i32>} : memref<128x64xf32, #tpu.memory_space<vmem>>, vector<1x16xf32>,
      %swap3A_213 = arith.index_cast %scan3A_207 : i32 to index
      %swap3A_214 = arith.constant 16 : index
      %swap3A_215 = tpu.vector_load %arg6[%swap3A_213, %swap3A_214] {strides = array<i32>} : memref<128x64xf32, #tpu.memory_space<vmem>>, vector<1x16xf32>,
      %swap3A_216 = vector.shape_cast %swap3A_215 : vector<1x16xf32> to vector<16xf32>
      %swap3A_217 = vector.shape_cast %broadcast_in_dim3A_0 : vector<16xf32> to vector<1x16xf32>
      tpu.vector_store %arg6[%swap3A_213, %swap3A_214], %swap3A_217 {strides = array<i32>} : memref<128x64xf32, #tpu.memory_space<vmem>>, vector<1x16xf32>,
      %swap3A_218 = arith.index_cast %scan3A_207 : i32 to index
      %swap3A_219 = arith.constant 32 : index
      %swap3A_220 = tpu.vector_load %arg6[%swap3A_218, %swap3A_219] {strides = array<i32>} : memref<128x64xf32, #tpu.memory_space<vmem>>, vector<1x16xf32>,
      %swap3A_221 = vector.shape_cast %swap3A_220 : vector<1x16xf32> to vector<16xf32>
      %swap3A_222 = vector.shape_cast %broadcast_in_dim3A_0 : vector<16xf32> to vector<1x16xf32>
      tpu.vector_store %arg6[%swap3A_218, %swap3A_219], %swap3A_222 {strides = array<i32>} : memref<128x64xf32, #tpu.memory_space<vmem>>, vector<1x16xf32>,
      %swap3A_223 = arith.index_cast %scan3A_207 : i32 to index
      %swap3A_224 = arith.constant 48 : index
      %swap3A_225 = tpu.vector_load %arg6[%swap3A_223, %swap3A_224] {strides = array<i32>} : memref<128x64xf32, #tpu.memory_space<vmem>>, vector<1x16xf32>,
      %swap3A_226 = vector.shape_cast %swap3A_225 : vector<1x16xf32> to vector<16xf32>
      %swap3A_227 = vector.shape_cast %broadcast_in_dim3A_0 : vector<16xf32> to vector<1x16xf32>
      tpu.vector_store %arg6[%swap3A_223, %swap3A_224], %swap3A_227 {strides = array<i32>} : memref<128x64xf32, #tpu.memory_space<vmem>>, vector<1x16xf32>,
      %scan3A_228 = arith.constant 0 : i32
      scf.yield %scan3A_228 : i32
    }
    %scan3A_6 = arith.constant 128 : i32
    %scan3A_7 = arith.constant 0 : i32
    %scan3A_8 = arith.constant 0 : i32
    %scan3A_9 = arith.constant 5 : i32
    %scan3A_10 = arith.addi %scan3A_8, %scan3A_9 : i32
    %scan3A_11 = arith.constant 1 : i32
    %scan3A_12 = scf.for %scan3A_207 = %scan3A_8 to %scan3A_10 step %scan3A_11 iter_args(%scan3A_208 = %scan3A_7) -> (i32)  : i32 {
      %mul3A = arith.constant 640 : i32
      %mul3A_209 = arith.muli %arg1, %mul3A : i32
      %mul3A_210 = arith.constant 128 : i32
      %mul3A_211 = arith.muli %scan3A_207, %mul3A_210 : i32
      %add3A = arith.addi %mul3A_209, %mul3A_211 : i32
      "tpu.region"() ({
        %run_scoped3A = tpu.sem_alloc : memref<!tpu.dma_semaphore, #tpu.memory_space<semaphore_mem>>
        %dma_start3A_213 = arith.constant 0 : i32
        %dma_start3A_214 = tpu.memref_slice %arg13[%add3A, %dma_start3A_213] : memref<10240x64xf32, #tpu.memory_space<vmem_shared>> -> memref<128x64xf32, #tpu.memory_space<vmem_shared>>
        %dma_start3A_215 = arith.constant 0 : i32
        %dma_start3A_216 = tpu.memref_slice %arg13[%add3A, %dma_start3A_215] : memref<10240x64xf32, #tpu.memory_space<vmem_shared>> -> memref<128x64xf32, #tpu.memory_space<vmem_shared>>
        tpu.enqueue_dma source(%arg6 : memref<128x64xf32, #tpu.memory_space<vmem>>) target(%dma_start3A_216 : memref<128x64xf32, #tpu.memory_space<vmem_shared>>) target_semaphore(%run_scoped3A : memref<!tpu.dma_semaphore, #tpu.memory_space<semaphore_mem>>)
        %dma_wait3A_217 = arith.constant 0 : i32
        %dma_wait3A_218 = tpu.memref_slice %arg13[%add3A, %dma_wait3A_217] : memref<10240x64xf32, #tpu.memory_space<vmem_shared>> -> memref<128x64xf32, #tpu.memory_space<vmem_shared>>
        %dma_wait3A_219 = arith.constant 0 : i32
        %dma_wait3A_220 = tpu.memref_slice %arg13[%add3A, %dma_wait3A_219] : memref<10240x64xf32, #tpu.memory_space<vmem_shared>> -> memref<128x64xf32, #tpu.memory_space<vmem_shared>>
        tpu.wait_dma2 semaphore(%run_scoped3A : memref<!tpu.dma_semaphore, #tpu.memory_space<semaphore_mem>>) src(%arg6 : memref<128x64xf32, #tpu.memory_space<vmem>>) dst(%dma_wait3A_220 : memref<128x64xf32, #tpu.memory_space<vmem_shared>>)
        tpu.yield
      }) : () -> ()
      %scan3A_212 = arith.constant 0 : i32
      scf.yield %scan3A_212 : i32
    }
    %scan3A_13 = arith.constant 5 : i32
    "tpu.region"() ({
      %run_scoped3A = tpu.sem_alloc : memref<!tpu.dma_semaphore, #tpu.memory_space<semaphore_mem>>
      %dma_start3A_207 = arith.constant 0 : i32
      %dma_start3A_208 = arith.constant 0 : i32
      %dma_start3A_209 = tpu.memref_slice %arg3[%arg1, %dma_start3A_207, %dma_start3A_208] : memref<16x157x128xi32, #tpu.memory_space<hbm>> -> memref<1x157x128xi32, #tpu.memory_space<hbm>>
      %dma_start3A_210 = tpu.memref_squeeze %dma_start3A_209 : memref<1x157x128xi32, #tpu.memory_space<hbm>> -> memref<157x128xi32, #tpu.memory_space<hbm>>
      %dma_start3A_211 = arith.constant 0 : i32
      %dma_start3A_212 = arith.constant 0 : i32
      %dma_start3A_213 = tpu.memref_slice %arg3[%arg1, %dma_start3A_211, %dma_start3A_212] : memref<16x157x128xi32, #tpu.memory_space<hbm>> -> memref<1x157x128xi32, #tpu.memory_space<hbm>>
      %dma_start3A_214 = tpu.memref_squeeze %dma_start3A_213 : memref<1x157x128xi32, #tpu.memory_space<hbm>> -> memref<157x128xi32, #tpu.memory_space<hbm>>
      tpu.enqueue_dma source(%dma_start3A_214 : memref<157x128xi32, #tpu.memory_space<hbm>>) target(%arg7 : memref<157x128xi32, #tpu.memory_space<vmem>>) target_semaphore(%run_scoped3A : memref<!tpu.dma_semaphore, #tpu.memory_space<semaphore_mem>>)
      %dma_wait3A_215 = arith.constant 0 : i32
      %dma_wait3A_216 = arith.constant 0 : i32
      %dma_wait3A_217 = tpu.memref_slice %arg3[%arg1, %dma_wait3A_215, %dma_wait3A_216] : memref<16x157x128xi32, #tpu.memory_space<hbm>> -> memref<1x157x128xi32, #tpu.memory_space<hbm>>
      %dma_wait3A_218 = tpu.memref_squeeze %dma_wait3A_217 : memref<1x157x128xi32, #tpu.memory_space<hbm>> -> memref<157x128xi32, #tpu.memory_space<hbm>>
      %dma_wait3A_219 = arith.constant 0 : i32
      %dma_wait3A_220 = arith.constant 0 : i32
      %dma_wait3A_221 = tpu.memref_slice %arg3[%arg1, %dma_wait3A_219, %dma_wait3A_220] : memref<16x157x128xi32, #tpu.memory_space<hbm>> -> memref<1x157x128xi32, #tpu.memory_space<hbm>>
      %dma_wait3A_222 = tpu.memref_squeeze %dma_wait3A_221 : memref<1x157x128xi32, #tpu.memory_space<hbm>> -> memref<157x128xi32, #tpu.memory_space<hbm>>
      tpu.wait_dma2 semaphore(%run_scoped3A : memref<!tpu.dma_semaphore, #tpu.memory_space<semaphore_mem>>) src(%dma_wait3A_222 : memref<157x128xi32, #tpu.memory_space<hbm>>) dst(%arg7 : memref<157x128xi32, #tpu.memory_space<vmem>>)
      tpu.yield
    }) : () -> ()
    "tpu.region"() ({
      %run_scoped3A = tpu.sem_alloc : memref<!tpu.dma_semaphore, #tpu.memory_space<semaphore_mem>>
      %dma_start3A_207 = arith.constant 0 : i32
      %dma_start3A_208 = arith.constant 0 : i32
      %dma_start3A_209 = tpu.memref_slice %arg4[%arg1, %dma_start3A_207, %dma_start3A_208] : memref<16x157x128xi32, #tpu.memory_space<hbm>> -> memref<1x157x128xi32, #tpu.memory_space<hbm>>
      %dma_start3A_210 = tpu.memref_squeeze %dma_start3A_209 : memref<1x157x128xi32, #tpu.memory_space<hbm>> -> memref<157x128xi32, #tpu.memory_space<hbm>>
      %dma_start3A_211 = arith.constant 0 : i32
      %dma_start3A_212 = arith.constant 0 : i32
      %dma_start3A_213 = tpu.memref_slice %arg4[%arg1, %dma_start3A_211, %dma_start3A_212] : memref<16x157x128xi32, #tpu.memory_space<hbm>> -> memref<1x157x128xi32, #tpu.memory_space<hbm>>
      %dma_start3A_214 = tpu.memref_squeeze %dma_start3A_213 : memref<1x157x128xi32, #tpu.memory_space<hbm>> -> memref<157x128xi32, #tpu.memory_space<hbm>>
      tpu.enqueue_dma source(%dma_start3A_214 : memref<157x128xi32, #tpu.memory_space<hbm>>) target(%arg8 : memref<157x128xi32, #tpu.memory_space<vmem>>) target_semaphore(%run_scoped3A : memref<!tpu.dma_semaphore, #tpu.memory_space<semaphore_mem>>)
      %dma_wait3A_215 = arith.constant 0 : i32
      %dma_wait3A_216 = arith.constant 0 : i32
      %dma_wait3A_217 = tpu.memref_slice %arg4[%arg1, %dma_wait3A_215, %dma_wait3A_216] : memref<16x157x128xi32, #tpu.memory_space<hbm>> -> memref<1x157x128xi32, #tpu.memory_space<hbm>>
      %dma_wait3A_218 = tpu.memref_squeeze %dma_wait3A_217 : memref<1x157x128xi32, #tpu.memory_space<hbm>> -> memref<157x128xi32, #tpu.memory_space<hbm>>
      %dma_wait3A_219 = arith.constant 0 : i32
      %dma_wait3A_220 = arith.constant 0 : i32
      %dma_wait3A_221 = tpu.memref_slice %arg4[%arg1, %dma_wait3A_219, %dma_wait3A_220] : memref<16x157x128xi32, #tpu.memory_space<hbm>> -> memref<1x157x128xi32, #tpu.memory_space<hbm>>
      %dma_wait3A_222 = tpu.memref_squeeze %dma_wait3A_221 : memref<1x157x128xi32, #tpu.memory_space<hbm>> -> memref<157x128xi32, #tpu.memory_space<hbm>>
      tpu.wait_dma2 semaphore(%run_scoped3A : memref<!tpu.dma_semaphore, #tpu.memory_space<semaphore_mem>>) src(%dma_wait3A_222 : memref<157x128xi32, #tpu.memory_space<hbm>>) dst(%arg8 : memref<157x128xi32, #tpu.memory_space<vmem>>)
      tpu.yield
    }) : () -> ()
    %barrier3A = arith.constant 0 : index
    tpu.barrier barrier_id(%barrier3A)
    %dma_start3A = arith.constant 0 : i32
    %dma_start3A_14 = arith.constant 0 : i32
    %dma_start3A_15 = tpu.memref_slice %arg7[%dma_start3A, %dma_start3A_14] : memref<157x128xi32, #tpu.memory_space<vmem>> -> memref<1x128xi32, #tpu.memory_space<vmem>>
    %dma_start3A_16 = tpu.memref_squeeze %dma_start3A_15 : memref<1x128xi32, #tpu.memory_space<vmem>> -> memref<128xi32, #tpu.memory_space<vmem>>
    %dma_start3A_17 = arith.constant 0 : i32
    %dma_start3A_18 = arith.constant 0 : i32
    %dma_start3A_19 = tpu.memref_slice %arg2[%arg0, %dma_start3A_17, %dma_start3A_18] : memref<2x10240x64xf32, #tpu.memory_space<hbm>> -> memref<1x10240x64xf32, #tpu.memory_space<hbm>>
    %dma_start3A_20 = tpu.memref_squeeze %dma_start3A_19 : memref<1x10240x64xf32, #tpu.memory_space<hbm>> -> memref<10240x64xf32, #tpu.memory_space<hbm>>
    %dma_start3A_21 = arith.constant 0 : i32
    %dma_start3A_22 = arith.constant 0 : i32
    %dma_start3A_23 = tpu.memref_slice %dma_start3A_20[%dma_start3A_21, %dma_start3A_22] : memref<10240x64xf32, #tpu.memory_space<hbm>> -> memref<10240x64xf32, #tpu.memory_space<hbm>>
    tpu.enqueue_indirect_dma source(%dma_start3A_23 : memref<10240x64xf32, #tpu.memory_space<hbm>>) target(%arg9 : memref<128x64xf32, #tpu.memory_space<vmem>>) offsets(%dma_start3A_16 : memref<128xi32, #tpu.memory_space<vmem>>) semaphore(%arg14 : memref<!tpu.dma_semaphore, #tpu.memory_space<semaphore_mem>>)
    %dma_start3A_24 = arith.constant 1 : i32
    %dma_start3A_25 = arith.constant 0 : i32
    %dma_start3A_26 = tpu.memref_slice %arg7[%dma_start3A_24, %dma_start3A_25] : memref<157x128xi32, #tpu.memory_space<vmem>> -> memref<1x128xi32, #tpu.memory_space<vmem>>
    %dma_start3A_27 = tpu.memref_squeeze %dma_start3A_26 : memref<1x128xi32, #tpu.memory_space<vmem>> -> memref<128xi32, #tpu.memory_space<vmem>>
    %dma_start3A_28 = arith.constant 0 : i32
    %dma_start3A_29 = arith.constant 0 : i32
    %dma_start3A_30 = tpu.memref_slice %arg2[%arg0, %dma_start3A_28, %dma_start3A_29] : memref<2x10240x64xf32, #tpu.memory_space<hbm>> -> memref<1x10240x64xf32, #tpu.memory_space<hbm>>
    %dma_start3A_31 = tpu.memref_squeeze %dma_start3A_30 : memref<1x10240x64xf32, #tpu.memory_space<hbm>> -> memref<10240x64xf32, #tpu.memory_space<hbm>>
    %dma_start3A_32 = arith.constant 0 : i32
    %dma_start3A_33 = arith.constant 0 : i32
    %dma_start3A_34 = tpu.memref_slice %dma_start3A_31[%dma_start3A_32, %dma_start3A_33] : memref<10240x64xf32, #tpu.memory_space<hbm>> -> memref<10240x64xf32, #tpu.memory_space<hbm>>
    tpu.enqueue_indirect_dma source(%dma_start3A_34 : memref<10240x64xf32, #tpu.memory_space<hbm>>) target(%arg10 : memref<128x64xf32, #tpu.memory_space<vmem>>) offsets(%dma_start3A_27 : memref<128xi32, #tpu.memory_space<vmem>>) semaphore(%arg15 : memref<!tpu.dma_semaphore, #tpu.memory_space<semaphore_mem>>)
    %dma_start3A_35 = arith.constant 2 : i32
    %dma_start3A_36 = arith.constant 0 : i32
    %dma_start3A_37 = tpu.memref_slice %arg7[%dma_start3A_35, %dma_start3A_36] : memref<157x128xi32, #tpu.memory_space<vmem>> -> memref<1x128xi32, #tpu.memory_space<vmem>>
    %dma_start3A_38 = tpu.memref_squeeze %dma_start3A_37 : memref<1x128xi32, #tpu.memory_space<vmem>> -> memref<128xi32, #tpu.memory_space<vmem>>
    %dma_start3A_39 = arith.constant 0 : i32
    %dma_start3A_40 = arith.constant 0 : i32
    %dma_start3A_41 = tpu.memref_slice %arg2[%arg0, %dma_start3A_39, %dma_start3A_40] : memref<2x10240x64xf32, #tpu.memory_space<hbm>> -> memref<1x10240x64xf32, #tpu.memory_space<hbm>>
    %dma_start3A_42 = tpu.memref_squeeze %dma_start3A_41 : memref<1x10240x64xf32, #tpu.memory_space<hbm>> -> memref<10240x64xf32, #tpu.memory_space<hbm>>
    %dma_start3A_43 = arith.constant 0 : i32
    %dma_start3A_44 = arith.constant 0 : i32
    %dma_start3A_45 = tpu.memref_slice %dma_start3A_42[%dma_start3A_43, %dma_start3A_44] : memref<10240x64xf32, #tpu.memory_space<hbm>> -> memref<10240x64xf32, #tpu.memory_space<hbm>>
    tpu.enqueue_indirect_dma source(%dma_start3A_45 : memref<10240x64xf32, #tpu.memory_space<hbm>>) target(%arg11 : memref<128x64xf32, #tpu.memory_space<vmem>>) offsets(%dma_start3A_38 : memref<128xi32, #tpu.memory_space<vmem>>) semaphore(%arg16 : memref<!tpu.dma_semaphore, #tpu.memory_space<semaphore_mem>>)
    %dma_start3A_46 = arith.constant 3 : i32
    %dma_start3A_47 = arith.constant 0 : i32
    %dma_start3A_48 = tpu.memref_slice %arg7[%dma_start3A_46, %dma_start3A_47] : memref<157x128xi32, #tpu.memory_space<vmem>> -> memref<1x128xi32, #tpu.memory_space<vmem>>
    %dma_start3A_49 = tpu.memref_squeeze %dma_start3A_48 : memref<1x128xi32, #tpu.memory_space<vmem>> -> memref<128xi32, #tpu.memory_space<vmem>>
    %dma_start3A_50 = arith.constant 0 : i32
    %dma_start3A_51 = arith.constant 0 : i32
    %dma_start3A_52 = tpu.memref_slice %arg2[%arg0, %dma_start3A_50, %dma_start3A_51] : memref<2x10240x64xf32, #tpu.memory_space<hbm>> -> memref<1x10240x64xf32, #tpu.memory_space<hbm>>
    %dma_start3A_53 = tpu.memref_squeeze %dma_start3A_52 : memref<1x10240x64xf32, #tpu.memory_space<hbm>> -> memref<10240x64xf32, #tpu.memory_space<hbm>>
    %dma_start3A_54 = arith.constant 0 : i32
    %dma_start3A_55 = arith.constant 0 : i32
    %dma_start3A_56 = tpu.memref_slice %dma_start3A_53[%dma_start3A_54, %dma_start3A_55] : memref<10240x64xf32, #tpu.memory_space<hbm>> -> memref<10240x64xf32, #tpu.memory_space<hbm>>
    tpu.enqueue_indirect_dma source(%dma_start3A_56 : memref<10240x64xf32, #tpu.memory_space<hbm>>) target(%arg12 : memref<128x64xf32, #tpu.memory_space<vmem>>) offsets(%dma_start3A_49 : memref<128xi32, #tpu.memory_space<vmem>>) semaphore(%arg17 : memref<!tpu.dma_semaphore, #tpu.memory_space<semaphore_mem>>)
    %scan3A_57 = arith.constant 0 : i32
    %scan3A_58 = arith.constant 0 : i32
    %scan3A_59 = arith.constant 38 : i32
    %scan3A_60 = arith.addi %scan3A_58, %scan3A_59 : i32
    %scan3A_61 = arith.constant 1 : i32
    %scan3A_62 = scf.for %scan3A_207 = %scan3A_58 to %scan3A_60 step %scan3A_61 iter_args(%scan3A_208 = %scan3A_57) -> (i32)  : i32 {
      %mul3A = arith.constant 4 : i32
      %mul3A_209 = arith.muli %scan3A_207, %mul3A : i32
      %add3A = arith.constant 0 : i32
      %add3A_210 = arith.addi %mul3A_209, %add3A : i32
      %dma_wait3A_211 = arith.constant 0 : i32
      %dma_wait3A_212 = tpu.memref_slice %arg7[%add3A_210, %dma_wait3A_211] : memref<157x128xi32, #tpu.memory_space<vmem>> -> memref<1x128xi32, #tpu.memory_space<vmem>>
      %dma_wait3A_213 = tpu.memref_squeeze %dma_wait3A_212 : memref<1x128xi32, #tpu.memory_space<vmem>> -> memref<128xi32, #tpu.memory_space<vmem>>
      %dma_wait3A_214 = arith.constant 0 : i32
      %dma_wait3A_215 = arith.constant 0 : i32
      %dma_wait3A_216 = tpu.memref_slice %arg2[%arg0, %dma_wait3A_214, %dma_wait3A_215] : memref<2x10240x64xf32, #tpu.memory_space<hbm>> -> memref<1x10240x64xf32, #tpu.memory_space<hbm>>
      %dma_wait3A_217 = tpu.memref_squeeze %dma_wait3A_216 : memref<1x10240x64xf32, #tpu.memory_space<hbm>> -> memref<10240x64xf32, #tpu.memory_space<hbm>>
      %dma_wait3A_218 = arith.constant 0 : i32
      %dma_wait3A_219 = arith.constant 0 : i32
      %dma_wait3A_220 = tpu.memref_slice %dma_wait3A_217[%dma_wait3A_218, %dma_wait3A_219] : memref<10240x64xf32, #tpu.memory_space<hbm>> -> memref<10240x64xf32, #tpu.memory_space<hbm>>
      tpu.wait_indirect_dma semaphore(%arg14 : memref<!tpu.dma_semaphore, #tpu.memory_space<semaphore_mem>>) src(%dma_wait3A_220 : memref<10240x64xf32, #tpu.memory_space<hbm>>) dst(%arg9 : memref<128x64xf32, #tpu.memory_space<vmem>>)
      %add3A_221 = arith.constant 0 : i32
      %add3A_222 = arith.addi %mul3A_209, %add3A_221 : i32
      %dma_start3A_223 = arith.constant 0 : i32
      %dma_start3A_224 = tpu.memref_slice %arg8[%add3A_222, %dma_start3A_223] : memref<157x128xi32, #tpu.memory_space<vmem>> -> memref<1x128xi32, #tpu.memory_space<vmem>>
      %dma_start3A_225 = tpu.memref_squeeze %dma_start3A_224 : memref<1x128xi32, #tpu.memory_space<vmem>> -> memref<128xi32, #tpu.memory_space<vmem>>
      %dma_start3A_226 = arith.constant 0 : i32
      %dma_start3A_227 = arith.constant 0 : i32
      %dma_start3A_228 = tpu.memref_slice %arg13[%dma_start3A_226, %dma_start3A_227] : memref<10240x64xf32, #tpu.memory_space<vmem_shared>> -> memref<10240x64xf32, #tpu.memory_space<vmem_shared>>
      tpu.enqueue_indirect_dma source(%arg9 : memref<128x64xf32, #tpu.memory_space<vmem>>) target(%dma_start3A_228 : memref<10240x64xf32, #tpu.memory_space<vmem_shared>>) offsets(%dma_start3A_225 : memref<128xi32, #tpu.memory_space<vmem>>) semaphore(%arg18 : memref<!tpu.dma_semaphore, #tpu.memory_space<semaphore_mem>>) {add = true}
      %add3A_229 = arith.constant 1 : i32
      %add3A_230 = arith.addi %mul3A_209, %add3A_229 : i32
      %dma_wait3A_231 = arith.constant 0 : i32
      %dma_wait3A_232 = tpu.memref_slice %arg7[%add3A_230, %dma_wait3A_231] : memref<157x128xi32, #tpu.memory_space<vmem>> -> memref<1x128xi32, #tpu.memory_space<vmem>>
      %dma_wait3A_233 = tpu.memref_squeeze %dma_wait3A_232 : memref<1x128xi32, #tpu.memory_space<vmem>> -> memref<128xi32, #tpu.memory_space<vmem>>
      %dma_wait3A_234 = arith.constant 0 : i32
      %dma_wait3A_235 = arith.constant 0 : i32
      %dma_wait3A_236 = tpu.memref_slice %arg2[%arg0, %dma_wait3A_234, %dma_wait3A_235] : memref<2x10240x64xf32, #tpu.memory_space<hbm>> -> memref<1x10240x64xf32, #tpu.memory_space<hbm>>
      %dma_wait3A_237 = tpu.memref_squeeze %dma_wait3A_236 : memref<1x10240x64xf32, #tpu.memory_space<hbm>> -> memref<10240x64xf32, #tpu.memory_space<hbm>>
      %dma_wait3A_238 = arith.constant 0 : i32
      %dma_wait3A_239 = arith.constant 0 : i32
      %dma_wait3A_240 = tpu.memref_slice %dma_wait3A_237[%dma_wait3A_238, %dma_wait3A_239] : memref<10240x64xf32, #tpu.memory_space<hbm>> -> memref<10240x64xf32, #tpu.memory_space<hbm>>
      tpu.wait_indirect_dma semaphore(%arg15 : memref<!tpu.dma_semaphore, #tpu.memory_space<semaphore_mem>>) src(%dma_wait3A_240 : memref<10240x64xf32, #tpu.memory_space<hbm>>) dst(%arg10 : memref<128x64xf32, #tpu.memory_space<vmem>>)
      %add3A_241 = arith.constant 1 : i32
      %add3A_242 = arith.addi %mul3A_209, %add3A_241 : i32
      %dma_start3A_243 = arith.constant 0 : i32
      %dma_start3A_244 = tpu.memref_slice %arg8[%add3A_242, %dma_start3A_243] : memref<157x128xi32, #tpu.memory_space<vmem>> -> memref<1x128xi32, #tpu.memory_space<vmem>>
      %dma_start3A_245 = tpu.memref_squeeze %dma_start3A_244 : memref<1x128xi32, #tpu.memory_space<vmem>> -> memref<128xi32, #tpu.memory_space<vmem>>
      %dma_start3A_246 = arith.constant 0 : i32
      %dma_start3A_247 = arith.constant 0 : i32
      %dma_start3A_248 = tpu.memref_slice %arg13[%dma_start3A_246, %dma_start3A_247] : memref<10240x64xf32, #tpu.memory_space<vmem_shared>> -> memref<10240x64xf32, #tpu.memory_space<vmem_shared>>
      tpu.enqueue_indirect_dma source(%arg10 : memref<128x64xf32, #tpu.memory_space<vmem>>) target(%dma_start3A_248 : memref<10240x64xf32, #tpu.memory_space<vmem_shared>>) offsets(%dma_start3A_245 : memref<128xi32, #tpu.memory_space<vmem>>) semaphore(%arg19 : memref<!tpu.dma_semaphore, #tpu.memory_space<semaphore_mem>>) {add = true}
      %add3A_249 = arith.constant 2 : i32
      %add3A_250 = arith.addi %mul3A_209, %add3A_249 : i32
      %dma_wait3A_251 = arith.constant 0 : i32
      %dma_wait3A_252 = tpu.memref_slice %arg7[%add3A_250, %dma_wait3A_251] : memref<157x128xi32, #tpu.memory_space<vmem>> -> memref<1x128xi32, #tpu.memory_space<vmem>>
      %dma_wait3A_253 = tpu.memref_squeeze %dma_wait3A_252 : memref<1x128xi32, #tpu.memory_space<vmem>> -> memref<128xi32, #tpu.memory_space<vmem>>
      %dma_wait3A_254 = arith.constant 0 : i32
      %dma_wait3A_255 = arith.constant 0 : i32
      %dma_wait3A_256 = tpu.memref_slice %arg2[%arg0, %dma_wait3A_254, %dma_wait3A_255] : memref<2x10240x64xf32, #tpu.memory_space<hbm>> -> memref<1x10240x64xf32, #tpu.memory_space<hbm>>
      %dma_wait3A_257 = tpu.memref_squeeze %dma_wait3A_256 : memref<1x10240x64xf32, #tpu.memory_space<hbm>> -> memref<10240x64xf32, #tpu.memory_space<hbm>>
      %dma_wait3A_258 = arith.constant 0 : i32
      %dma_wait3A_259 = arith.constant 0 : i32
      %dma_wait3A_260 = tpu.memref_slice %dma_wait3A_257[%dma_wait3A_258, %dma_wait3A_259] : memref<10240x64xf32, #tpu.memory_space<hbm>> -> memref<10240x64xf32, #tpu.memory_space<hbm>>
      tpu.wait_indirect_dma semaphore(%arg16 : memref<!tpu.dma_semaphore, #tpu.memory_space<semaphore_mem>>) src(%dma_wait3A_260 : memref<10240x64xf32, #tpu.memory_space<hbm>>) dst(%arg11 : memref<128x64xf32, #tpu.memory_space<vmem>>)
      %add3A_261 = arith.constant 2 : i32
      %add3A_262 = arith.addi %mul3A_209, %add3A_261 : i32
      %dma_start3A_263 = arith.constant 0 : i32
      %dma_start3A_264 = tpu.memref_slice %arg8[%add3A_262, %dma_start3A_263] : memref<157x128xi32, #tpu.memory_space<vmem>> -> memref<1x128xi32, #tpu.memory_space<vmem>>
      %dma_start3A_265 = tpu.memref_squeeze %dma_start3A_264 : memref<1x128xi32, #tpu.memory_space<vmem>> -> memref<128xi32, #tpu.memory_space<vmem>>
      %dma_start3A_266 = arith.constant 0 : i32
      %dma_start3A_267 = arith.constant 0 : i32
      %dma_start3A_268 = tpu.memref_slice %arg13[%dma_start3A_266, %dma_start3A_267] : memref<10240x64xf32, #tpu.memory_space<vmem_shared>> -> memref<10240x64xf32, #tpu.memory_space<vmem_shared>>
      tpu.enqueue_indirect_dma source(%arg11 : memref<128x64xf32, #tpu.memory_space<vmem>>) target(%dma_start3A_268 : memref<10240x64xf32, #tpu.memory_space<vmem_shared>>) offsets(%dma_start3A_265 : memref<128xi32, #tpu.memory_space<vmem>>) semaphore(%arg20 : memref<!tpu.dma_semaphore, #tpu.memory_space<semaphore_mem>>) {add = true}
      %add3A_269 = arith.constant 3 : i32
      %add3A_270 = arith.addi %mul3A_209, %add3A_269 : i32
      %dma_wait3A_271 = arith.constant 0 : i32
      %dma_wait3A_272 = tpu.memref_slice %arg7[%add3A_270, %dma_wait3A_271] : memref<157x128xi32, #tpu.memory_space<vmem>> -> memref<1x128xi32, #tpu.memory_space<vmem>>
      %dma_wait3A_273 = tpu.memref_squeeze %dma_wait3A_272 : memref<1x128xi32, #tpu.memory_space<vmem>> -> memref<128xi32, #tpu.memory_space<vmem>>
      %dma_wait3A_274 = arith.constant 0 : i32
      %dma_wait3A_275 = arith.constant 0 : i32
      %dma_wait3A_276 = tpu.memref_slice %arg2[%arg0, %dma_wait3A_274, %dma_wait3A_275] : memref<2x10240x64xf32, #tpu.memory_space<hbm>> -> memref<1x10240x64xf32, #tpu.memory_space<hbm>>
      %dma_wait3A_277 = tpu.memref_squeeze %dma_wait3A_276 : memref<1x10240x64xf32, #tpu.memory_space<hbm>> -> memref<10240x64xf32, #tpu.memory_space<hbm>>
      %dma_wait3A_278 = arith.constant 0 : i32
      %dma_wait3A_279 = arith.constant 0 : i32
      %dma_wait3A_280 = tpu.memref_slice %dma_wait3A_277[%dma_wait3A_278, %dma_wait3A_279] : memref<10240x64xf32, #tpu.memory_space<hbm>> -> memref<10240x64xf32, #tpu.memory_space<hbm>>
      tpu.wait_indirect_dma semaphore(%arg17 : memref<!tpu.dma_semaphore, #tpu.memory_space<semaphore_mem>>) src(%dma_wait3A_280 : memref<10240x64xf32, #tpu.memory_space<hbm>>) dst(%arg12 : memref<128x64xf32, #tpu.memory_space<vmem>>)
      %add3A_281 = arith.constant 3 : i32
      %add3A_282 = arith.addi %mul3A_209, %add3A_281 : i32
      %dma_start3A_283 = arith.constant 0 : i32
      %dma_start3A_284 = tpu.memref_slice %arg8[%add3A_282, %dma_start3A_283] : memref<157x128xi32, #tpu.memory_space<vmem>> -> memref<1x128xi32, #tpu.memory_space<vmem>>
      %dma_start3A_285 = tpu.memref_squeeze %dma_start3A_284 : memref<1x128xi32, #tpu.memory_space<vmem>> -> memref<128xi32, #tpu.memory_space<vmem>>
      %dma_start3A_286 = arith.constant 0 : i32
      %dma_start3A_287 = arith.constant 0 : i32
      %dma_start3A_288 = tpu.memref_slice %arg13[%dma_start3A_286, %dma_start3A_287] : memref<10240x64xf32, #tpu.memory_space<vmem_shared>> -> memref<10240x64xf32, #tpu.memory_space<vmem_shared>>
      tpu.enqueue_indirect_dma source(%arg12 : memref<128x64xf32, #tpu.memory_space<vmem>>) target(%dma_start3A_288 : memref<10240x64xf32, #tpu.memory_space<vmem_shared>>) offsets(%dma_start3A_285 : memref<128xi32, #tpu.memory_space<vmem>>) semaphore(%arg21 : memref<!tpu.dma_semaphore, #tpu.memory_space<semaphore_mem>>) {add = true}
      %add3A_289 = arith.constant 0 : i32
      %add3A_290 = arith.addi %mul3A_209, %add3A_289 : i32
      %dma_wait3A_291 = arith.constant 0 : i32
      %dma_wait3A_292 = tpu.memref_slice %arg8[%add3A_290, %dma_wait3A_291] : memref<157x128xi32, #tpu.memory_space<vmem>> -> memref<1x128xi32, #tpu.memory_space<vmem>>
      %dma_wait3A_293 = tpu.memref_squeeze %dma_wait3A_292 : memref<1x128xi32, #tpu.memory_space<vmem>> -> memref<128xi32, #tpu.memory_space<vmem>>
      %dma_wait3A_294 = arith.constant 0 : i32
      %dma_wait3A_295 = arith.constant 0 : i32
      %dma_wait3A_296 = tpu.memref_slice %arg13[%dma_wait3A_294, %dma_wait3A_295] : memref<10240x64xf32, #tpu.memory_space<vmem_shared>> -> memref<10240x64xf32, #tpu.memory_space<vmem_shared>>
      tpu.wait_indirect_dma semaphore(%arg18 : memref<!tpu.dma_semaphore, #tpu.memory_space<semaphore_mem>>) src(%arg9 : memref<128x64xf32, #tpu.memory_space<vmem>>) dst(%dma_wait3A_296 : memref<10240x64xf32, #tpu.memory_space<vmem_shared>>)
      %add3A_297 = arith.constant 4 : i32
      %add3A_298 = arith.addi %mul3A_209, %add3A_297 : i32
      %add3A_299 = arith.constant 0 : i32
      %add3A_300 = arith.addi %add3A_298, %add3A_299 : i32
      %dma_start3A_301 = arith.constant 0 : i32
      %dma_start3A_302 = tpu.memref_slice %arg7[%add3A_300, %dma_start3A_301] : memref<157x128xi32, #tpu.memory_space<vmem>> -> memref<1x128xi32, #tpu.memory_space<vmem>>
      %dma_start3A_303 = tpu.memref_squeeze %dma_start3A_302 : memref<1x128xi32, #tpu.memory_space<vmem>> -> memref<128xi32, #tpu.memory_space<vmem>>
      %dma_start3A_304 = arith.constant 0 : i32
      %dma_start3A_305 = arith.constant 0 : i32
      %dma_start3A_306 = tpu.memref_slice %arg2[%arg0, %dma_start3A_304, %dma_start3A_305] : memref<2x10240x64xf32, #tpu.memory_space<hbm>> -> memref<1x10240x64xf32, #tpu.memory_space<hbm>>
      %dma_start3A_307 = tpu.memref_squeeze %dma_start3A_306 : memref<1x10240x64xf32, #tpu.memory_space<hbm>> -> memref<10240x64xf32, #tpu.memory_space<hbm>>
      %dma_start3A_308 = arith.constant 0 : i32
      %dma_start3A_309 = arith.constant 0 : i32
      %dma_start3A_310 = tpu.memref_slice %dma_start3A_307[%dma_start3A_308, %dma_start3A_309] : memref<10240x64xf32, #tpu.memory_space<hbm>> -> memref<10240x64xf32, #tpu.memory_space<hbm>>
      tpu.enqueue_indirect_dma source(%dma_start3A_310 : memref<10240x64xf32, #tpu.memory_space<hbm>>) target(%arg9 : memref<128x64xf32, #tpu.memory_space<vmem>>) offsets(%dma_start3A_303 : memref<128xi32, #tpu.memory_space<vmem>>) semaphore(%arg14 : memref<!tpu.dma_semaphore, #tpu.memory_space<semaphore_mem>>)
      %add3A_311 = arith.constant 1 : i32
      %add3A_312 = arith.addi %mul3A_209, %add3A_311 : i32
      %dma_wait3A_313 = arith.constant 0 : i32
      %dma_wait3A_314 = tpu.memref_slice %arg8[%add3A_312, %dma_wait3A_313] : memref<157x128xi32, #tpu.memory_space<vmem>> -> memref<1x128xi32, #tpu.memory_space<vmem>>
      %dma_wait3A_315 = tpu.memref_squeeze %dma_wait3A_314 : memref<1x128xi32, #tpu.memory_space<vmem>> -> memref<128xi32, #tpu.memory_space<vmem>>
      %dma_wait3A_316 = arith.constant 0 : i32
      %dma_wait3A_317 = arith.constant 0 : i32
      %dma_wait3A_318 = tpu.memref_slice %arg13[%dma_wait3A_316, %dma_wait3A_317] : memref<10240x64xf32, #tpu.memory_space<vmem_shared>> -> memref<10240x64xf32, #tpu.memory_space<vmem_shared>>
      tpu.wait_indirect_dma semaphore(%arg19 : memref<!tpu.dma_semaphore, #tpu.memory_space<semaphore_mem>>) src(%arg10 : memref<128x64xf32, #tpu.memory_space<vmem>>) dst(%dma_wait3A_318 : memref<10240x64xf32, #tpu.memory_space<vmem_shared>>)
      %add3A_319 = arith.constant 4 : i32
      %add3A_320 = arith.addi %mul3A_209, %add3A_319 : i32
      %add3A_321 = arith.constant 1 : i32
      %add3A_322 = arith.addi %add3A_320, %add3A_321 : i32
      %dma_start3A_323 = arith.constant 0 : i32
      %dma_start3A_324 = tpu.memref_slice %arg7[%add3A_322, %dma_start3A_323] : memref<157x128xi32, #tpu.memory_space<vmem>> -> memref<1x128xi32, #tpu.memory_space<vmem>>
      %dma_start3A_325 = tpu.memref_squeeze %dma_start3A_324 : memref<1x128xi32, #tpu.memory_space<vmem>> -> memref<128xi32, #tpu.memory_space<vmem>>
      %dma_start3A_326 = arith.constant 0 : i32
      %dma_start3A_327 = arith.constant 0 : i32
      %dma_start3A_328 = tpu.memref_slice %arg2[%arg0, %dma_start3A_326, %dma_start3A_327] : memref<2x10240x64xf32, #tpu.memory_space<hbm>> -> memref<1x10240x64xf32, #tpu.memory_space<hbm>>
      %dma_start3A_329 = tpu.memref_squeeze %dma_start3A_328 : memref<1x10240x64xf32, #tpu.memory_space<hbm>> -> memref<10240x64xf32, #tpu.memory_space<hbm>>
      %dma_start3A_330 = arith.constant 0 : i32
      %dma_start3A_331 = arith.constant 0 : i32
      %dma_start3A_332 = tpu.memref_slice %dma_start3A_329[%dma_start3A_330, %dma_start3A_331] : memref<10240x64xf32, #tpu.memory_space<hbm>> -> memref<10240x64xf32, #tpu.memory_space<hbm>>
      tpu.enqueue_indirect_dma source(%dma_start3A_332 : memref<10240x64xf32, #tpu.memory_space<hbm>>) target(%arg10 : memref<128x64xf32, #tpu.memory_space<vmem>>) offsets(%dma_start3A_325 : memref<128xi32, #tpu.memory_space<vmem>>) semaphore(%arg15 : memref<!tpu.dma_semaphore, #tpu.memory_space<semaphore_mem>>)
      %add3A_333 = arith.constant 2 : i32
      %add3A_334 = arith.addi %mul3A_209, %add3A_333 : i32
      %dma_wait3A_335 = arith.constant 0 : i32
      %dma_wait3A_336 = tpu.memref_slice %arg8[%add3A_334, %dma_wait3A_335] : memref<157x128xi32, #tpu.memory_space<vmem>> -> memref<1x128xi32, #tpu.memory_space<vmem>>
      %dma_wait3A_337 = tpu.memref_squeeze %dma_wait3A_336 : memref<1x128xi32, #tpu.memory_space<vmem>> -> memref<128xi32, #tpu.memory_space<vmem>>
      %dma_wait3A_338 = arith.constant 0 : i32
      %dma_wait3A_339 = arith.constant 0 : i32
      %dma_wait3A_340 = tpu.memref_slice %arg13[%dma_wait3A_338, %dma_wait3A_339] : memref<10240x64xf32, #tpu.memory_space<vmem_shared>> -> memref<10240x64xf32, #tpu.memory_space<vmem_shared>>
      tpu.wait_indirect_dma semaphore(%arg20 : memref<!tpu.dma_semaphore, #tpu.memory_space<semaphore_mem>>) src(%arg11 : memref<128x64xf32, #tpu.memory_space<vmem>>) dst(%dma_wait3A_340 : memref<10240x64xf32, #tpu.memory_space<vmem_shared>>)
      %add3A_341 = arith.constant 4 : i32
      %add3A_342 = arith.addi %mul3A_209, %add3A_341 : i32
      %add3A_343 = arith.constant 2 : i32
      %add3A_344 = arith.addi %add3A_342, %add3A_343 : i32
      %dma_start3A_345 = arith.constant 0 : i32
      %dma_start3A_346 = tpu.memref_slice %arg7[%add3A_344, %dma_start3A_345] : memref<157x128xi32, #tpu.memory_space<vmem>> -> memref<1x128xi32, #tpu.memory_space<vmem>>
      %dma_start3A_347 = tpu.memref_squeeze %dma_start3A_346 : memref<1x128xi32, #tpu.memory_space<vmem>> -> memref<128xi32, #tpu.memory_space<vmem>>
      %dma_start3A_348 = arith.constant 0 : i32
      %dma_start3A_349 = arith.constant 0 : i32
      %dma_start3A_350 = tpu.memref_slice %arg2[%arg0, %dma_start3A_348, %dma_start3A_349] : memref<2x10240x64xf32, #tpu.memory_space<hbm>> -> memref<1x10240x64xf32, #tpu.memory_space<hbm>>
      %dma_start3A_351 = tpu.memref_squeeze %dma_start3A_350 : memref<1x10240x64xf32, #tpu.memory_space<hbm>> -> memref<10240x64xf32, #tpu.memory_space<hbm>>
      %dma_start3A_352 = arith.constant 0 : i32
      %dma_start3A_353 = arith.constant 0 : i32
      %dma_start3A_354 = tpu.memref_slice %dma_start3A_351[%dma_start3A_352, %dma_start3A_353] : memref<10240x64xf32, #tpu.memory_space<hbm>> -> memref<10240x64xf32, #tpu.memory_space<hbm>>
      tpu.enqueue_indirect_dma source(%dma_start3A_354 : memref<10240x64xf32, #tpu.memory_space<hbm>>) target(%arg11 : memref<128x64xf32, #tpu.memory_space<vmem>>) offsets(%dma_start3A_347 : memref<128xi32, #tpu.memory_space<vmem>>) semaphore(%arg16 : memref<!tpu.dma_semaphore, #tpu.memory_space<semaphore_mem>>)
      %add3A_355 = arith.constant 3 : i32
      %add3A_356 = arith.addi %mul3A_209, %add3A_355 : i32
      %dma_wait3A_357 = arith.constant 0 : i32
      %dma_wait3A_358 = tpu.memref_slice %arg8[%add3A_356, %dma_wait3A_357] : memref<157x128xi32, #tpu.memory_space<vmem>> -> memref<1x128xi32, #tpu.memory_space<vmem>>
      %dma_wait3A_359 = tpu.memref_squeeze %dma_wait3A_358 : memref<1x128xi32, #tpu.memory_space<vmem>> -> memref<128xi32, #tpu.memory_space<vmem>>
      %dma_wait3A_360 = arith.constant 0 : i32
      %dma_wait3A_361 = arith.constant 0 : i32
      %dma_wait3A_362 = tpu.memref_slice %arg13[%dma_wait3A_360, %dma_wait3A_361] : memref<10240x64xf32, #tpu.memory_space<vmem_shared>> -> memref<10240x64xf32, #tpu.memory_space<vmem_shared>>
      tpu.wait_indirect_dma semaphore(%arg21 : memref<!tpu.dma_semaphore, #tpu.memory_space<semaphore_mem>>) src(%arg12 : memref<128x64xf32, #tpu.memory_space<vmem>>) dst(%dma_wait3A_362 : memref<10240x64xf32, #tpu.memory_space<vmem_shared>>)
      %add3A_363 = arith.constant 4 : i32
      %add3A_364 = arith.addi %mul3A_209, %add3A_363 : i32
      %add3A_365 = arith.constant 3 : i32
      %add3A_366 = arith.addi %add3A_364, %add3A_365 : i32
      %dma_start3A_367 = arith.constant 0 : i32
      %dma_start3A_368 = tpu.memref_slice %arg7[%add3A_366, %dma_start3A_367] : memref<157x128xi32, #tpu.memory_space<vmem>> -> memref<1x128xi32, #tpu.memory_space<vmem>>
      %dma_start3A_369 = tpu.memref_squeeze %dma_start3A_368 : memref<1x128xi32, #tpu.memory_space<vmem>> -> memref<128xi32, #tpu.memory_space<vmem>>
      %dma_start3A_370 = arith.constant 0 : i32
      %dma_start3A_371 = arith.constant 0 : i32
      %dma_start3A_372 = tpu.memref_slice %arg2[%arg0, %dma_start3A_370, %dma_start3A_371] : memref<2x10240x64xf32, #tpu.memory_space<hbm>> -> memref<1x10240x64xf32, #tpu.memory_space<hbm>>
      %dma_start3A_373 = tpu.memref_squeeze %dma_start3A_372 : memref<1x10240x64xf32, #tpu.memory_space<hbm>> -> memref<10240x64xf32, #tpu.memory_space<hbm>>
      %dma_start3A_374 = arith.constant 0 : i32
      %dma_start3A_375 = arith.constant 0 : i32
      %dma_start3A_376 = tpu.memref_slice %dma_start3A_373[%dma_start3A_374, %dma_start3A_375] : memref<10240x64xf32, #tpu.memory_space<hbm>> -> memref<10240x64xf32, #tpu.memory_space<hbm>>
      tpu.enqueue_indirect_dma source(%dma_start3A_376 : memref<10240x64xf32, #tpu.memory_space<hbm>>) target(%arg12 : memref<128x64xf32, #tpu.memory_space<vmem>>) offsets(%dma_start3A_369 : memref<128xi32, #tpu.memory_space<vmem>>) semaphore(%arg17 : memref<!tpu.dma_semaphore, #tpu.memory_space<semaphore_mem>>)
      %scan3A_377 = arith.constant 0 : i32
      scf.yield %scan3A_377 : i32
    }
    %scan3A_63 = arith.constant 38 : i32
    %dma_wait3A = arith.constant 152 : i32
    %dma_wait3A_64 = arith.constant 0 : i32
    %dma_wait3A_65 = tpu.memref_slice %arg7[%dma_wait3A, %dma_wait3A_64] : memref<157x128xi32, #tpu.memory_space<vmem>> -> memref<1x128xi32, #tpu.memory_space<vmem>>
    %dma_wait3A_66 = tpu.memref_squeeze %dma_wait3A_65 : memref<1x128xi32, #tpu.memory_space<vmem>> -> memref<128xi32, #tpu.memory_space<vmem>>
    %dma_wait3A_67 = arith.constant 0 : i32
    %dma_wait3A_68 = arith.constant 0 : i32
    %dma_wait3A_69 = tpu.memref_slice %arg2[%arg0, %dma_wait3A_67, %dma_wait3A_68] : memref<2x10240x64xf32, #tpu.memory_space<hbm>> -> memref<1x10240x64xf32, #tpu.memory_space<hbm>>
    %dma_wait3A_70 = tpu.memref_squeeze %dma_wait3A_69 : memref<1x10240x64xf32, #tpu.memory_space<hbm>> -> memref<10240x64xf32, #tpu.memory_space<hbm>>
    %dma_wait3A_71 = arith.constant 0 : i32
    %dma_wait3A_72 = arith.constant 0 : i32
    %dma_wait3A_73 = tpu.memref_slice %dma_wait3A_70[%dma_wait3A_71, %dma_wait3A_72] : memref<10240x64xf32, #tpu.memory_space<hbm>> -> memref<10240x64xf32, #tpu.memory_space<hbm>>
    tpu.wait_indirect_dma semaphore(%arg14 : memref<!tpu.dma_semaphore, #tpu.memory_space<semaphore_mem>>) src(%dma_wait3A_73 : memref<10240x64xf32, #tpu.memory_space<hbm>>) dst(%arg9 : memref<128x64xf32, #tpu.memory_space<vmem>>)
    %dma_start3A_74 = arith.constant 152 : i32
    %dma_start3A_75 = arith.constant 0 : i32
    %dma_start3A_76 = tpu.memref_slice %arg8[%dma_start3A_74, %dma_start3A_75] : memref<157x128xi32, #tpu.memory_space<vmem>> -> memref<1x128xi32, #tpu.memory_space<vmem>>
    %dma_start3A_77 = tpu.memref_squeeze %dma_start3A_76 : memref<1x128xi32, #tpu.memory_space<vmem>> -> memref<128xi32, #tpu.memory_space<vmem>>
    %dma_start3A_78 = arith.constant 0 : i32
    %dma_start3A_79 = arith.constant 0 : i32
    %dma_start3A_80 = tpu.memref_slice %arg13[%dma_start3A_78, %dma_start3A_79] : memref<10240x64xf32, #tpu.memory_space<vmem_shared>> -> memref<10240x64xf32, #tpu.memory_space<vmem_shared>>
    tpu.enqueue_indirect_dma source(%arg9 : memref<128x64xf32, #tpu.memory_space<vmem>>) target(%dma_start3A_80 : memref<10240x64xf32, #tpu.memory_space<vmem_shared>>) offsets(%dma_start3A_77 : memref<128xi32, #tpu.memory_space<vmem>>) semaphore(%arg18 : memref<!tpu.dma_semaphore, #tpu.memory_space<semaphore_mem>>) {add = true}
    %dma_wait3A_81 = arith.constant 153 : i32
    %dma_wait3A_82 = arith.constant 0 : i32
    %dma_wait3A_83 = tpu.memref_slice %arg7[%dma_wait3A_81, %dma_wait3A_82] : memref<157x128xi32, #tpu.memory_space<vmem>> -> memref<1x128xi32, #tpu.memory_space<vmem>>
    %dma_wait3A_84 = tpu.memref_squeeze %dma_wait3A_83 : memref<1x128xi32, #tpu.memory_space<vmem>> -> memref<128xi32, #tpu.memory_space<vmem>>
    %dma_wait3A_85 = arith.constant 0 : i32
    %dma_wait3A_86 = arith.constant 0 : i32
    %dma_wait3A_87 = tpu.memref_slice %arg2[%arg0, %dma_wait3A_85, %dma_wait3A_86] : memref<2x10240x64xf32, #tpu.memory_space<hbm>> -> memref<1x10240x64xf32, #tpu.memory_space<hbm>>
    %dma_wait3A_88 = tpu.memref_squeeze %dma_wait3A_87 : memref<1x10240x64xf32, #tpu.memory_space<hbm>> -> memref<10240x64xf32, #tpu.memory_space<hbm>>
    %dma_wait3A_89 = arith.constant 0 : i32
    %dma_wait3A_90 = arith.constant 0 : i32
    %dma_wait3A_91 = tpu.memref_slice %dma_wait3A_88[%dma_wait3A_89, %dma_wait3A_90] : memref<10240x64xf32, #tpu.memory_space<hbm>> -> memref<10240x64xf32, #tpu.memory_space<hbm>>
    tpu.wait_indirect_dma semaphore(%arg15 : memref<!tpu.dma_semaphore, #tpu.memory_space<semaphore_mem>>) src(%dma_wait3A_91 : memref<10240x64xf32, #tpu.memory_space<hbm>>) dst(%arg10 : memref<128x64xf32, #tpu.memory_space<vmem>>)
    %dma_start3A_92 = arith.constant 153 : i32
    %dma_start3A_93 = arith.constant 0 : i32
    %dma_start3A_94 = tpu.memref_slice %arg8[%dma_start3A_92, %dma_start3A_93] : memref<157x128xi32, #tpu.memory_space<vmem>> -> memref<1x128xi32, #tpu.memory_space<vmem>>
    %dma_start3A_95 = tpu.memref_squeeze %dma_start3A_94 : memref<1x128xi32, #tpu.memory_space<vmem>> -> memref<128xi32, #tpu.memory_space<vmem>>
    %dma_start3A_96 = arith.constant 0 : i32
    %dma_start3A_97 = arith.constant 0 : i32
    %dma_start3A_98 = tpu.memref_slice %arg13[%dma_start3A_96, %dma_start3A_97] : memref<10240x64xf32, #tpu.memory_space<vmem_shared>> -> memref<10240x64xf32, #tpu.memory_space<vmem_shared>>
    tpu.enqueue_indirect_dma source(%arg10 : memref<128x64xf32, #tpu.memory_space<vmem>>) target(%dma_start3A_98 : memref<10240x64xf32, #tpu.memory_space<vmem_shared>>) offsets(%dma_start3A_95 : memref<128xi32, #tpu.memory_space<vmem>>) semaphore(%arg19 : memref<!tpu.dma_semaphore, #tpu.memory_space<semaphore_mem>>) {add = true}
    %dma_wait3A_99 = arith.constant 154 : i32
    %dma_wait3A_100 = arith.constant 0 : i32
    %dma_wait3A_101 = tpu.memref_slice %arg7[%dma_wait3A_99, %dma_wait3A_100] : memref<157x128xi32, #tpu.memory_space<vmem>> -> memref<1x128xi32, #tpu.memory_space<vmem>>
    %dma_wait3A_102 = tpu.memref_squeeze %dma_wait3A_101 : memref<1x128xi32, #tpu.memory_space<vmem>> -> memref<128xi32, #tpu.memory_space<vmem>>
    %dma_wait3A_103 = arith.constant 0 : i32
    %dma_wait3A_104 = arith.constant 0 : i32
    %dma_wait3A_105 = tpu.memref_slice %arg2[%arg0, %dma_wait3A_103, %dma_wait3A_104] : memref<2x10240x64xf32, #tpu.memory_space<hbm>> -> memref<1x10240x64xf32, #tpu.memory_space<hbm>>
    %dma_wait3A_106 = tpu.memref_squeeze %dma_wait3A_105 : memref<1x10240x64xf32, #tpu.memory_space<hbm>> -> memref<10240x64xf32, #tpu.memory_space<hbm>>
    %dma_wait3A_107 = arith.constant 0 : i32
    %dma_wait3A_108 = arith.constant 0 : i32
    %dma_wait3A_109 = tpu.memref_slice %dma_wait3A_106[%dma_wait3A_107, %dma_wait3A_108] : memref<10240x64xf32, #tpu.memory_space<hbm>> -> memref<10240x64xf32, #tpu.memory_space<hbm>>
    tpu.wait_indirect_dma semaphore(%arg16 : memref<!tpu.dma_semaphore, #tpu.memory_space<semaphore_mem>>) src(%dma_wait3A_109 : memref<10240x64xf32, #tpu.memory_space<hbm>>) dst(%arg11 : memref<128x64xf32, #tpu.memory_space<vmem>>)
    %dma_start3A_110 = arith.constant 154 : i32
    %dma_start3A_111 = arith.constant 0 : i32
    %dma_start3A_112 = tpu.memref_slice %arg8[%dma_start3A_110, %dma_start3A_111] : memref<157x128xi32, #tpu.memory_space<vmem>> -> memref<1x128xi32, #tpu.memory_space<vmem>>
    %dma_start3A_113 = tpu.memref_squeeze %dma_start3A_112 : memref<1x128xi32, #tpu.memory_space<vmem>> -> memref<128xi32, #tpu.memory_space<vmem>>
    %dma_start3A_114 = arith.constant 0 : i32
    %dma_start3A_115 = arith.constant 0 : i32
    %dma_start3A_116 = tpu.memref_slice %arg13[%dma_start3A_114, %dma_start3A_115] : memref<10240x64xf32, #tpu.memory_space<vmem_shared>> -> memref<10240x64xf32, #tpu.memory_space<vmem_shared>>
    tpu.enqueue_indirect_dma source(%arg11 : memref<128x64xf32, #tpu.memory_space<vmem>>) target(%dma_start3A_116 : memref<10240x64xf32, #tpu.memory_space<vmem_shared>>) offsets(%dma_start3A_113 : memref<128xi32, #tpu.memory_space<vmem>>) semaphore(%arg20 : memref<!tpu.dma_semaphore, #tpu.memory_space<semaphore_mem>>) {add = true}
    %dma_wait3A_117 = arith.constant 155 : i32
    %dma_wait3A_118 = arith.constant 0 : i32
    %dma_wait3A_119 = tpu.memref_slice %arg7[%dma_wait3A_117, %dma_wait3A_118] : memref<157x128xi32, #tpu.memory_space<vmem>> -> memref<1x128xi32, #tpu.memory_space<vmem>>
    %dma_wait3A_120 = tpu.memref_squeeze %dma_wait3A_119 : memref<1x128xi32, #tpu.memory_space<vmem>> -> memref<128xi32, #tpu.memory_space<vmem>>
    %dma_wait3A_121 = arith.constant 0 : i32
    %dma_wait3A_122 = arith.constant 0 : i32
    %dma_wait3A_123 = tpu.memref_slice %arg2[%arg0, %dma_wait3A_121, %dma_wait3A_122] : memref<2x10240x64xf32, #tpu.memory_space<hbm>> -> memref<1x10240x64xf32, #tpu.memory_space<hbm>>
    %dma_wait3A_124 = tpu.memref_squeeze %dma_wait3A_123 : memref<1x10240x64xf32, #tpu.memory_space<hbm>> -> memref<10240x64xf32, #tpu.memory_space<hbm>>
    %dma_wait3A_125 = arith.constant 0 : i32
    %dma_wait3A_126 = arith.constant 0 : i32
    %dma_wait3A_127 = tpu.memref_slice %dma_wait3A_124[%dma_wait3A_125, %dma_wait3A_126] : memref<10240x64xf32, #tpu.memory_space<hbm>> -> memref<10240x64xf32, #tpu.memory_space<hbm>>
    tpu.wait_indirect_dma semaphore(%arg17 : memref<!tpu.dma_semaphore, #tpu.memory_space<semaphore_mem>>) src(%dma_wait3A_127 : memref<10240x64xf32, #tpu.memory_space<hbm>>) dst(%arg12 : memref<128x64xf32, #tpu.memory_space<vmem>>)
    %dma_start3A_128 = arith.constant 155 : i32
    %dma_start3A_129 = arith.constant 0 : i32
    %dma_start3A_130 = tpu.memref_slice %arg8[%dma_start3A_128, %dma_start3A_129] : memref<157x128xi32, #tpu.memory_space<vmem>> -> memref<1x128xi32, #tpu.memory_space<vmem>>
    %dma_start3A_131 = tpu.memref_squeeze %dma_start3A_130 : memref<1x128xi32, #tpu.memory_space<vmem>> -> memref<128xi32, #tpu.memory_space<vmem>>
    %dma_start3A_132 = arith.constant 0 : i32
    %dma_start3A_133 = arith.constant 0 : i32
    %dma_start3A_134 = tpu.memref_slice %arg13[%dma_start3A_132, %dma_start3A_133] : memref<10240x64xf32, #tpu.memory_space<vmem_shared>> -> memref<10240x64xf32, #tpu.memory_space<vmem_shared>>
    tpu.enqueue_indirect_dma source(%arg12 : memref<128x64xf32, #tpu.memory_space<vmem>>) target(%dma_start3A_134 : memref<10240x64xf32, #tpu.memory_space<vmem_shared>>) offsets(%dma_start3A_131 : memref<128xi32, #tpu.memory_space<vmem>>) semaphore(%arg21 : memref<!tpu.dma_semaphore, #tpu.memory_space<semaphore_mem>>) {add = true}
    %dma_wait3A_135 = arith.constant 152 : i32
    %dma_wait3A_136 = arith.constant 0 : i32
    %dma_wait3A_137 = tpu.memref_slice %arg8[%dma_wait3A_135, %dma_wait3A_136] : memref<157x128xi32, #tpu.memory_space<vmem>> -> memref<1x128xi32, #tpu.memory_space<vmem>>
    %dma_wait3A_138 = tpu.memref_squeeze %dma_wait3A_137 : memref<1x128xi32, #tpu.memory_space<vmem>> -> memref<128xi32, #tpu.memory_space<vmem>>
    %dma_wait3A_139 = arith.constant 0 : i32
    %dma_wait3A_140 = arith.constant 0 : i32
    %dma_wait3A_141 = tpu.memref_slice %arg13[%dma_wait3A_139, %dma_wait3A_140] : memref<10240x64xf32, #tpu.memory_space<vmem_shared>> -> memref<10240x64xf32, #tpu.memory_space<vmem_shared>>
    tpu.wait_indirect_dma semaphore(%arg18 : memref<!tpu.dma_semaphore, #tpu.memory_space<semaphore_mem>>) src(%arg9 : memref<128x64xf32, #tpu.memory_space<vmem>>) dst(%dma_wait3A_141 : memref<10240x64xf32, #tpu.memory_space<vmem_shared>>)
    %dma_wait3A_142 = arith.constant 153 : i32
    %dma_wait3A_143 = arith.constant 0 : i32
    %dma_wait3A_144 = tpu.memref_slice %arg8[%dma_wait3A_142, %dma_wait3A_143] : memref<157x128xi32, #tpu.memory_space<vmem>> -> memref<1x128xi32, #tpu.memory_space<vmem>>
    %dma_wait3A_145 = tpu.memref_squeeze %dma_wait3A_144 : memref<1x128xi32, #tpu.memory_space<vmem>> -> memref<128xi32, #tpu.memory_space<vmem>>
    %dma_wait3A_146 = arith.constant 0 : i32
    %dma_wait3A_147 = arith.constant 0 : i32
    %dma_wait3A_148 = tpu.memref_slice %arg13[%dma_wait3A_146, %dma_wait3A_147] : memref<10240x64xf32, #tpu.memory_space<vmem_shared>> -> memref<10240x64xf32, #tpu.memory_space<vmem_shared>>
    tpu.wait_indirect_dma semaphore(%arg19 : memref<!tpu.dma_semaphore, #tpu.memory_space<semaphore_mem>>) src(%arg10 : memref<128x64xf32, #tpu.memory_space<vmem>>) dst(%dma_wait3A_148 : memref<10240x64xf32, #tpu.memory_space<vmem_shared>>)
    %dma_wait3A_149 = arith.constant 154 : i32
    %dma_wait3A_150 = arith.constant 0 : i32
    %dma_wait3A_151 = tpu.memref_slice %arg8[%dma_wait3A_149, %dma_wait3A_150] : memref<157x128xi32, #tpu.memory_space<vmem>> -> memref<1x128xi32, #tpu.memory_space<vmem>>
    %dma_wait3A_152 = tpu.memref_squeeze %dma_wait3A_151 : memref<1x128xi32, #tpu.memory_space<vmem>> -> memref<128xi32, #tpu.memory_space<vmem>>
    %dma_wait3A_153 = arith.constant 0 : i32
    %dma_wait3A_154 = arith.constant 0 : i32
    %dma_wait3A_155 = tpu.memref_slice %arg13[%dma_wait3A_153, %dma_wait3A_154] : memref<10240x64xf32, #tpu.memory_space<vmem_shared>> -> memref<10240x64xf32, #tpu.memory_space<vmem_shared>>
    tpu.wait_indirect_dma semaphore(%arg20 : memref<!tpu.dma_semaphore, #tpu.memory_space<semaphore_mem>>) src(%arg11 : memref<128x64xf32, #tpu.memory_space<vmem>>) dst(%dma_wait3A_155 : memref<10240x64xf32, #tpu.memory_space<vmem_shared>>)
    %dma_wait3A_156 = arith.constant 155 : i32
    %dma_wait3A_157 = arith.constant 0 : i32
    %dma_wait3A_158 = tpu.memref_slice %arg8[%dma_wait3A_156, %dma_wait3A_157] : memref<157x128xi32, #tpu.memory_space<vmem>> -> memref<1x128xi32, #tpu.memory_space<vmem>>
    %dma_wait3A_159 = tpu.memref_squeeze %dma_wait3A_158 : memref<1x128xi32, #tpu.memory_space<vmem>> -> memref<128xi32, #tpu.memory_space<vmem>>
    %dma_wait3A_160 = arith.constant 0 : i32
    %dma_wait3A_161 = arith.constant 0 : i32
    %dma_wait3A_162 = tpu.memref_slice %arg13[%dma_wait3A_160, %dma_wait3A_161] : memref<10240x64xf32, #tpu.memory_space<vmem_shared>> -> memref<10240x64xf32, #tpu.memory_space<vmem_shared>>
    tpu.wait_indirect_dma semaphore(%arg21 : memref<!tpu.dma_semaphore, #tpu.memory_space<semaphore_mem>>) src(%arg12 : memref<128x64xf32, #tpu.memory_space<vmem>>) dst(%dma_wait3A_162 : memref<10240x64xf32, #tpu.memory_space<vmem_shared>>)
    %dma_start3A_163 = arith.constant 156 : i32
    %dma_start3A_164 = arith.constant 0 : i32
    %dma_start3A_165 = tpu.memref_slice %arg7[%dma_start3A_163, %dma_start3A_164] : memref<157x128xi32, #tpu.memory_space<vmem>> -> memref<1x128xi32, #tpu.memory_space<vmem>>
    %dma_start3A_166 = tpu.memref_squeeze %dma_start3A_165 : memref<1x128xi32, #tpu.memory_space<vmem>> -> memref<128xi32, #tpu.memory_space<vmem>>
    %dma_start3A_167 = arith.constant 0 : i32
    %dma_start3A_168 = arith.constant 0 : i32
    %dma_start3A_169 = tpu.memref_slice %arg2[%arg0, %dma_start3A_167, %dma_start3A_168] : memref<2x10240x64xf32, #tpu.memory_space<hbm>> -> memref<1x10240x64xf32, #tpu.memory_space<hbm>>
    %dma_start3A_170 = tpu.memref_squeeze %dma_start3A_169 : memref<1x10240x64xf32, #tpu.memory_space<hbm>> -> memref<10240x64xf32, #tpu.memory_space<hbm>>
    %dma_start3A_171 = arith.constant 0 : i32
    %dma_start3A_172 = arith.constant 0 : i32
    %dma_start3A_173 = tpu.memref_slice %dma_start3A_170[%dma_start3A_171, %dma_start3A_172] : memref<10240x64xf32, #tpu.memory_space<hbm>> -> memref<10240x64xf32, #tpu.memory_space<hbm>>
    tpu.enqueue_indirect_dma source(%dma_start3A_173 : memref<10240x64xf32, #tpu.memory_space<hbm>>) target(%arg9 : memref<128x64xf32, #tpu.memory_space<vmem>>) offsets(%dma_start3A_166 : memref<128xi32, #tpu.memory_space<vmem>>) semaphore(%arg14 : memref<!tpu.dma_semaphore, #tpu.memory_space<semaphore_mem>>)
    %dma_wait3A_174 = arith.constant 156 : i32
    %dma_wait3A_175 = arith.constant 0 : i32
    %dma_wait3A_176 = tpu.memref_slice %arg7[%dma_wait3A_174, %dma_wait3A_175] : memref<157x128xi32, #tpu.memory_space<vmem>> -> memref<1x128xi32, #tpu.memory_space<vmem>>
    %dma_wait3A_177 = tpu.memref_squeeze %dma_wait3A_176 : memref<1x128xi32, #tpu.memory_space<vmem>> -> memref<128xi32, #tpu.memory_space<vmem>>
    %dma_wait3A_178 = arith.constant 0 : i32
    %dma_wait3A_179 = arith.constant 0 : i32
    %dma_wait3A_180 = tpu.memref_slice %arg2[%arg0, %dma_wait3A_178, %dma_wait3A_179] : memref<2x10240x64xf32, #tpu.memory_space<hbm>> -> memref<1x10240x64xf32, #tpu.memory_space<hbm>>
    %dma_wait3A_181 = tpu.memref_squeeze %dma_wait3A_180 : memref<1x10240x64xf32, #tpu.memory_space<hbm>> -> memref<10240x64xf32, #tpu.memory_space<hbm>>
    %dma_wait3A_182 = arith.constant 0 : i32
    %dma_wait3A_183 = arith.constant 0 : i32
    %dma_wait3A_184 = tpu.memref_slice %dma_wait3A_181[%dma_wait3A_182, %dma_wait3A_183] : memref<10240x64xf32, #tpu.memory_space<hbm>> -> memref<10240x64xf32, #tpu.memory_space<hbm>>
    tpu.wait_indirect_dma semaphore(%arg14 : memref<!tpu.dma_semaphore, #tpu.memory_space<semaphore_mem>>) src(%dma_wait3A_184 : memref<10240x64xf32, #tpu.memory_space<hbm>>) dst(%arg9 : memref<128x64xf32, #tpu.memory_space<vmem>>)
    %dma_start3A_185 = arith.constant 156 : i32
    %dma_start3A_186 = arith.constant 0 : i32
    %dma_start3A_187 = tpu.memref_slice %arg8[%dma_start3A_185, %dma_start3A_186] : memref<157x128xi32, #tpu.memory_space<vmem>> -> memref<1x128xi32, #tpu.memory_space<vmem>>
    %dma_start3A_188 = tpu.memref_squeeze %dma_start3A_187 : memref<1x128xi32, #tpu.memory_space<vmem>> -> memref<128xi32, #tpu.memory_space<vmem>>
    %dma_start3A_189 = arith.constant 0 : i32
    %dma_start3A_190 = arith.constant 0 : i32
    %dma_start3A_191 = tpu.memref_slice %arg13[%dma_start3A_189, %dma_start3A_190] : memref<10240x64xf32, #tpu.memory_space<vmem_shared>> -> memref<10240x64xf32, #tpu.memory_space<vmem_shared>>
    tpu.enqueue_indirect_dma source(%arg9 : memref<128x64xf32, #tpu.memory_space<vmem>>) target(%dma_start3A_191 : memref<10240x64xf32, #tpu.memory_space<vmem_shared>>) offsets(%dma_start3A_188 : memref<128xi32, #tpu.memory_space<vmem>>) semaphore(%arg18 : memref<!tpu.dma_semaphore, #tpu.memory_space<semaphore_mem>>) {add = true}
    %dma_wait3A_192 = arith.constant 156 : i32
    %dma_wait3A_193 = arith.constant 0 : i32
    %dma_wait3A_194 = tpu.memref_slice %arg8[%dma_wait3A_192, %dma_wait3A_193] : memref<157x128xi32, #tpu.memory_space<vmem>> -> memref<1x128xi32, #tpu.memory_space<vmem>>
    %dma_wait3A_195 = tpu.memref_squeeze %dma_wait3A_194 : memref<1x128xi32, #tpu.memory_space<vmem>> -> memref<128xi32, #tpu.memory_space<vmem>>
    %dma_wait3A_196 = arith.constant 0 : i32
    %dma_wait3A_197 = arith.constant 0 : i32
    %dma_wait3A_198 = tpu.memref_slice %arg13[%dma_wait3A_196, %dma_wait3A_197] : memref<10240x64xf32, #tpu.memory_space<vmem_shared>> -> memref<10240x64xf32, #tpu.memory_space<vmem_shared>>
    tpu.wait_indirect_dma semaphore(%arg18 : memref<!tpu.dma_semaphore, #tpu.memory_space<semaphore_mem>>) src(%arg9 : memref<128x64xf32, #tpu.memory_space<vmem>>) dst(%dma_wait3A_198 : memref<10240x64xf32, #tpu.memory_space<vmem_shared>>)
    %barrier3A_199 = arith.constant 0 : index
    tpu.barrier barrier_id(%barrier3A_199)
    %scan3A_200 = arith.constant 0 : i32
    %scan3A_201 = arith.constant 0 : i32
    %scan3A_202 = arith.constant 5 : i32
    %scan3A_203 = arith.addi %scan3A_201, %scan3A_202 : i32
    %scan3A_204 = arith.constant 1 : i32
    %scan3A_205 = scf.for %scan3A_207 = %scan3A_201 to %scan3A_203 step %scan3A_204 iter_args(%scan3A_208 = %scan3A_200) -> (i32)  : i32 {
      %mul3A = arith.constant 640 : i32
      %mul3A_209 = arith.muli %arg1, %mul3A : i32
      %mul3A_210 = arith.constant 128 : i32
      %mul3A_211 = arith.muli %scan3A_207, %mul3A_210 : i32
      %add3A = arith.addi %mul3A_209, %mul3A_211 : i32
      "tpu.region"() ({
        %run_scoped3A = tpu.sem_alloc : memref<!tpu.dma_semaphore, #tpu.memory_space<semaphore_mem>>
        %dma_start3A_213 = arith.constant 0 : i32
        %dma_start3A_214 = tpu.memref_slice %arg5[%arg0, %add3A, %dma_start3A_213] : memref<2x10240x64xf32, #tpu.memory_space<hbm>> -> memref<1x128x64xf32, #tpu.memory_space<hbm>>
        %dma_start3A_215 = tpu.memref_squeeze %dma_start3A_214 : memref<1x128x64xf32, #tpu.memory_space<hbm>> -> memref<128x64xf32, #tpu.memory_space<hbm>>
        %dma_start3A_216 = arith.constant 0 : i32
        %dma_start3A_217 = tpu.memref_slice %arg13[%add3A, %dma_start3A_216] : memref<10240x64xf32, #tpu.memory_space<vmem_shared>> -> memref<128x64xf32, #tpu.memory_space<vmem_shared>>
        tpu.enqueue_dma source(%dma_start3A_217 : memref<128x64xf32, #tpu.memory_space<vmem_shared>>) target(%dma_start3A_215 : memref<128x64xf32, #tpu.memory_space<hbm>>) target_semaphore(%run_scoped3A : memref<!tpu.dma_semaphore, #tpu.memory_space<semaphore_mem>>)
        %dma_wait3A_218 = arith.constant 0 : i32
        %dma_wait3A_219 = tpu.memref_slice %arg5[%arg0, %add3A, %dma_wait3A_218] : memref<2x10240x64xf32, #tpu.memory_space<hbm>> -> memref<1x128x64xf32, #tpu.memory_space<hbm>>
        %dma_wait3A_220 = tpu.memref_squeeze %dma_wait3A_219 : memref<1x128x64xf32, #tpu.memory_space<hbm>> -> memref<128x64xf32, #tpu.memory_space<hbm>>
        %dma_wait3A_221 = arith.constant 0 : i32
        %dma_wait3A_222 = tpu.memref_slice %arg13[%add3A, %dma_wait3A_221] : memref<10240x64xf32, #tpu.memory_space<vmem_shared>> -> memref<128x64xf32, #tpu.memory_space<vmem_shared>>
        tpu.wait_dma2 semaphore(%run_scoped3A : memref<!tpu.dma_semaphore, #tpu.memory_space<semaphore_mem>>) src(%dma_wait3A_222 : memref<128x64xf32, #tpu.memory_space<vmem_shared>>) dst(%dma_wait3A_220 : memref<128x64xf32, #tpu.memory_space<hbm>>)
        tpu.yield
      }) : () -> ()
      %scan3A_212 = arith.constant 0 : i32
      scf.yield %scan3A_212 : i32
    }
    %scan3A_206 = arith.constant 5 : i32
    return
  }
}

#map = affine_map<(d0, d1) -> (0, 0)>
#map1 = affine_map<(d0, d1) -> (0, 0, 0)>
module attributes {stable_mosaic.version = 14 : i64} {
  func.func @_agg16(%arg0: i32, %arg1: i32, %arg2: memref<10240x16xf32, #tpu.memory_space<hbm>>, %arg3: memref<32x79x128xi32, #tpu.memory_space<hbm>>, %arg4: memref<32x79x128xi32, #tpu.memory_space<hbm>>, %arg5: memref<2x10240x16xf32, #tpu.memory_space<hbm>>, %arg6: memref<128x16xf32, #tpu.memory_space<vmem>>, %arg7: memref<79x128xi32, #tpu.memory_space<vmem>>, %arg8: memref<79x128xi32, #tpu.memory_space<vmem>>, %arg9: memref<128x16xf32, #tpu.memory_space<vmem>>, %arg10: memref<128x16xf32, #tpu.memory_space<vmem>>, %arg11: memref<128x16xf32, #tpu.memory_space<vmem>>, %arg12: memref<128x16xf32, #tpu.memory_space<vmem>>, %arg13: memref<!tpu.dma_semaphore, #tpu.memory_space<semaphore_mem>>, %arg14: memref<!tpu.dma_semaphore, #tpu.memory_space<semaphore_mem>>, %arg15: memref<!tpu.dma_semaphore, #tpu.memory_space<semaphore_mem>>, %arg16: memref<!tpu.dma_semaphore, #tpu.memory_space<semaphore_mem>>, %arg17: memref<!tpu.dma_semaphore, #tpu.memory_space<semaphore_mem>>, %arg18: memref<!tpu.dma_semaphore, #tpu.memory_space<semaphore_mem>>, %arg19: memref<!tpu.dma_semaphore, #tpu.memory_space<semaphore_mem>>, %arg20: memref<!tpu.dma_semaphore, #tpu.memory_space<semaphore_mem>>, %arg21: memref<10240x16xf32, #tpu.memory_space<vmem_shared>>) attributes {dimension_semantics = [#tpu.dimension_semantics<core_parallel>, #tpu.dimension_semantics<subcore_parallel>], iteration_bounds = array<i64: 2, 16>, scalar_prefetch = 0 : i64, scratch_operands = 16 : i64, tpu.core_type = #tpu.core_type<sc_vector_subcore>, window_params = [{transform_indices = #map}, {transform_indices = #map1}, {transform_indices = #map1}, {transform_indices = #map1}]} {
    %mul3A = arith.constant 16 : i32
    %mul3A_0 = arith.muli %arg0, %mul3A : i32
    %add3A = arith.addi %mul3A_0, %arg1 : i32
    %broadcast_in_dim3A = arith.constant 0.000000e+00 : f32
    %broadcast_in_dim3A_1 = vector.broadcast %broadcast_in_dim3A : f32 to vector<16xf32>
    %scan3A = arith.constant 0 : i32
    %scan3A_2 = arith.constant 0 : i32
    %scan3A_3 = arith.constant 128 : i32
    %scan3A_4 = arith.addi %scan3A_2, %scan3A_3 : i32
    %scan3A_5 = arith.constant 1 : i32
    %scan3A_6 = scf.for %scan3A_224 = %scan3A_2 to %scan3A_4 step %scan3A_5 iter_args(%scan3A_225 = %scan3A) -> (i32)  : i32 {
      %swap3A = arith.index_cast %scan3A_224 : i32 to index
      %swap3A_226 = arith.constant 0 : index
      %swap3A_227 = tpu.vector_load %arg6[%swap3A, %swap3A_226] {strides = array<i32>} : memref<128x16xf32, #tpu.memory_space<vmem>>, vector<1x16xf32>,
      %swap3A_228 = vector.shape_cast %swap3A_227 : vector<1x16xf32> to vector<16xf32>
      %swap3A_229 = vector.shape_cast %broadcast_in_dim3A_1 : vector<16xf32> to vector<1x16xf32>
      tpu.vector_store %arg6[%swap3A, %swap3A_226], %swap3A_229 {strides = array<i32>} : memref<128x16xf32, #tpu.memory_space<vmem>>, vector<1x16xf32>,
      %scan3A_230 = arith.constant 0 : i32
      scf.yield %scan3A_230 : i32
    }
    %scan3A_7 = arith.constant 128 : i32
    %scan3A_8 = arith.constant 0 : i32
    %scan3A_9 = arith.constant 0 : i32
    %scan3A_10 = arith.constant 5 : i32
    %scan3A_11 = arith.addi %scan3A_9, %scan3A_10 : i32
    %scan3A_12 = arith.constant 1 : i32
    %scan3A_13 = scf.for %scan3A_224 = %scan3A_9 to %scan3A_11 step %scan3A_12 iter_args(%scan3A_225 = %scan3A_8) -> (i32)  : i32 {
      %mul3A_226 = arith.constant 640 : i32
      %mul3A_227 = arith.muli %arg1, %mul3A_226 : i32
      %mul3A_228 = arith.constant 128 : i32
      %mul3A_229 = arith.muli %scan3A_224, %mul3A_228 : i32
      %add3A_230 = arith.addi %mul3A_227, %mul3A_229 : i32
      "tpu.region"() ({
        %run_scoped3A = tpu.sem_alloc : memref<!tpu.dma_semaphore, #tpu.memory_space<semaphore_mem>>
        %dma_start3A_232 = arith.constant 0 : i32
        %dma_start3A_233 = tpu.memref_slice %arg21[%add3A_230, %dma_start3A_232] : memref<10240x16xf32, #tpu.memory_space<vmem_shared>> -> memref<128x16xf32, #tpu.memory_space<vmem_shared>>
        %dma_start3A_234 = arith.constant 0 : i32
        %dma_start3A_235 = tpu.memref_slice %arg21[%add3A_230, %dma_start3A_234] : memref<10240x16xf32, #tpu.memory_space<vmem_shared>> -> memref<128x16xf32, #tpu.memory_space<vmem_shared>>
        tpu.enqueue_dma source(%arg6 : memref<128x16xf32, #tpu.memory_space<vmem>>) target(%dma_start3A_235 : memref<128x16xf32, #tpu.memory_space<vmem_shared>>) target_semaphore(%run_scoped3A : memref<!tpu.dma_semaphore, #tpu.memory_space<semaphore_mem>>)
        %dma_wait3A_236 = arith.constant 0 : i32
        %dma_wait3A_237 = tpu.memref_slice %arg21[%add3A_230, %dma_wait3A_236] : memref<10240x16xf32, #tpu.memory_space<vmem_shared>> -> memref<128x16xf32, #tpu.memory_space<vmem_shared>>
        %dma_wait3A_238 = arith.constant 0 : i32
        %dma_wait3A_239 = tpu.memref_slice %arg21[%add3A_230, %dma_wait3A_238] : memref<10240x16xf32, #tpu.memory_space<vmem_shared>> -> memref<128x16xf32, #tpu.memory_space<vmem_shared>>
        tpu.wait_dma2 semaphore(%run_scoped3A : memref<!tpu.dma_semaphore, #tpu.memory_space<semaphore_mem>>) src(%arg6 : memref<128x16xf32, #tpu.memory_space<vmem>>) dst(%dma_wait3A_239 : memref<128x16xf32, #tpu.memory_space<vmem_shared>>)
        tpu.yield
      }) : () -> ()
      %scan3A_231 = arith.constant 0 : i32
      scf.yield %scan3A_231 : i32
    }
    %scan3A_14 = arith.constant 5 : i32
    "tpu.region"() ({
      %run_scoped3A = tpu.sem_alloc : memref<!tpu.dma_semaphore, #tpu.memory_space<semaphore_mem>>
      %dma_start3A_224 = arith.constant 0 : i32
      %dma_start3A_225 = arith.constant 0 : i32
      %dma_start3A_226 = tpu.memref_slice %arg3[%add3A, %dma_start3A_224, %dma_start3A_225] : memref<32x79x128xi32, #tpu.memory_space<hbm>> -> memref<1x79x128xi32, #tpu.memory_space<hbm>>
      %dma_start3A_227 = tpu.memref_squeeze %dma_start3A_226 : memref<1x79x128xi32, #tpu.memory_space<hbm>> -> memref<79x128xi32, #tpu.memory_space<hbm>>
      %dma_start3A_228 = arith.constant 0 : i32
      %dma_start3A_229 = arith.constant 0 : i32
      %dma_start3A_230 = tpu.memref_slice %arg3[%add3A, %dma_start3A_228, %dma_start3A_229] : memref<32x79x128xi32, #tpu.memory_space<hbm>> -> memref<1x79x128xi32, #tpu.memory_space<hbm>>
      %dma_start3A_231 = tpu.memref_squeeze %dma_start3A_230 : memref<1x79x128xi32, #tpu.memory_space<hbm>> -> memref<79x128xi32, #tpu.memory_space<hbm>>
      tpu.enqueue_dma source(%dma_start3A_231 : memref<79x128xi32, #tpu.memory_space<hbm>>) target(%arg7 : memref<79x128xi32, #tpu.memory_space<vmem>>) target_semaphore(%run_scoped3A : memref<!tpu.dma_semaphore, #tpu.memory_space<semaphore_mem>>)
      %dma_wait3A_232 = arith.constant 0 : i32
      %dma_wait3A_233 = arith.constant 0 : i32
      %dma_wait3A_234 = tpu.memref_slice %arg3[%add3A, %dma_wait3A_232, %dma_wait3A_233] : memref<32x79x128xi32, #tpu.memory_space<hbm>> -> memref<1x79x128xi32, #tpu.memory_space<hbm>>
      %dma_wait3A_235 = tpu.memref_squeeze %dma_wait3A_234 : memref<1x79x128xi32, #tpu.memory_space<hbm>> -> memref<79x128xi32, #tpu.memory_space<hbm>>
      %dma_wait3A_236 = arith.constant 0 : i32
      %dma_wait3A_237 = arith.constant 0 : i32
      %dma_wait3A_238 = tpu.memref_slice %arg3[%add3A, %dma_wait3A_236, %dma_wait3A_237] : memref<32x79x128xi32, #tpu.memory_space<hbm>> -> memref<1x79x128xi32, #tpu.memory_space<hbm>>
      %dma_wait3A_239 = tpu.memref_squeeze %dma_wait3A_238 : memref<1x79x128xi32, #tpu.memory_space<hbm>> -> memref<79x128xi32, #tpu.memory_space<hbm>>
      tpu.wait_dma2 semaphore(%run_scoped3A : memref<!tpu.dma_semaphore, #tpu.memory_space<semaphore_mem>>) src(%dma_wait3A_239 : memref<79x128xi32, #tpu.memory_space<hbm>>) dst(%arg7 : memref<79x128xi32, #tpu.memory_space<vmem>>)
      tpu.yield
    }) : () -> ()
    "tpu.region"() ({
      %run_scoped3A = tpu.sem_alloc : memref<!tpu.dma_semaphore, #tpu.memory_space<semaphore_mem>>
      %dma_start3A_224 = arith.constant 0 : i32
      %dma_start3A_225 = arith.constant 0 : i32
      %dma_start3A_226 = tpu.memref_slice %arg4[%add3A, %dma_start3A_224, %dma_start3A_225] : memref<32x79x128xi32, #tpu.memory_space<hbm>> -> memref<1x79x128xi32, #tpu.memory_space<hbm>>
      %dma_start3A_227 = tpu.memref_squeeze %dma_start3A_226 : memref<1x79x128xi32, #tpu.memory_space<hbm>> -> memref<79x128xi32, #tpu.memory_space<hbm>>
      %dma_start3A_228 = arith.constant 0 : i32
      %dma_start3A_229 = arith.constant 0 : i32
      %dma_start3A_230 = tpu.memref_slice %arg4[%add3A, %dma_start3A_228, %dma_start3A_229] : memref<32x79x128xi32, #tpu.memory_space<hbm>> -> memref<1x79x128xi32, #tpu.memory_space<hbm>>
      %dma_start3A_231 = tpu.memref_squeeze %dma_start3A_230 : memref<1x79x128xi32, #tpu.memory_space<hbm>> -> memref<79x128xi32, #tpu.memory_space<hbm>>
      tpu.enqueue_dma source(%dma_start3A_231 : memref<79x128xi32, #tpu.memory_space<hbm>>) target(%arg8 : memref<79x128xi32, #tpu.memory_space<vmem>>) target_semaphore(%run_scoped3A : memref<!tpu.dma_semaphore, #tpu.memory_space<semaphore_mem>>)
      %dma_wait3A_232 = arith.constant 0 : i32
      %dma_wait3A_233 = arith.constant 0 : i32
      %dma_wait3A_234 = tpu.memref_slice %arg4[%add3A, %dma_wait3A_232, %dma_wait3A_233] : memref<32x79x128xi32, #tpu.memory_space<hbm>> -> memref<1x79x128xi32, #tpu.memory_space<hbm>>
      %dma_wait3A_235 = tpu.memref_squeeze %dma_wait3A_234 : memref<1x79x128xi32, #tpu.memory_space<hbm>> -> memref<79x128xi32, #tpu.memory_space<hbm>>
      %dma_wait3A_236 = arith.constant 0 : i32
      %dma_wait3A_237 = arith.constant 0 : i32
      %dma_wait3A_238 = tpu.memref_slice %arg4[%add3A, %dma_wait3A_236, %dma_wait3A_237] : memref<32x79x128xi32, #tpu.memory_space<hbm>> -> memref<1x79x128xi32, #tpu.memory_space<hbm>>
      %dma_wait3A_239 = tpu.memref_squeeze %dma_wait3A_238 : memref<1x79x128xi32, #tpu.memory_space<hbm>> -> memref<79x128xi32, #tpu.memory_space<hbm>>
      tpu.wait_dma2 semaphore(%run_scoped3A : memref<!tpu.dma_semaphore, #tpu.memory_space<semaphore_mem>>) src(%dma_wait3A_239 : memref<79x128xi32, #tpu.memory_space<hbm>>) dst(%arg8 : memref<79x128xi32, #tpu.memory_space<vmem>>)
      tpu.yield
    }) : () -> ()
    %barrier3A = arith.constant 0 : index
    tpu.barrier barrier_id(%barrier3A)
    %dma_start3A = arith.constant 0 : i32
    %dma_start3A_15 = arith.constant 0 : i32
    %dma_start3A_16 = tpu.memref_slice %arg7[%dma_start3A, %dma_start3A_15] : memref<79x128xi32, #tpu.memory_space<vmem>> -> memref<1x128xi32, #tpu.memory_space<vmem>>
    %dma_start3A_17 = tpu.memref_squeeze %dma_start3A_16 : memref<1x128xi32, #tpu.memory_space<vmem>> -> memref<128xi32, #tpu.memory_space<vmem>>
    %dma_start3A_18 = arith.constant 0 : i32
    %dma_start3A_19 = arith.constant 0 : i32
    %dma_start3A_20 = tpu.memref_slice %arg2[%dma_start3A_18, %dma_start3A_19] : memref<10240x16xf32, #tpu.memory_space<hbm>> -> memref<10240x16xf32, #tpu.memory_space<hbm>>
    tpu.enqueue_indirect_dma source(%dma_start3A_20 : memref<10240x16xf32, #tpu.memory_space<hbm>>) target(%arg9 : memref<128x16xf32, #tpu.memory_space<vmem>>) offsets(%dma_start3A_17 : memref<128xi32, #tpu.memory_space<vmem>>) semaphore(%arg13 : memref<!tpu.dma_semaphore, #tpu.memory_space<semaphore_mem>>)
    %dma_start3A_21 = arith.constant 1 : i32
    %dma_start3A_22 = arith.constant 0 : i32
    %dma_start3A_23 = tpu.memref_slice %arg7[%dma_start3A_21, %dma_start3A_22] : memref<79x128xi32, #tpu.memory_space<vmem>> -> memref<1x128xi32, #tpu.memory_space<vmem>>
    %dma_start3A_24 = tpu.memref_squeeze %dma_start3A_23 : memref<1x128xi32, #tpu.memory_space<vmem>> -> memref<128xi32, #tpu.memory_space<vmem>>
    %dma_start3A_25 = arith.constant 0 : i32
    %dma_start3A_26 = arith.constant 0 : i32
    %dma_start3A_27 = tpu.memref_slice %arg2[%dma_start3A_25, %dma_start3A_26] : memref<10240x16xf32, #tpu.memory_space<hbm>> -> memref<10240x16xf32, #tpu.memory_space<hbm>>
    tpu.enqueue_indirect_dma source(%dma_start3A_27 : memref<10240x16xf32, #tpu.memory_space<hbm>>) target(%arg10 : memref<128x16xf32, #tpu.memory_space<vmem>>) offsets(%dma_start3A_24 : memref<128xi32, #tpu.memory_space<vmem>>) semaphore(%arg14 : memref<!tpu.dma_semaphore, #tpu.memory_space<semaphore_mem>>)
    %dma_start3A_28 = arith.constant 2 : i32
    %dma_start3A_29 = arith.constant 0 : i32
    %dma_start3A_30 = tpu.memref_slice %arg7[%dma_start3A_28, %dma_start3A_29] : memref<79x128xi32, #tpu.memory_space<vmem>> -> memref<1x128xi32, #tpu.memory_space<vmem>>
    %dma_start3A_31 = tpu.memref_squeeze %dma_start3A_30 : memref<1x128xi32, #tpu.memory_space<vmem>> -> memref<128xi32, #tpu.memory_space<vmem>>
    %dma_start3A_32 = arith.constant 0 : i32
    %dma_start3A_33 = arith.constant 0 : i32
    %dma_start3A_34 = tpu.memref_slice %arg2[%dma_start3A_32, %dma_start3A_33] : memref<10240x16xf32, #tpu.memory_space<hbm>> -> memref<10240x16xf32, #tpu.memory_space<hbm>>
    tpu.enqueue_indirect_dma source(%dma_start3A_34 : memref<10240x16xf32, #tpu.memory_space<hbm>>) target(%arg11 : memref<128x16xf32, #tpu.memory_space<vmem>>) offsets(%dma_start3A_31 : memref<128xi32, #tpu.memory_space<vmem>>) semaphore(%arg15 : memref<!tpu.dma_semaphore, #tpu.memory_space<semaphore_mem>>)
    %dma_start3A_35 = arith.constant 3 : i32
    %dma_start3A_36 = arith.constant 0 : i32
    %dma_start3A_37 = tpu.memref_slice %arg7[%dma_start3A_35, %dma_start3A_36] : memref<79x128xi32, #tpu.memory_space<vmem>> -> memref<1x128xi32, #tpu.memory_space<vmem>>
    %dma_start3A_38 = tpu.memref_squeeze %dma_start3A_37 : memref<1x128xi32, #tpu.memory_space<vmem>> -> memref<128xi32, #tpu.memory_space<vmem>>
    %dma_start3A_39 = arith.constant 0 : i32
    %dma_start3A_40 = arith.constant 0 : i32
    %dma_start3A_41 = tpu.memref_slice %arg2[%dma_start3A_39, %dma_start3A_40] : memref<10240x16xf32, #tpu.memory_space<hbm>> -> memref<10240x16xf32, #tpu.memory_space<hbm>>
    tpu.enqueue_indirect_dma source(%dma_start3A_41 : memref<10240x16xf32, #tpu.memory_space<hbm>>) target(%arg12 : memref<128x16xf32, #tpu.memory_space<vmem>>) offsets(%dma_start3A_38 : memref<128xi32, #tpu.memory_space<vmem>>) semaphore(%arg16 : memref<!tpu.dma_semaphore, #tpu.memory_space<semaphore_mem>>)
    %scan3A_42 = arith.constant 0 : i32
    %scan3A_43 = arith.constant 0 : i32
    %scan3A_44 = arith.constant 18 : i32
    %scan3A_45 = arith.addi %scan3A_43, %scan3A_44 : i32
    %scan3A_46 = arith.constant 1 : i32
    %scan3A_47 = scf.for %scan3A_224 = %scan3A_43 to %scan3A_45 step %scan3A_46 iter_args(%scan3A_225 = %scan3A_42) -> (i32)  : i32 {
      %mul3A_226 = arith.constant 4 : i32
      %mul3A_227 = arith.muli %scan3A_224, %mul3A_226 : i32
      %add3A_228 = arith.constant 0 : i32
      %add3A_229 = arith.addi %mul3A_227, %add3A_228 : i32
      %dma_wait3A_230 = arith.constant 0 : i32
      %dma_wait3A_231 = tpu.memref_slice %arg7[%add3A_229, %dma_wait3A_230] : memref<79x128xi32, #tpu.memory_space<vmem>> -> memref<1x128xi32, #tpu.memory_space<vmem>>
      %dma_wait3A_232 = tpu.memref_squeeze %dma_wait3A_231 : memref<1x128xi32, #tpu.memory_space<vmem>> -> memref<128xi32, #tpu.memory_space<vmem>>
      %dma_wait3A_233 = arith.constant 0 : i32
      %dma_wait3A_234 = arith.constant 0 : i32
      %dma_wait3A_235 = tpu.memref_slice %arg2[%dma_wait3A_233, %dma_wait3A_234] : memref<10240x16xf32, #tpu.memory_space<hbm>> -> memref<10240x16xf32, #tpu.memory_space<hbm>>
      tpu.wait_indirect_dma semaphore(%arg13 : memref<!tpu.dma_semaphore, #tpu.memory_space<semaphore_mem>>) src(%dma_wait3A_235 : memref<10240x16xf32, #tpu.memory_space<hbm>>) dst(%arg9 : memref<128x16xf32, #tpu.memory_space<vmem>>)
      %add3A_236 = arith.constant 0 : i32
      %add3A_237 = arith.addi %mul3A_227, %add3A_236 : i32
      %dma_start3A_238 = arith.constant 0 : i32
      %dma_start3A_239 = tpu.memref_slice %arg8[%add3A_237, %dma_start3A_238] : memref<79x128xi32, #tpu.memory_space<vmem>> -> memref<1x128xi32, #tpu.memory_space<vmem>>
      %dma_start3A_240 = tpu.memref_squeeze %dma_start3A_239 : memref<1x128xi32, #tpu.memory_space<vmem>> -> memref<128xi32, #tpu.memory_space<vmem>>
      %dma_start3A_241 = arith.constant 0 : i32
      %dma_start3A_242 = arith.constant 0 : i32
      %dma_start3A_243 = tpu.memref_slice %arg21[%dma_start3A_241, %dma_start3A_242] : memref<10240x16xf32, #tpu.memory_space<vmem_shared>> -> memref<10240x16xf32, #tpu.memory_space<vmem_shared>>
      tpu.enqueue_indirect_dma source(%arg9 : memref<128x16xf32, #tpu.memory_space<vmem>>) target(%dma_start3A_243 : memref<10240x16xf32, #tpu.memory_space<vmem_shared>>) offsets(%dma_start3A_240 : memref<128xi32, #tpu.memory_space<vmem>>) semaphore(%arg17 : memref<!tpu.dma_semaphore, #tpu.memory_space<semaphore_mem>>) {add = true}
      %add3A_244 = arith.constant 1 : i32
      %add3A_245 = arith.addi %mul3A_227, %add3A_244 : i32
      %dma_wait3A_246 = arith.constant 0 : i32
      %dma_wait3A_247 = tpu.memref_slice %arg7[%add3A_245, %dma_wait3A_246] : memref<79x128xi32, #tpu.memory_space<vmem>> -> memref<1x128xi32, #tpu.memory_space<vmem>>
      %dma_wait3A_248 = tpu.memref_squeeze %dma_wait3A_247 : memref<1x128xi32, #tpu.memory_space<vmem>> -> memref<128xi32, #tpu.memory_space<vmem>>
      %dma_wait3A_249 = arith.constant 0 : i32
      %dma_wait3A_250 = arith.constant 0 : i32
      %dma_wait3A_251 = tpu.memref_slice %arg2[%dma_wait3A_249, %dma_wait3A_250] : memref<10240x16xf32, #tpu.memory_space<hbm>> -> memref<10240x16xf32, #tpu.memory_space<hbm>>
      tpu.wait_indirect_dma semaphore(%arg14 : memref<!tpu.dma_semaphore, #tpu.memory_space<semaphore_mem>>) src(%dma_wait3A_251 : memref<10240x16xf32, #tpu.memory_space<hbm>>) dst(%arg10 : memref<128x16xf32, #tpu.memory_space<vmem>>)
      %add3A_252 = arith.constant 1 : i32
      %add3A_253 = arith.addi %mul3A_227, %add3A_252 : i32
      %dma_start3A_254 = arith.constant 0 : i32
      %dma_start3A_255 = tpu.memref_slice %arg8[%add3A_253, %dma_start3A_254] : memref<79x128xi32, #tpu.memory_space<vmem>> -> memref<1x128xi32, #tpu.memory_space<vmem>>
      %dma_start3A_256 = tpu.memref_squeeze %dma_start3A_255 : memref<1x128xi32, #tpu.memory_space<vmem>> -> memref<128xi32, #tpu.memory_space<vmem>>
      %dma_start3A_257 = arith.constant 0 : i32
      %dma_start3A_258 = arith.constant 0 : i32
      %dma_start3A_259 = tpu.memref_slice %arg21[%dma_start3A_257, %dma_start3A_258] : memref<10240x16xf32, #tpu.memory_space<vmem_shared>> -> memref<10240x16xf32, #tpu.memory_space<vmem_shared>>
      tpu.enqueue_indirect_dma source(%arg10 : memref<128x16xf32, #tpu.memory_space<vmem>>) target(%dma_start3A_259 : memref<10240x16xf32, #tpu.memory_space<vmem_shared>>) offsets(%dma_start3A_256 : memref<128xi32, #tpu.memory_space<vmem>>) semaphore(%arg18 : memref<!tpu.dma_semaphore, #tpu.memory_space<semaphore_mem>>) {add = true}
      %add3A_260 = arith.constant 2 : i32
      %add3A_261 = arith.addi %mul3A_227, %add3A_260 : i32
      %dma_wait3A_262 = arith.constant 0 : i32
      %dma_wait3A_263 = tpu.memref_slice %arg7[%add3A_261, %dma_wait3A_262] : memref<79x128xi32, #tpu.memory_space<vmem>> -> memref<1x128xi32, #tpu.memory_space<vmem>>
      %dma_wait3A_264 = tpu.memref_squeeze %dma_wait3A_263 : memref<1x128xi32, #tpu.memory_space<vmem>> -> memref<128xi32, #tpu.memory_space<vmem>>
      %dma_wait3A_265 = arith.constant 0 : i32
      %dma_wait3A_266 = arith.constant 0 : i32
      %dma_wait3A_267 = tpu.memref_slice %arg2[%dma_wait3A_265, %dma_wait3A_266] : memref<10240x16xf32, #tpu.memory_space<hbm>> -> memref<10240x16xf32, #tpu.memory_space<hbm>>
      tpu.wait_indirect_dma semaphore(%arg15 : memref<!tpu.dma_semaphore, #tpu.memory_space<semaphore_mem>>) src(%dma_wait3A_267 : memref<10240x16xf32, #tpu.memory_space<hbm>>) dst(%arg11 : memref<128x16xf32, #tpu.memory_space<vmem>>)
      %add3A_268 = arith.constant 2 : i32
      %add3A_269 = arith.addi %mul3A_227, %add3A_268 : i32
      %dma_start3A_270 = arith.constant 0 : i32
      %dma_start3A_271 = tpu.memref_slice %arg8[%add3A_269, %dma_start3A_270] : memref<79x128xi32, #tpu.memory_space<vmem>> -> memref<1x128xi32, #tpu.memory_space<vmem>>
      %dma_start3A_272 = tpu.memref_squeeze %dma_start3A_271 : memref<1x128xi32, #tpu.memory_space<vmem>> -> memref<128xi32, #tpu.memory_space<vmem>>
      %dma_start3A_273 = arith.constant 0 : i32
      %dma_start3A_274 = arith.constant 0 : i32
      %dma_start3A_275 = tpu.memref_slice %arg21[%dma_start3A_273, %dma_start3A_274] : memref<10240x16xf32, #tpu.memory_space<vmem_shared>> -> memref<10240x16xf32, #tpu.memory_space<vmem_shared>>
      tpu.enqueue_indirect_dma source(%arg11 : memref<128x16xf32, #tpu.memory_space<vmem>>) target(%dma_start3A_275 : memref<10240x16xf32, #tpu.memory_space<vmem_shared>>) offsets(%dma_start3A_272 : memref<128xi32, #tpu.memory_space<vmem>>) semaphore(%arg19 : memref<!tpu.dma_semaphore, #tpu.memory_space<semaphore_mem>>) {add = true}
      %add3A_276 = arith.constant 3 : i32
      %add3A_277 = arith.addi %mul3A_227, %add3A_276 : i32
      %dma_wait3A_278 = arith.constant 0 : i32
      %dma_wait3A_279 = tpu.memref_slice %arg7[%add3A_277, %dma_wait3A_278] : memref<79x128xi32, #tpu.memory_space<vmem>> -> memref<1x128xi32, #tpu.memory_space<vmem>>
      %dma_wait3A_280 = tpu.memref_squeeze %dma_wait3A_279 : memref<1x128xi32, #tpu.memory_space<vmem>> -> memref<128xi32, #tpu.memory_space<vmem>>
      %dma_wait3A_281 = arith.constant 0 : i32
      %dma_wait3A_282 = arith.constant 0 : i32
      %dma_wait3A_283 = tpu.memref_slice %arg2[%dma_wait3A_281, %dma_wait3A_282] : memref<10240x16xf32, #tpu.memory_space<hbm>> -> memref<10240x16xf32, #tpu.memory_space<hbm>>
      tpu.wait_indirect_dma semaphore(%arg16 : memref<!tpu.dma_semaphore, #tpu.memory_space<semaphore_mem>>) src(%dma_wait3A_283 : memref<10240x16xf32, #tpu.memory_space<hbm>>) dst(%arg12 : memref<128x16xf32, #tpu.memory_space<vmem>>)
      %add3A_284 = arith.constant 3 : i32
      %add3A_285 = arith.addi %mul3A_227, %add3A_284 : i32
      %dma_start3A_286 = arith.constant 0 : i32
      %dma_start3A_287 = tpu.memref_slice %arg8[%add3A_285, %dma_start3A_286] : memref<79x128xi32, #tpu.memory_space<vmem>> -> memref<1x128xi32, #tpu.memory_space<vmem>>
      %dma_start3A_288 = tpu.memref_squeeze %dma_start3A_287 : memref<1x128xi32, #tpu.memory_space<vmem>> -> memref<128xi32, #tpu.memory_space<vmem>>
      %dma_start3A_289 = arith.constant 0 : i32
      %dma_start3A_290 = arith.constant 0 : i32
      %dma_start3A_291 = tpu.memref_slice %arg21[%dma_start3A_289, %dma_start3A_290] : memref<10240x16xf32, #tpu.memory_space<vmem_shared>> -> memref<10240x16xf32, #tpu.memory_space<vmem_shared>>
      tpu.enqueue_indirect_dma source(%arg12 : memref<128x16xf32, #tpu.memory_space<vmem>>) target(%dma_start3A_291 : memref<10240x16xf32, #tpu.memory_space<vmem_shared>>) offsets(%dma_start3A_288 : memref<128xi32, #tpu.memory_space<vmem>>) semaphore(%arg20 : memref<!tpu.dma_semaphore, #tpu.memory_space<semaphore_mem>>) {add = true}
      %add3A_292 = arith.constant 0 : i32
      %add3A_293 = arith.addi %mul3A_227, %add3A_292 : i32
      %dma_wait3A_294 = arith.constant 0 : i32
      %dma_wait3A_295 = tpu.memref_slice %arg8[%add3A_293, %dma_wait3A_294] : memref<79x128xi32, #tpu.memory_space<vmem>> -> memref<1x128xi32, #tpu.memory_space<vmem>>
      %dma_wait3A_296 = tpu.memref_squeeze %dma_wait3A_295 : memref<1x128xi32, #tpu.memory_space<vmem>> -> memref<128xi32, #tpu.memory_space<vmem>>
      %dma_wait3A_297 = arith.constant 0 : i32
      %dma_wait3A_298 = arith.constant 0 : i32
      %dma_wait3A_299 = tpu.memref_slice %arg21[%dma_wait3A_297, %dma_wait3A_298] : memref<10240x16xf32, #tpu.memory_space<vmem_shared>> -> memref<10240x16xf32, #tpu.memory_space<vmem_shared>>
      tpu.wait_indirect_dma semaphore(%arg17 : memref<!tpu.dma_semaphore, #tpu.memory_space<semaphore_mem>>) src(%arg9 : memref<128x16xf32, #tpu.memory_space<vmem>>) dst(%dma_wait3A_299 : memref<10240x16xf32, #tpu.memory_space<vmem_shared>>)
      %add3A_300 = arith.constant 4 : i32
      %add3A_301 = arith.addi %mul3A_227, %add3A_300 : i32
      %add3A_302 = arith.constant 0 : i32
      %add3A_303 = arith.addi %add3A_301, %add3A_302 : i32
      %dma_start3A_304 = arith.constant 0 : i32
      %dma_start3A_305 = tpu.memref_slice %arg7[%add3A_303, %dma_start3A_304] : memref<79x128xi32, #tpu.memory_space<vmem>> -> memref<1x128xi32, #tpu.memory_space<vmem>>
      %dma_start3A_306 = tpu.memref_squeeze %dma_start3A_305 : memref<1x128xi32, #tpu.memory_space<vmem>> -> memref<128xi32, #tpu.memory_space<vmem>>
      %dma_start3A_307 = arith.constant 0 : i32
      %dma_start3A_308 = arith.constant 0 : i32
      %dma_start3A_309 = tpu.memref_slice %arg2[%dma_start3A_307, %dma_start3A_308] : memref<10240x16xf32, #tpu.memory_space<hbm>> -> memref<10240x16xf32, #tpu.memory_space<hbm>>
      tpu.enqueue_indirect_dma source(%dma_start3A_309 : memref<10240x16xf32, #tpu.memory_space<hbm>>) target(%arg9 : memref<128x16xf32, #tpu.memory_space<vmem>>) offsets(%dma_start3A_306 : memref<128xi32, #tpu.memory_space<vmem>>) semaphore(%arg13 : memref<!tpu.dma_semaphore, #tpu.memory_space<semaphore_mem>>)
      %add3A_310 = arith.constant 1 : i32
      %add3A_311 = arith.addi %mul3A_227, %add3A_310 : i32
      %dma_wait3A_312 = arith.constant 0 : i32
      %dma_wait3A_313 = tpu.memref_slice %arg8[%add3A_311, %dma_wait3A_312] : memref<79x128xi32, #tpu.memory_space<vmem>> -> memref<1x128xi32, #tpu.memory_space<vmem>>
      %dma_wait3A_314 = tpu.memref_squeeze %dma_wait3A_313 : memref<1x128xi32, #tpu.memory_space<vmem>> -> memref<128xi32, #tpu.memory_space<vmem>>
      %dma_wait3A_315 = arith.constant 0 : i32
      %dma_wait3A_316 = arith.constant 0 : i32
      %dma_wait3A_317 = tpu.memref_slice %arg21[%dma_wait3A_315, %dma_wait3A_316] : memref<10240x16xf32, #tpu.memory_space<vmem_shared>> -> memref<10240x16xf32, #tpu.memory_space<vmem_shared>>
      tpu.wait_indirect_dma semaphore(%arg18 : memref<!tpu.dma_semaphore, #tpu.memory_space<semaphore_mem>>) src(%arg10 : memref<128x16xf32, #tpu.memory_space<vmem>>) dst(%dma_wait3A_317 : memref<10240x16xf32, #tpu.memory_space<vmem_shared>>)
      %add3A_318 = arith.constant 4 : i32
      %add3A_319 = arith.addi %mul3A_227, %add3A_318 : i32
      %add3A_320 = arith.constant 1 : i32
      %add3A_321 = arith.addi %add3A_319, %add3A_320 : i32
      %dma_start3A_322 = arith.constant 0 : i32
      %dma_start3A_323 = tpu.memref_slice %arg7[%add3A_321, %dma_start3A_322] : memref<79x128xi32, #tpu.memory_space<vmem>> -> memref<1x128xi32, #tpu.memory_space<vmem>>
      %dma_start3A_324 = tpu.memref_squeeze %dma_start3A_323 : memref<1x128xi32, #tpu.memory_space<vmem>> -> memref<128xi32, #tpu.memory_space<vmem>>
      %dma_start3A_325 = arith.constant 0 : i32
      %dma_start3A_326 = arith.constant 0 : i32
      %dma_start3A_327 = tpu.memref_slice %arg2[%dma_start3A_325, %dma_start3A_326] : memref<10240x16xf32, #tpu.memory_space<hbm>> -> memref<10240x16xf32, #tpu.memory_space<hbm>>
      tpu.enqueue_indirect_dma source(%dma_start3A_327 : memref<10240x16xf32, #tpu.memory_space<hbm>>) target(%arg10 : memref<128x16xf32, #tpu.memory_space<vmem>>) offsets(%dma_start3A_324 : memref<128xi32, #tpu.memory_space<vmem>>) semaphore(%arg14 : memref<!tpu.dma_semaphore, #tpu.memory_space<semaphore_mem>>)
      %add3A_328 = arith.constant 2 : i32
      %add3A_329 = arith.addi %mul3A_227, %add3A_328 : i32
      %dma_wait3A_330 = arith.constant 0 : i32
      %dma_wait3A_331 = tpu.memref_slice %arg8[%add3A_329, %dma_wait3A_330] : memref<79x128xi32, #tpu.memory_space<vmem>> -> memref<1x128xi32, #tpu.memory_space<vmem>>
      %dma_wait3A_332 = tpu.memref_squeeze %dma_wait3A_331 : memref<1x128xi32, #tpu.memory_space<vmem>> -> memref<128xi32, #tpu.memory_space<vmem>>
      %dma_wait3A_333 = arith.constant 0 : i32
      %dma_wait3A_334 = arith.constant 0 : i32
      %dma_wait3A_335 = tpu.memref_slice %arg21[%dma_wait3A_333, %dma_wait3A_334] : memref<10240x16xf32, #tpu.memory_space<vmem_shared>> -> memref<10240x16xf32, #tpu.memory_space<vmem_shared>>
      tpu.wait_indirect_dma semaphore(%arg19 : memref<!tpu.dma_semaphore, #tpu.memory_space<semaphore_mem>>) src(%arg11 : memref<128x16xf32, #tpu.memory_space<vmem>>) dst(%dma_wait3A_335 : memref<10240x16xf32, #tpu.memory_space<vmem_shared>>)
      %add3A_336 = arith.constant 4 : i32
      %add3A_337 = arith.addi %mul3A_227, %add3A_336 : i32
      %add3A_338 = arith.constant 2 : i32
      %add3A_339 = arith.addi %add3A_337, %add3A_338 : i32
      %dma_start3A_340 = arith.constant 0 : i32
      %dma_start3A_341 = tpu.memref_slice %arg7[%add3A_339, %dma_start3A_340] : memref<79x128xi32, #tpu.memory_space<vmem>> -> memref<1x128xi32, #tpu.memory_space<vmem>>
      %dma_start3A_342 = tpu.memref_squeeze %dma_start3A_341 : memref<1x128xi32, #tpu.memory_space<vmem>> -> memref<128xi32, #tpu.memory_space<vmem>>
      %dma_start3A_343 = arith.constant 0 : i32
      %dma_start3A_344 = arith.constant 0 : i32
      %dma_start3A_345 = tpu.memref_slice %arg2[%dma_start3A_343, %dma_start3A_344] : memref<10240x16xf32, #tpu.memory_space<hbm>> -> memref<10240x16xf32, #tpu.memory_space<hbm>>
      tpu.enqueue_indirect_dma source(%dma_start3A_345 : memref<10240x16xf32, #tpu.memory_space<hbm>>) target(%arg11 : memref<128x16xf32, #tpu.memory_space<vmem>>) offsets(%dma_start3A_342 : memref<128xi32, #tpu.memory_space<vmem>>) semaphore(%arg15 : memref<!tpu.dma_semaphore, #tpu.memory_space<semaphore_mem>>)
      %add3A_346 = arith.constant 3 : i32
      %add3A_347 = arith.addi %mul3A_227, %add3A_346 : i32
      %dma_wait3A_348 = arith.constant 0 : i32
      %dma_wait3A_349 = tpu.memref_slice %arg8[%add3A_347, %dma_wait3A_348] : memref<79x128xi32, #tpu.memory_space<vmem>> -> memref<1x128xi32, #tpu.memory_space<vmem>>
      %dma_wait3A_350 = tpu.memref_squeeze %dma_wait3A_349 : memref<1x128xi32, #tpu.memory_space<vmem>> -> memref<128xi32, #tpu.memory_space<vmem>>
      %dma_wait3A_351 = arith.constant 0 : i32
      %dma_wait3A_352 = arith.constant 0 : i32
      %dma_wait3A_353 = tpu.memref_slice %arg21[%dma_wait3A_351, %dma_wait3A_352] : memref<10240x16xf32, #tpu.memory_space<vmem_shared>> -> memref<10240x16xf32, #tpu.memory_space<vmem_shared>>
      tpu.wait_indirect_dma semaphore(%arg20 : memref<!tpu.dma_semaphore, #tpu.memory_space<semaphore_mem>>) src(%arg12 : memref<128x16xf32, #tpu.memory_space<vmem>>) dst(%dma_wait3A_353 : memref<10240x16xf32, #tpu.memory_space<vmem_shared>>)
      %add3A_354 = arith.constant 4 : i32
      %add3A_355 = arith.addi %mul3A_227, %add3A_354 : i32
      %add3A_356 = arith.constant 3 : i32
      %add3A_357 = arith.addi %add3A_355, %add3A_356 : i32
      %dma_start3A_358 = arith.constant 0 : i32
      %dma_start3A_359 = tpu.memref_slice %arg7[%add3A_357, %dma_start3A_358] : memref<79x128xi32, #tpu.memory_space<vmem>> -> memref<1x128xi32, #tpu.memory_space<vmem>>
      %dma_start3A_360 = tpu.memref_squeeze %dma_start3A_359 : memref<1x128xi32, #tpu.memory_space<vmem>> -> memref<128xi32, #tpu.memory_space<vmem>>
      %dma_start3A_361 = arith.constant 0 : i32
      %dma_start3A_362 = arith.constant 0 : i32
      %dma_start3A_363 = tpu.memref_slice %arg2[%dma_start3A_361, %dma_start3A_362] : memref<10240x16xf32, #tpu.memory_space<hbm>> -> memref<10240x16xf32, #tpu.memory_space<hbm>>
      tpu.enqueue_indirect_dma source(%dma_start3A_363 : memref<10240x16xf32, #tpu.memory_space<hbm>>) target(%arg12 : memref<128x16xf32, #tpu.memory_space<vmem>>) offsets(%dma_start3A_360 : memref<128xi32, #tpu.memory_space<vmem>>) semaphore(%arg16 : memref<!tpu.dma_semaphore, #tpu.memory_space<semaphore_mem>>)
      %scan3A_364 = arith.constant 0 : i32
      scf.yield %scan3A_364 : i32
    }
    %scan3A_48 = arith.constant 18 : i32
    %dma_wait3A = arith.constant 72 : i32
    %dma_wait3A_49 = arith.constant 0 : i32
    %dma_wait3A_50 = tpu.memref_slice %arg7[%dma_wait3A, %dma_wait3A_49] : memref<79x128xi32, #tpu.memory_space<vmem>> -> memref<1x128xi32, #tpu.memory_space<vmem>>
    %dma_wait3A_51 = tpu.memref_squeeze %dma_wait3A_50 : memref<1x128xi32, #tpu.memory_space<vmem>> -> memref<128xi32, #tpu.memory_space<vmem>>
    %dma_wait3A_52 = arith.constant 0 : i32
    %dma_wait3A_53 = arith.constant 0 : i32
    %dma_wait3A_54 = tpu.memref_slice %arg2[%dma_wait3A_52, %dma_wait3A_53] : memref<10240x16xf32, #tpu.memory_space<hbm>> -> memref<10240x16xf32, #tpu.memory_space<hbm>>
    tpu.wait_indirect_dma semaphore(%arg13 : memref<!tpu.dma_semaphore, #tpu.memory_space<semaphore_mem>>) src(%dma_wait3A_54 : memref<10240x16xf32, #tpu.memory_space<hbm>>) dst(%arg9 : memref<128x16xf32, #tpu.memory_space<vmem>>)
    %dma_start3A_55 = arith.constant 72 : i32
    %dma_start3A_56 = arith.constant 0 : i32
    %dma_start3A_57 = tpu.memref_slice %arg8[%dma_start3A_55, %dma_start3A_56] : memref<79x128xi32, #tpu.memory_space<vmem>> -> memref<1x128xi32, #tpu.memory_space<vmem>>
    %dma_start3A_58 = tpu.memref_squeeze %dma_start3A_57 : memref<1x128xi32, #tpu.memory_space<vmem>> -> memref<128xi32, #tpu.memory_space<vmem>>
    %dma_start3A_59 = arith.constant 0 : i32
    %dma_start3A_60 = arith.constant 0 : i32
    %dma_start3A_61 = tpu.memref_slice %arg21[%dma_start3A_59, %dma_start3A_60] : memref<10240x16xf32, #tpu.memory_space<vmem_shared>> -> memref<10240x16xf32, #tpu.memory_space<vmem_shared>>
    tpu.enqueue_indirect_dma source(%arg9 : memref<128x16xf32, #tpu.memory_space<vmem>>) target(%dma_start3A_61 : memref<10240x16xf32, #tpu.memory_space<vmem_shared>>) offsets(%dma_start3A_58 : memref<128xi32, #tpu.memory_space<vmem>>) semaphore(%arg17 : memref<!tpu.dma_semaphore, #tpu.memory_space<semaphore_mem>>) {add = true}
    %dma_wait3A_62 = arith.constant 73 : i32
    %dma_wait3A_63 = arith.constant 0 : i32
    %dma_wait3A_64 = tpu.memref_slice %arg7[%dma_wait3A_62, %dma_wait3A_63] : memref<79x128xi32, #tpu.memory_space<vmem>> -> memref<1x128xi32, #tpu.memory_space<vmem>>
    %dma_wait3A_65 = tpu.memref_squeeze %dma_wait3A_64 : memref<1x128xi32, #tpu.memory_space<vmem>> -> memref<128xi32, #tpu.memory_space<vmem>>
    %dma_wait3A_66 = arith.constant 0 : i32
    %dma_wait3A_67 = arith.constant 0 : i32
    %dma_wait3A_68 = tpu.memref_slice %arg2[%dma_wait3A_66, %dma_wait3A_67] : memref<10240x16xf32, #tpu.memory_space<hbm>> -> memref<10240x16xf32, #tpu.memory_space<hbm>>
    tpu.wait_indirect_dma semaphore(%arg14 : memref<!tpu.dma_semaphore, #tpu.memory_space<semaphore_mem>>) src(%dma_wait3A_68 : memref<10240x16xf32, #tpu.memory_space<hbm>>) dst(%arg10 : memref<128x16xf32, #tpu.memory_space<vmem>>)
    %dma_start3A_69 = arith.constant 73 : i32
    %dma_start3A_70 = arith.constant 0 : i32
    %dma_start3A_71 = tpu.memref_slice %arg8[%dma_start3A_69, %dma_start3A_70] : memref<79x128xi32, #tpu.memory_space<vmem>> -> memref<1x128xi32, #tpu.memory_space<vmem>>
    %dma_start3A_72 = tpu.memref_squeeze %dma_start3A_71 : memref<1x128xi32, #tpu.memory_space<vmem>> -> memref<128xi32, #tpu.memory_space<vmem>>
    %dma_start3A_73 = arith.constant 0 : i32
    %dma_start3A_74 = arith.constant 0 : i32
    %dma_start3A_75 = tpu.memref_slice %arg21[%dma_start3A_73, %dma_start3A_74] : memref<10240x16xf32, #tpu.memory_space<vmem_shared>> -> memref<10240x16xf32, #tpu.memory_space<vmem_shared>>
    tpu.enqueue_indirect_dma source(%arg10 : memref<128x16xf32, #tpu.memory_space<vmem>>) target(%dma_start3A_75 : memref<10240x16xf32, #tpu.memory_space<vmem_shared>>) offsets(%dma_start3A_72 : memref<128xi32, #tpu.memory_space<vmem>>) semaphore(%arg18 : memref<!tpu.dma_semaphore, #tpu.memory_space<semaphore_mem>>) {add = true}
    %dma_wait3A_76 = arith.constant 74 : i32
    %dma_wait3A_77 = arith.constant 0 : i32
    %dma_wait3A_78 = tpu.memref_slice %arg7[%dma_wait3A_76, %dma_wait3A_77] : memref<79x128xi32, #tpu.memory_space<vmem>> -> memref<1x128xi32, #tpu.memory_space<vmem>>
    %dma_wait3A_79 = tpu.memref_squeeze %dma_wait3A_78 : memref<1x128xi32, #tpu.memory_space<vmem>> -> memref<128xi32, #tpu.memory_space<vmem>>
    %dma_wait3A_80 = arith.constant 0 : i32
    %dma_wait3A_81 = arith.constant 0 : i32
    %dma_wait3A_82 = tpu.memref_slice %arg2[%dma_wait3A_80, %dma_wait3A_81] : memref<10240x16xf32, #tpu.memory_space<hbm>> -> memref<10240x16xf32, #tpu.memory_space<hbm>>
    tpu.wait_indirect_dma semaphore(%arg15 : memref<!tpu.dma_semaphore, #tpu.memory_space<semaphore_mem>>) src(%dma_wait3A_82 : memref<10240x16xf32, #tpu.memory_space<hbm>>) dst(%arg11 : memref<128x16xf32, #tpu.memory_space<vmem>>)
    %dma_start3A_83 = arith.constant 74 : i32
    %dma_start3A_84 = arith.constant 0 : i32
    %dma_start3A_85 = tpu.memref_slice %arg8[%dma_start3A_83, %dma_start3A_84] : memref<79x128xi32, #tpu.memory_space<vmem>> -> memref<1x128xi32, #tpu.memory_space<vmem>>
    %dma_start3A_86 = tpu.memref_squeeze %dma_start3A_85 : memref<1x128xi32, #tpu.memory_space<vmem>> -> memref<128xi32, #tpu.memory_space<vmem>>
    %dma_start3A_87 = arith.constant 0 : i32
    %dma_start3A_88 = arith.constant 0 : i32
    %dma_start3A_89 = tpu.memref_slice %arg21[%dma_start3A_87, %dma_start3A_88] : memref<10240x16xf32, #tpu.memory_space<vmem_shared>> -> memref<10240x16xf32, #tpu.memory_space<vmem_shared>>
    tpu.enqueue_indirect_dma source(%arg11 : memref<128x16xf32, #tpu.memory_space<vmem>>) target(%dma_start3A_89 : memref<10240x16xf32, #tpu.memory_space<vmem_shared>>) offsets(%dma_start3A_86 : memref<128xi32, #tpu.memory_space<vmem>>) semaphore(%arg19 : memref<!tpu.dma_semaphore, #tpu.memory_space<semaphore_mem>>) {add = true}
    %dma_wait3A_90 = arith.constant 75 : i32
    %dma_wait3A_91 = arith.constant 0 : i32
    %dma_wait3A_92 = tpu.memref_slice %arg7[%dma_wait3A_90, %dma_wait3A_91] : memref<79x128xi32, #tpu.memory_space<vmem>> -> memref<1x128xi32, #tpu.memory_space<vmem>>
    %dma_wait3A_93 = tpu.memref_squeeze %dma_wait3A_92 : memref<1x128xi32, #tpu.memory_space<vmem>> -> memref<128xi32, #tpu.memory_space<vmem>>
    %dma_wait3A_94 = arith.constant 0 : i32
    %dma_wait3A_95 = arith.constant 0 : i32
    %dma_wait3A_96 = tpu.memref_slice %arg2[%dma_wait3A_94, %dma_wait3A_95] : memref<10240x16xf32, #tpu.memory_space<hbm>> -> memref<10240x16xf32, #tpu.memory_space<hbm>>
    tpu.wait_indirect_dma semaphore(%arg16 : memref<!tpu.dma_semaphore, #tpu.memory_space<semaphore_mem>>) src(%dma_wait3A_96 : memref<10240x16xf32, #tpu.memory_space<hbm>>) dst(%arg12 : memref<128x16xf32, #tpu.memory_space<vmem>>)
    %dma_start3A_97 = arith.constant 75 : i32
    %dma_start3A_98 = arith.constant 0 : i32
    %dma_start3A_99 = tpu.memref_slice %arg8[%dma_start3A_97, %dma_start3A_98] : memref<79x128xi32, #tpu.memory_space<vmem>> -> memref<1x128xi32, #tpu.memory_space<vmem>>
    %dma_start3A_100 = tpu.memref_squeeze %dma_start3A_99 : memref<1x128xi32, #tpu.memory_space<vmem>> -> memref<128xi32, #tpu.memory_space<vmem>>
    %dma_start3A_101 = arith.constant 0 : i32
    %dma_start3A_102 = arith.constant 0 : i32
    %dma_start3A_103 = tpu.memref_slice %arg21[%dma_start3A_101, %dma_start3A_102] : memref<10240x16xf32, #tpu.memory_space<vmem_shared>> -> memref<10240x16xf32, #tpu.memory_space<vmem_shared>>
    tpu.enqueue_indirect_dma source(%arg12 : memref<128x16xf32, #tpu.memory_space<vmem>>) target(%dma_start3A_103 : memref<10240x16xf32, #tpu.memory_space<vmem_shared>>) offsets(%dma_start3A_100 : memref<128xi32, #tpu.memory_space<vmem>>) semaphore(%arg20 : memref<!tpu.dma_semaphore, #tpu.memory_space<semaphore_mem>>) {add = true}
    %dma_wait3A_104 = arith.constant 72 : i32
    %dma_wait3A_105 = arith.constant 0 : i32
    %dma_wait3A_106 = tpu.memref_slice %arg8[%dma_wait3A_104, %dma_wait3A_105] : memref<79x128xi32, #tpu.memory_space<vmem>> -> memref<1x128xi32, #tpu.memory_space<vmem>>
    %dma_wait3A_107 = tpu.memref_squeeze %dma_wait3A_106 : memref<1x128xi32, #tpu.memory_space<vmem>> -> memref<128xi32, #tpu.memory_space<vmem>>
    %dma_wait3A_108 = arith.constant 0 : i32
    %dma_wait3A_109 = arith.constant 0 : i32
    %dma_wait3A_110 = tpu.memref_slice %arg21[%dma_wait3A_108, %dma_wait3A_109] : memref<10240x16xf32, #tpu.memory_space<vmem_shared>> -> memref<10240x16xf32, #tpu.memory_space<vmem_shared>>
    tpu.wait_indirect_dma semaphore(%arg17 : memref<!tpu.dma_semaphore, #tpu.memory_space<semaphore_mem>>) src(%arg9 : memref<128x16xf32, #tpu.memory_space<vmem>>) dst(%dma_wait3A_110 : memref<10240x16xf32, #tpu.memory_space<vmem_shared>>)
    %dma_wait3A_111 = arith.constant 73 : i32
    %dma_wait3A_112 = arith.constant 0 : i32
    %dma_wait3A_113 = tpu.memref_slice %arg8[%dma_wait3A_111, %dma_wait3A_112] : memref<79x128xi32, #tpu.memory_space<vmem>> -> memref<1x128xi32, #tpu.memory_space<vmem>>
    %dma_wait3A_114 = tpu.memref_squeeze %dma_wait3A_113 : memref<1x128xi32, #tpu.memory_space<vmem>> -> memref<128xi32, #tpu.memory_space<vmem>>
    %dma_wait3A_115 = arith.constant 0 : i32
    %dma_wait3A_116 = arith.constant 0 : i32
    %dma_wait3A_117 = tpu.memref_slice %arg21[%dma_wait3A_115, %dma_wait3A_116] : memref<10240x16xf32, #tpu.memory_space<vmem_shared>> -> memref<10240x16xf32, #tpu.memory_space<vmem_shared>>
    tpu.wait_indirect_dma semaphore(%arg18 : memref<!tpu.dma_semaphore, #tpu.memory_space<semaphore_mem>>) src(%arg10 : memref<128x16xf32, #tpu.memory_space<vmem>>) dst(%dma_wait3A_117 : memref<10240x16xf32, #tpu.memory_space<vmem_shared>>)
    %dma_wait3A_118 = arith.constant 74 : i32
    %dma_wait3A_119 = arith.constant 0 : i32
    %dma_wait3A_120 = tpu.memref_slice %arg8[%dma_wait3A_118, %dma_wait3A_119] : memref<79x128xi32, #tpu.memory_space<vmem>> -> memref<1x128xi32, #tpu.memory_space<vmem>>
    %dma_wait3A_121 = tpu.memref_squeeze %dma_wait3A_120 : memref<1x128xi32, #tpu.memory_space<vmem>> -> memref<128xi32, #tpu.memory_space<vmem>>
    %dma_wait3A_122 = arith.constant 0 : i32
    %dma_wait3A_123 = arith.constant 0 : i32
    %dma_wait3A_124 = tpu.memref_slice %arg21[%dma_wait3A_122, %dma_wait3A_123] : memref<10240x16xf32, #tpu.memory_space<vmem_shared>> -> memref<10240x16xf32, #tpu.memory_space<vmem_shared>>
    tpu.wait_indirect_dma semaphore(%arg19 : memref<!tpu.dma_semaphore, #tpu.memory_space<semaphore_mem>>) src(%arg11 : memref<128x16xf32, #tpu.memory_space<vmem>>) dst(%dma_wait3A_124 : memref<10240x16xf32, #tpu.memory_space<vmem_shared>>)
    %dma_wait3A_125 = arith.constant 75 : i32
    %dma_wait3A_126 = arith.constant 0 : i32
    %dma_wait3A_127 = tpu.memref_slice %arg8[%dma_wait3A_125, %dma_wait3A_126] : memref<79x128xi32, #tpu.memory_space<vmem>> -> memref<1x128xi32, #tpu.memory_space<vmem>>
    %dma_wait3A_128 = tpu.memref_squeeze %dma_wait3A_127 : memref<1x128xi32, #tpu.memory_space<vmem>> -> memref<128xi32, #tpu.memory_space<vmem>>
    %dma_wait3A_129 = arith.constant 0 : i32
    %dma_wait3A_130 = arith.constant 0 : i32
    %dma_wait3A_131 = tpu.memref_slice %arg21[%dma_wait3A_129, %dma_wait3A_130] : memref<10240x16xf32, #tpu.memory_space<vmem_shared>> -> memref<10240x16xf32, #tpu.memory_space<vmem_shared>>
    tpu.wait_indirect_dma semaphore(%arg20 : memref<!tpu.dma_semaphore, #tpu.memory_space<semaphore_mem>>) src(%arg12 : memref<128x16xf32, #tpu.memory_space<vmem>>) dst(%dma_wait3A_131 : memref<10240x16xf32, #tpu.memory_space<vmem_shared>>)
    %dma_start3A_132 = arith.constant 76 : i32
    %dma_start3A_133 = arith.constant 0 : i32
    %dma_start3A_134 = tpu.memref_slice %arg7[%dma_start3A_132, %dma_start3A_133] : memref<79x128xi32, #tpu.memory_space<vmem>> -> memref<1x128xi32, #tpu.memory_space<vmem>>
    %dma_start3A_135 = tpu.memref_squeeze %dma_start3A_134 : memref<1x128xi32, #tpu.memory_space<vmem>> -> memref<128xi32, #tpu.memory_space<vmem>>
    %dma_start3A_136 = arith.constant 0 : i32
    %dma_start3A_137 = arith.constant 0 : i32
    %dma_start3A_138 = tpu.memref_slice %arg2[%dma_start3A_136, %dma_start3A_137] : memref<10240x16xf32, #tpu.memory_space<hbm>> -> memref<10240x16xf32, #tpu.memory_space<hbm>>
    tpu.enqueue_indirect_dma source(%dma_start3A_138 : memref<10240x16xf32, #tpu.memory_space<hbm>>) target(%arg9 : memref<128x16xf32, #tpu.memory_space<vmem>>) offsets(%dma_start3A_135 : memref<128xi32, #tpu.memory_space<vmem>>) semaphore(%arg13 : memref<!tpu.dma_semaphore, #tpu.memory_space<semaphore_mem>>)
    %dma_wait3A_139 = arith.constant 76 : i32
    %dma_wait3A_140 = arith.constant 0 : i32
    %dma_wait3A_141 = tpu.memref_slice %arg7[%dma_wait3A_139, %dma_wait3A_140] : memref<79x128xi32, #tpu.memory_space<vmem>> -> memref<1x128xi32, #tpu.memory_space<vmem>>
    %dma_wait3A_142 = tpu.memref_squeeze %dma_wait3A_141 : memref<1x128xi32, #tpu.memory_space<vmem>> -> memref<128xi32, #tpu.memory_space<vmem>>
    %dma_wait3A_143 = arith.constant 0 : i32
    %dma_wait3A_144 = arith.constant 0 : i32
    %dma_wait3A_145 = tpu.memref_slice %arg2[%dma_wait3A_143, %dma_wait3A_144] : memref<10240x16xf32, #tpu.memory_space<hbm>> -> memref<10240x16xf32, #tpu.memory_space<hbm>>
    tpu.wait_indirect_dma semaphore(%arg13 : memref<!tpu.dma_semaphore, #tpu.memory_space<semaphore_mem>>) src(%dma_wait3A_145 : memref<10240x16xf32, #tpu.memory_space<hbm>>) dst(%arg9 : memref<128x16xf32, #tpu.memory_space<vmem>>)
    %dma_start3A_146 = arith.constant 76 : i32
    %dma_start3A_147 = arith.constant 0 : i32
    %dma_start3A_148 = tpu.memref_slice %arg8[%dma_start3A_146, %dma_start3A_147] : memref<79x128xi32, #tpu.memory_space<vmem>> -> memref<1x128xi32, #tpu.memory_space<vmem>>
    %dma_start3A_149 = tpu.memref_squeeze %dma_start3A_148 : memref<1x128xi32, #tpu.memory_space<vmem>> -> memref<128xi32, #tpu.memory_space<vmem>>
    %dma_start3A_150 = arith.constant 0 : i32
    %dma_start3A_151 = arith.constant 0 : i32
    %dma_start3A_152 = tpu.memref_slice %arg21[%dma_start3A_150, %dma_start3A_151] : memref<10240x16xf32, #tpu.memory_space<vmem_shared>> -> memref<10240x16xf32, #tpu.memory_space<vmem_shared>>
    tpu.enqueue_indirect_dma source(%arg9 : memref<128x16xf32, #tpu.memory_space<vmem>>) target(%dma_start3A_152 : memref<10240x16xf32, #tpu.memory_space<vmem_shared>>) offsets(%dma_start3A_149 : memref<128xi32, #tpu.memory_space<vmem>>) semaphore(%arg17 : memref<!tpu.dma_semaphore, #tpu.memory_space<semaphore_mem>>) {add = true}
    %dma_wait3A_153 = arith.constant 76 : i32
    %dma_wait3A_154 = arith.constant 0 : i32
    %dma_wait3A_155 = tpu.memref_slice %arg8[%dma_wait3A_153, %dma_wait3A_154] : memref<79x128xi32, #tpu.memory_space<vmem>> -> memref<1x128xi32, #tpu.memory_space<vmem>>
    %dma_wait3A_156 = tpu.memref_squeeze %dma_wait3A_155 : memref<1x128xi32, #tpu.memory_space<vmem>> -> memref<128xi32, #tpu.memory_space<vmem>>
    %dma_wait3A_157 = arith.constant 0 : i32
    %dma_wait3A_158 = arith.constant 0 : i32
    %dma_wait3A_159 = tpu.memref_slice %arg21[%dma_wait3A_157, %dma_wait3A_158] : memref<10240x16xf32, #tpu.memory_space<vmem_shared>> -> memref<10240x16xf32, #tpu.memory_space<vmem_shared>>
    tpu.wait_indirect_dma semaphore(%arg17 : memref<!tpu.dma_semaphore, #tpu.memory_space<semaphore_mem>>) src(%arg9 : memref<128x16xf32, #tpu.memory_space<vmem>>) dst(%dma_wait3A_159 : memref<10240x16xf32, #tpu.memory_space<vmem_shared>>)
    %dma_start3A_160 = arith.constant 77 : i32
    %dma_start3A_161 = arith.constant 0 : i32
    %dma_start3A_162 = tpu.memref_slice %arg7[%dma_start3A_160, %dma_start3A_161] : memref<79x128xi32, #tpu.memory_space<vmem>> -> memref<1x128xi32, #tpu.memory_space<vmem>>
    %dma_start3A_163 = tpu.memref_squeeze %dma_start3A_162 : memref<1x128xi32, #tpu.memory_space<vmem>> -> memref<128xi32, #tpu.memory_space<vmem>>
    %dma_start3A_164 = arith.constant 0 : i32
    %dma_start3A_165 = arith.constant 0 : i32
    %dma_start3A_166 = tpu.memref_slice %arg2[%dma_start3A_164, %dma_start3A_165] : memref<10240x16xf32, #tpu.memory_space<hbm>> -> memref<10240x16xf32, #tpu.memory_space<hbm>>
    tpu.enqueue_indirect_dma source(%dma_start3A_166 : memref<10240x16xf32, #tpu.memory_space<hbm>>) target(%arg9 : memref<128x16xf32, #tpu.memory_space<vmem>>) offsets(%dma_start3A_163 : memref<128xi32, #tpu.memory_space<vmem>>) semaphore(%arg13 : memref<!tpu.dma_semaphore, #tpu.memory_space<semaphore_mem>>)
    %dma_wait3A_167 = arith.constant 77 : i32
    %dma_wait3A_168 = arith.constant 0 : i32
    %dma_wait3A_169 = tpu.memref_slice %arg7[%dma_wait3A_167, %dma_wait3A_168] : memref<79x128xi32, #tpu.memory_space<vmem>> -> memref<1x128xi32, #tpu.memory_space<vmem>>
    %dma_wait3A_170 = tpu.memref_squeeze %dma_wait3A_169 : memref<1x128xi32, #tpu.memory_space<vmem>> -> memref<128xi32, #tpu.memory_space<vmem>>
    %dma_wait3A_171 = arith.constant 0 : i32
    %dma_wait3A_172 = arith.constant 0 : i32
    %dma_wait3A_173 = tpu.memref_slice %arg2[%dma_wait3A_171, %dma_wait3A_172] : memref<10240x16xf32, #tpu.memory_space<hbm>> -> memref<10240x16xf32, #tpu.memory_space<hbm>>
    tpu.wait_indirect_dma semaphore(%arg13 : memref<!tpu.dma_semaphore, #tpu.memory_space<semaphore_mem>>) src(%dma_wait3A_173 : memref<10240x16xf32, #tpu.memory_space<hbm>>) dst(%arg9 : memref<128x16xf32, #tpu.memory_space<vmem>>)
    %dma_start3A_174 = arith.constant 77 : i32
    %dma_start3A_175 = arith.constant 0 : i32
    %dma_start3A_176 = tpu.memref_slice %arg8[%dma_start3A_174, %dma_start3A_175] : memref<79x128xi32, #tpu.memory_space<vmem>> -> memref<1x128xi32, #tpu.memory_space<vmem>>
    %dma_start3A_177 = tpu.memref_squeeze %dma_start3A_176 : memref<1x128xi32, #tpu.memory_space<vmem>> -> memref<128xi32, #tpu.memory_space<vmem>>
    %dma_start3A_178 = arith.constant 0 : i32
    %dma_start3A_179 = arith.constant 0 : i32
    %dma_start3A_180 = tpu.memref_slice %arg21[%dma_start3A_178, %dma_start3A_179] : memref<10240x16xf32, #tpu.memory_space<vmem_shared>> -> memref<10240x16xf32, #tpu.memory_space<vmem_shared>>
    tpu.enqueue_indirect_dma source(%arg9 : memref<128x16xf32, #tpu.memory_space<vmem>>) target(%dma_start3A_180 : memref<10240x16xf32, #tpu.memory_space<vmem_shared>>) offsets(%dma_start3A_177 : memref<128xi32, #tpu.memory_space<vmem>>) semaphore(%arg17 : memref<!tpu.dma_semaphore, #tpu.memory_space<semaphore_mem>>) {add = true}
    %dma_wait3A_181 = arith.constant 77 : i32
    %dma_wait3A_182 = arith.constant 0 : i32
    %dma_wait3A_183 = tpu.memref_slice %arg8[%dma_wait3A_181, %dma_wait3A_182] : memref<79x128xi32, #tpu.memory_space<vmem>> -> memref<1x128xi32, #tpu.memory_space<vmem>>
    %dma_wait3A_184 = tpu.memref_squeeze %dma_wait3A_183 : memref<1x128xi32, #tpu.memory_space<vmem>> -> memref<128xi32, #tpu.memory_space<vmem>>
    %dma_wait3A_185 = arith.constant 0 : i32
    %dma_wait3A_186 = arith.constant 0 : i32
    %dma_wait3A_187 = tpu.memref_slice %arg21[%dma_wait3A_185, %dma_wait3A_186] : memref<10240x16xf32, #tpu.memory_space<vmem_shared>> -> memref<10240x16xf32, #tpu.memory_space<vmem_shared>>
    tpu.wait_indirect_dma semaphore(%arg17 : memref<!tpu.dma_semaphore, #tpu.memory_space<semaphore_mem>>) src(%arg9 : memref<128x16xf32, #tpu.memory_space<vmem>>) dst(%dma_wait3A_187 : memref<10240x16xf32, #tpu.memory_space<vmem_shared>>)
    %dma_start3A_188 = arith.constant 78 : i32
    %dma_start3A_189 = arith.constant 0 : i32
    %dma_start3A_190 = tpu.memref_slice %arg7[%dma_start3A_188, %dma_start3A_189] : memref<79x128xi32, #tpu.memory_space<vmem>> -> memref<1x128xi32, #tpu.memory_space<vmem>>
    %dma_start3A_191 = tpu.memref_squeeze %dma_start3A_190 : memref<1x128xi32, #tpu.memory_space<vmem>> -> memref<128xi32, #tpu.memory_space<vmem>>
    %dma_start3A_192 = arith.constant 0 : i32
    %dma_start3A_193 = arith.constant 0 : i32
    %dma_start3A_194 = tpu.memref_slice %arg2[%dma_start3A_192, %dma_start3A_193] : memref<10240x16xf32, #tpu.memory_space<hbm>> -> memref<10240x16xf32, #tpu.memory_space<hbm>>
    tpu.enqueue_indirect_dma source(%dma_start3A_194 : memref<10240x16xf32, #tpu.memory_space<hbm>>) target(%arg9 : memref<128x16xf32, #tpu.memory_space<vmem>>) offsets(%dma_start3A_191 : memref<128xi32, #tpu.memory_space<vmem>>) semaphore(%arg13 : memref<!tpu.dma_semaphore, #tpu.memory_space<semaphore_mem>>)
    %dma_wait3A_195 = arith.constant 78 : i32
    %dma_wait3A_196 = arith.constant 0 : i32
    %dma_wait3A_197 = tpu.memref_slice %arg7[%dma_wait3A_195, %dma_wait3A_196] : memref<79x128xi32, #tpu.memory_space<vmem>> -> memref<1x128xi32, #tpu.memory_space<vmem>>
    %dma_wait3A_198 = tpu.memref_squeeze %dma_wait3A_197 : memref<1x128xi32, #tpu.memory_space<vmem>> -> memref<128xi32, #tpu.memory_space<vmem>>
    %dma_wait3A_199 = arith.constant 0 : i32
    %dma_wait3A_200 = arith.constant 0 : i32
    %dma_wait3A_201 = tpu.memref_slice %arg2[%dma_wait3A_199, %dma_wait3A_200] : memref<10240x16xf32, #tpu.memory_space<hbm>> -> memref<10240x16xf32, #tpu.memory_space<hbm>>
    tpu.wait_indirect_dma semaphore(%arg13 : memref<!tpu.dma_semaphore, #tpu.memory_space<semaphore_mem>>) src(%dma_wait3A_201 : memref<10240x16xf32, #tpu.memory_space<hbm>>) dst(%arg9 : memref<128x16xf32, #tpu.memory_space<vmem>>)
    %dma_start3A_202 = arith.constant 78 : i32
    %dma_start3A_203 = arith.constant 0 : i32
    %dma_start3A_204 = tpu.memref_slice %arg8[%dma_start3A_202, %dma_start3A_203] : memref<79x128xi32, #tpu.memory_space<vmem>> -> memref<1x128xi32, #tpu.memory_space<vmem>>
    %dma_start3A_205 = tpu.memref_squeeze %dma_start3A_204 : memref<1x128xi32, #tpu.memory_space<vmem>> -> memref<128xi32, #tpu.memory_space<vmem>>
    %dma_start3A_206 = arith.constant 0 : i32
    %dma_start3A_207 = arith.constant 0 : i32
    %dma_start3A_208 = tpu.memref_slice %arg21[%dma_start3A_206, %dma_start3A_207] : memref<10240x16xf32, #tpu.memory_space<vmem_shared>> -> memref<10240x16xf32, #tpu.memory_space<vmem_shared>>
    tpu.enqueue_indirect_dma source(%arg9 : memref<128x16xf32, #tpu.memory_space<vmem>>) target(%dma_start3A_208 : memref<10240x16xf32, #tpu.memory_space<vmem_shared>>) offsets(%dma_start3A_205 : memref<128xi32, #tpu.memory_space<vmem>>) semaphore(%arg17 : memref<!tpu.dma_semaphore, #tpu.memory_space<semaphore_mem>>) {add = true}
    %dma_wait3A_209 = arith.constant 78 : i32
    %dma_wait3A_210 = arith.constant 0 : i32
    %dma_wait3A_211 = tpu.memref_slice %arg8[%dma_wait3A_209, %dma_wait3A_210] : memref<79x128xi32, #tpu.memory_space<vmem>> -> memref<1x128xi32, #tpu.memory_space<vmem>>
    %dma_wait3A_212 = tpu.memref_squeeze %dma_wait3A_211 : memref<1x128xi32, #tpu.memory_space<vmem>> -> memref<128xi32, #tpu.memory_space<vmem>>
    %dma_wait3A_213 = arith.constant 0 : i32
    %dma_wait3A_214 = arith.constant 0 : i32
    %dma_wait3A_215 = tpu.memref_slice %arg21[%dma_wait3A_213, %dma_wait3A_214] : memref<10240x16xf32, #tpu.memory_space<vmem_shared>> -> memref<10240x16xf32, #tpu.memory_space<vmem_shared>>
    tpu.wait_indirect_dma semaphore(%arg17 : memref<!tpu.dma_semaphore, #tpu.memory_space<semaphore_mem>>) src(%arg9 : memref<128x16xf32, #tpu.memory_space<vmem>>) dst(%dma_wait3A_215 : memref<10240x16xf32, #tpu.memory_space<vmem_shared>>)
    %barrier3A_216 = arith.constant 0 : index
    tpu.barrier barrier_id(%barrier3A_216)
    %scan3A_217 = arith.constant 0 : i32
    %scan3A_218 = arith.constant 0 : i32
    %scan3A_219 = arith.constant 5 : i32
    %scan3A_220 = arith.addi %scan3A_218, %scan3A_219 : i32
    %scan3A_221 = arith.constant 1 : i32
    %scan3A_222 = scf.for %scan3A_224 = %scan3A_218 to %scan3A_220 step %scan3A_221 iter_args(%scan3A_225 = %scan3A_217) -> (i32)  : i32 {
      %mul3A_226 = arith.constant 640 : i32
      %mul3A_227 = arith.muli %arg1, %mul3A_226 : i32
      %mul3A_228 = arith.constant 128 : i32
      %mul3A_229 = arith.muli %scan3A_224, %mul3A_228 : i32
      %add3A_230 = arith.addi %mul3A_227, %mul3A_229 : i32
      "tpu.region"() ({
        %run_scoped3A = tpu.sem_alloc : memref<!tpu.dma_semaphore, #tpu.memory_space<semaphore_mem>>
        %dma_start3A_232 = arith.constant 0 : i32
        %dma_start3A_233 = tpu.memref_slice %arg5[%arg0, %add3A_230, %dma_start3A_232] : memref<2x10240x16xf32, #tpu.memory_space<hbm>> -> memref<1x128x16xf32, #tpu.memory_space<hbm>>
        %dma_start3A_234 = tpu.memref_squeeze %dma_start3A_233 : memref<1x128x16xf32, #tpu.memory_space<hbm>> -> memref<128x16xf32, #tpu.memory_space<hbm>>
        %dma_start3A_235 = arith.constant 0 : i32
        %dma_start3A_236 = tpu.memref_slice %arg21[%add3A_230, %dma_start3A_235] : memref<10240x16xf32, #tpu.memory_space<vmem_shared>> -> memref<128x16xf32, #tpu.memory_space<vmem_shared>>
        tpu.enqueue_dma source(%dma_start3A_236 : memref<128x16xf32, #tpu.memory_space<vmem_shared>>) target(%dma_start3A_234 : memref<128x16xf32, #tpu.memory_space<hbm>>) target_semaphore(%run_scoped3A : memref<!tpu.dma_semaphore, #tpu.memory_space<semaphore_mem>>)
        %dma_wait3A_237 = arith.constant 0 : i32
        %dma_wait3A_238 = tpu.memref_slice %arg5[%arg0, %add3A_230, %dma_wait3A_237] : memref<2x10240x16xf32, #tpu.memory_space<hbm>> -> memref<1x128x16xf32, #tpu.memory_space<hbm>>
        %dma_wait3A_239 = tpu.memref_squeeze %dma_wait3A_238 : memref<1x128x16xf32, #tpu.memory_space<hbm>> -> memref<128x16xf32, #tpu.memory_space<hbm>>
        %dma_wait3A_240 = arith.constant 0 : i32
        %dma_wait3A_241 = tpu.memref_slice %arg21[%add3A_230, %dma_wait3A_240] : memref<10240x16xf32, #tpu.memory_space<vmem_shared>> -> memref<128x16xf32, #tpu.memory_space<vmem_shared>>
        tpu.wait_dma2 semaphore(%run_scoped3A : memref<!tpu.dma_semaphore, #tpu.memory_space<semaphore_mem>>) src(%dma_wait3A_241 : memref<128x16xf32, #tpu.memory_space<vmem_shared>>) dst(%dma_wait3A_239 : memref<128x16xf32, #tpu.memory_space<hbm>>)
        tpu.yield
      }) : () -> ()
      %scan3A_231 = arith.constant 0 : i32
      scf.yield %scan3A_231 : i32
    }
    %scan3A_223 = arith.constant 5 : i32
    return
  }
}

module attributes {stable_mosaic.version = 14 : i64} {
  func.func @_mm1_body(%arg0: i32, %arg1: i32, %arg2: memref<1024x128xf32, #tpu.memory_space<vmem>>, %arg3: memref<1x128x64xf32, #tpu.memory_space<vmem>>, %arg4: memref<2x1024x16xf32, #tpu.memory_space<vmem>>, %arg5: memref<1x1024x64xf32, #tpu.memory_space<vmem>>) attributes {dimension_semantics = [#tpu.dimension_semantics<arbitrary>, #tpu.dimension_semantics<arbitrary>], iteration_bounds = array<i64: 10, 2>, scalar_prefetch = 0 : i64, scratch_operands = 0 : i64, tpu.core_type = #tpu.core_type<tc>, window_params = [{transform_indices = @transform_0, window_bounds = array<i64: 1024, 128>}, {transform_indices = @transform_1, window_bounds = array<i64: 1, 128, 64>}, {transform_indices = @transform_2, window_bounds = array<i64: 2, 1024, 16>}, {transform_indices = @transform_3, window_bounds = array<i64: 1, 1024, 64>}]} {
    %get3A = arith.constant 0 : index
    %get3A_0 = arith.constant 0 : index
    %get3A_1 = arith.constant 0 : index
    %get3A_2 = vector.load %arg4[%get3A, %get3A_0, %get3A_1] : memref<2x1024x16xf32, #tpu.memory_space<vmem>>, vector<1x1024x16xf32>
    %get3A_3 = vector.shape_cast %get3A_2 : vector<1x1024x16xf32> to vector<1024x16xf32>
    %get3A_4 = arith.constant 1 : index
    %get3A_5 = arith.constant 0 : index
    %get3A_6 = arith.constant 0 : index
    %get3A_7 = vector.load %arg4[%get3A_4, %get3A_5, %get3A_6] : memref<2x1024x16xf32, #tpu.memory_space<vmem>>, vector<1x1024x16xf32>
    %get3A_8 = vector.shape_cast %get3A_7 : vector<1x1024x16xf32> to vector<1024x16xf32>
    %add3A = arith.addf %get3A_3, %get3A_8 : vector<1024x16xf32>
    %add3A_9 = arith.constant 1.000000e+00 : f32
    %add3A_10 = vector.broadcast %add3A_9 : f32 to vector<1024x16xf32>
    %add3A_11 = arith.addf %add3A, %add3A_10 : vector<1024x16xf32>
    %rsqrt3A = math.rsqrt %add3A_11 : vector<1024x16xf32>
    %slice3A = vector.extract_strided_slice %rsqrt3A {offsets = [0, 0], sizes = [1024, 1], strides = [1, 1]} : vector<1024x16xf32> to vector<1024x1xf32>
    %get3A_12 = arith.constant 0 : index
    %get3A_13 = arith.constant 0 : index
    %get3A_14 = vector.load %arg2[%get3A_12, %get3A_13] : memref<1024x128xf32, #tpu.memory_space<vmem>>, vector<1024x128xf32>
    %get3A_15 = arith.constant 0 : index
    %get3A_16 = arith.constant 0 : index
    %get3A_17 = arith.constant 0 : index
    %get3A_18 = vector.load %arg3[%get3A_15, %get3A_16, %get3A_17] : memref<1x128x64xf32, #tpu.memory_space<vmem>>, vector<1x128x64xf32>
    %get3A_19 = vector.shape_cast %get3A_18 : vector<1x128x64xf32> to vector<128x64xf32>
    %dot_general3A = arith.constant dense<0.000000e+00> : vector<1024x64xf32>
    %dot_general3A_20 = tpu.matmul %get3A_14, %get3A_19, %dot_general3A {dimension_numbers = #tpu.dot_dimension_numbers<[1], [0], [0], [1], [0, 0, 1, 1], [], []>, transpose_lhs_hint = false} : vector<1024x128xf32>, vector<128x64xf32>, vector<1024x64xf32> -> vector<1024x64xf32>
    %mul3A = vector.broadcast %slice3A : vector<1024x1xf32> to vector<1024x64xf32>
    %mul3A_21 = arith.mulf %dot_general3A_20, %mul3A : vector<1024x64xf32>
    %swap3A = arith.constant 0 : index
    %swap3A_22 = arith.constant 0 : index
    %swap3A_23 = arith.constant 0 : index
    %swap3A_24 = vector.load %arg5[%swap3A, %swap3A_22, %swap3A_23] : memref<1x1024x64xf32, #tpu.memory_space<vmem>>, vector<1x1024x64xf32>
    %swap3A_25 = vector.shape_cast %swap3A_24 : vector<1x1024x64xf32> to vector<1024x64xf32>
    %swap3A_26 = vector.shape_cast %mul3A_21 : vector<1024x64xf32> to vector<1x1024x64xf32>
    tpu.vector_store %arg5[%swap3A, %swap3A_22, %swap3A_23], %swap3A_26 {strides = array<i32>} : memref<1x1024x64xf32, #tpu.memory_space<vmem>>, vector<1x1024x64xf32>,
    return
  }
  func.func @transform_0(%arg0: i32, %arg1: i32) -> (i32, i32) {
    %c0_i32 = arith.constant 0 : i32
    %c0_i32_0 = arith.constant 0 : i32
    return %arg0, %c0_i32 : i32, i32
  }
  func.func @transform_1(%arg0: i32, %arg1: i32) -> (i32, i32, i32) {
    %c0_i32 = arith.constant 0 : i32
    %c0_i32_0 = arith.constant 0 : i32
    %c0_i32_1 = arith.constant 0 : i32
    return %arg1, %c0_i32, %c0_i32_0 : i32, i32, i32
  }
  func.func @transform_2(%arg0: i32, %arg1: i32) -> (i32, i32, i32) {
    %c0_i32 = arith.constant 0 : i32
    %c0_i32_0 = arith.constant 0 : i32
    %c0_i32_1 = arith.constant 0 : i32
    return %c0_i32, %arg0, %c0_i32_0 : i32, i32, i32
  }
  func.func @transform_3(%arg0: i32, %arg1: i32) -> (i32, i32, i32) {
    %c0_i32 = arith.constant 0 : i32
    %c0_i32_0 = arith.constant 0 : i32
    return %arg1, %arg0, %c0_i32 : i32, i32, i32
  }
}

module attributes {stable_mosaic.version = 14 : i64} {
  func.func @_mm2_body(%arg0: i32, %arg1: memref<2x1024x64xf32, #tpu.memory_space<vmem>>, %arg2: memref<2x1024x64xf32, #tpu.memory_space<vmem>>, %arg3: memref<2x1024x16xf32, #tpu.memory_space<vmem>>, %arg4: memref<128x16xf32, #tpu.memory_space<vmem>>, %arg5: memref<1x128xf32, #tpu.memory_space<vmem>>, %arg6: memref<1024x16xf32, #tpu.memory_space<vmem>>) attributes {dimension_semantics = [#tpu.dimension_semantics<arbitrary>], iteration_bounds = array<i64: 10>, scalar_prefetch = 0 : i64, scratch_operands = 0 : i64, tpu.core_type = #tpu.core_type<tc>, window_params = [{transform_indices = @transform_0, window_bounds = array<i64: 2, 1024, 64>}, {transform_indices = @transform_1, window_bounds = array<i64: 2, 1024, 64>}, {transform_indices = @transform_2, window_bounds = array<i64: 2, 1024, 16>}, {pipeline_mode = #tpu.pipeline_mode<synchronous>, transform_indices = @transform_3, window_bounds = array<i64: 128, 16>}, {pipeline_mode = #tpu.pipeline_mode<synchronous>, transform_indices = @transform_4, window_bounds = array<i64: 1, 128>}, {transform_indices = @transform_5, window_bounds = array<i64: 1024, 16>}]} {
    %get3A = arith.constant 0 : index
    %get3A_0 = arith.constant 0 : index
    %get3A_1 = arith.constant 0 : index
    %get3A_2 = vector.load %arg3[%get3A, %get3A_0, %get3A_1] : memref<2x1024x16xf32, #tpu.memory_space<vmem>>, vector<1x1024x16xf32>
    %get3A_3 = vector.shape_cast %get3A_2 : vector<1x1024x16xf32> to vector<1024x16xf32>
    %get3A_4 = arith.constant 1 : index
    %get3A_5 = arith.constant 0 : index
    %get3A_6 = arith.constant 0 : index
    %get3A_7 = vector.load %arg3[%get3A_4, %get3A_5, %get3A_6] : memref<2x1024x16xf32, #tpu.memory_space<vmem>>, vector<1x1024x16xf32>
    %get3A_8 = vector.shape_cast %get3A_7 : vector<1x1024x16xf32> to vector<1024x16xf32>
    %add3A = arith.addf %get3A_3, %get3A_8 : vector<1024x16xf32>
    %add3A_9 = arith.constant 1.000000e+00 : f32
    %add3A_10 = vector.broadcast %add3A_9 : f32 to vector<1024x16xf32>
    %add3A_11 = arith.addf %add3A, %add3A_10 : vector<1024x16xf32>
    %rsqrt3A = math.rsqrt %add3A_11 : vector<1024x16xf32>
    %slice3A = vector.extract_strided_slice %rsqrt3A {offsets = [0, 0], sizes = [1024, 1], strides = [1, 1]} : vector<1024x16xf32> to vector<1024x1xf32>
    %get3A_12 = arith.constant 0 : index
    %get3A_13 = arith.constant 0 : index
    %get3A_14 = arith.constant 0 : index
    %get3A_15 = vector.load %arg1[%get3A_12, %get3A_13, %get3A_14] : memref<2x1024x64xf32, #tpu.memory_space<vmem>>, vector<1x1024x64xf32>
    %get3A_16 = vector.shape_cast %get3A_15 : vector<1x1024x64xf32> to vector<1024x64xf32>
    %get3A_17 = arith.constant 0 : index
    %get3A_18 = arith.constant 0 : index
    %get3A_19 = arith.constant 0 : index
    %get3A_20 = vector.load %arg2[%get3A_17, %get3A_18, %get3A_19] : memref<2x1024x64xf32, #tpu.memory_space<vmem>>, vector<1x1024x64xf32>
    %get3A_21 = vector.shape_cast %get3A_20 : vector<1x1024x64xf32> to vector<1024x64xf32>
    %add3A_22 = arith.addf %get3A_16, %get3A_21 : vector<1024x64xf32>
    %get3A_23 = arith.constant 1 : index
    %get3A_24 = arith.constant 0 : index
    %get3A_25 = arith.constant 0 : index
    %get3A_26 = vector.load %arg1[%get3A_23, %get3A_24, %get3A_25] : memref<2x1024x64xf32, #tpu.memory_space<vmem>>, vector<1x1024x64xf32>
    %get3A_27 = vector.shape_cast %get3A_26 : vector<1x1024x64xf32> to vector<1024x64xf32>
    %get3A_28 = arith.constant 1 : index
    %get3A_29 = arith.constant 0 : index
    %get3A_30 = arith.constant 0 : index
    %get3A_31 = vector.load %arg2[%get3A_28, %get3A_29, %get3A_30] : memref<2x1024x64xf32, #tpu.memory_space<vmem>>, vector<1x1024x64xf32>
    %get3A_32 = vector.shape_cast %get3A_31 : vector<1x1024x64xf32> to vector<1024x64xf32>
    %add3A_33 = arith.addf %get3A_27, %get3A_32 : vector<1024x64xf32>
    %concatenate3A = tpu.concatenate %add3A_22, %add3A_33 in 1 : vector<1024x64xf32>, vector<1024x64xf32> -> vector<1024x128xf32>
    %mul3A = vector.broadcast %slice3A : vector<1024x1xf32> to vector<1024x128xf32>
    %mul3A_34 = arith.mulf %concatenate3A, %mul3A : vector<1024x128xf32>
    %get3A_35 = arith.constant 0 : index
    %get3A_36 = arith.constant 0 : index
    %get3A_37 = vector.load %arg5[%get3A_35, %get3A_36] : memref<1x128xf32, #tpu.memory_space<vmem>>, vector<1x128xf32>
    %add3A_38 = vector.broadcast %get3A_37 : vector<1x128xf32> to vector<1024x128xf32>
    %add3A_39 = arith.addf %mul3A_34, %add3A_38 : vector<1024x128xf32>
    %max3A = arith.constant 0.000000e+00 : f32
    %max3A_40 = vector.broadcast %max3A : f32 to vector<1024x128xf32>
    %max3A_41 = arith.maximumf %add3A_39, %max3A_40 : vector<1024x128xf32>
    %mul3A_42 = vector.broadcast %slice3A : vector<1024x1xf32> to vector<1024x128xf32>
    %mul3A_43 = arith.mulf %max3A_41, %mul3A_42 : vector<1024x128xf32>
    %get3A_44 = arith.constant 0 : index
    %get3A_45 = arith.constant 0 : index
    %get3A_46 = vector.load %arg4[%get3A_44, %get3A_45] : memref<128x16xf32, #tpu.memory_space<vmem>>, vector<128x16xf32>
    %dot_general3A = arith.constant dense<0.000000e+00> : vector<1024x16xf32>
    %dot_general3A_47 = tpu.matmul %mul3A_43, %get3A_46, %dot_general3A {dimension_numbers = #tpu.dot_dimension_numbers<[1], [0], [0], [1], [0, 0, 1, 1], [], []>, transpose_lhs_hint = false} : vector<1024x128xf32>, vector<128x16xf32>, vector<1024x16xf32> -> vector<1024x16xf32>
    %mul3A_48 = arith.constant 1024 : i32
    %mul3A_49 = arith.muli %arg0, %mul3A_48 : i32
    %iota3A = tpu.iota {dimensions = array<i32: 0>} : vector<1024x16xi32>
    %add3A_50 = vector.broadcast %mul3A_49 : i32 to vector<1024x16xi32>
    %add3A_51 = arith.addi %add3A_50, %iota3A : vector<1024x16xi32>
    %lt3A = arith.constant 10000 : i32
    %lt3A_52 = vector.broadcast %lt3A : i32 to vector<1024x16xi32>
    %lt3A_53 = arith.cmpi slt, %add3A_51, %lt3A_52 : vector<1024x16xi32>
    %jit3A = arith.constant 0.000000e+00 : f32
    %broadcast_in_dim3A = vector.broadcast %jit3A : f32 to vector<1024x16xf32>
    %select_n3A = arith.select %lt3A_53, %dot_general3A_47, %broadcast_in_dim3A : vector<1024x16xi1>, vector<1024x16xf32>
    %swap3A = arith.constant 0 : index
    %swap3A_54 = arith.constant 0 : index
    %swap3A_55 = vector.load %arg6[%swap3A, %swap3A_54] : memref<1024x16xf32, #tpu.memory_space<vmem>>, vector<1024x16xf32>
    tpu.vector_store %arg6[%swap3A, %swap3A_54], %select_n3A {strides = array<i32>} : memref<1024x16xf32, #tpu.memory_space<vmem>>, vector<1024x16xf32>,
    return
  }
  func.func @transform_0(%arg0: i32) -> (i32, i32, i32) {
    %c0_i32 = arith.constant 0 : i32
    %c0_i32_0 = arith.constant 0 : i32
    %c0_i32_1 = arith.constant 0 : i32
    return %c0_i32, %arg0, %c0_i32_0 : i32, i32, i32
  }
  func.func @transform_1(%arg0: i32) -> (i32, i32, i32) {
    %c0_i32 = arith.constant 0 : i32
    %c0_i32_0 = arith.constant 0 : i32
    %c0_i32_1 = arith.constant 0 : i32
    return %c0_i32, %arg0, %c0_i32_0 : i32, i32, i32
  }
  func.func @transform_2(%arg0: i32) -> (i32, i32, i32) {
    %c0_i32 = arith.constant 0 : i32
    %c0_i32_0 = arith.constant 0 : i32
    %c0_i32_1 = arith.constant 0 : i32
    return %c0_i32, %arg0, %c0_i32_0 : i32, i32, i32
  }
  func.func @transform_3(%arg0: i32) -> (i32, i32) {
    %c0_i32 = arith.constant 0 : i32
    %c0_i32_0 = arith.constant 0 : i32
    %c0_i32_1 = arith.constant 0 : i32
    return %c0_i32, %c0_i32_0 : i32, i32
  }
  func.func @transform_4(%arg0: i32) -> (i32, i32) {
    %c0_i32 = arith.constant 0 : i32
    %c0_i32_0 = arith.constant 0 : i32
    %c0_i32_1 = arith.constant 0 : i32
    return %c0_i32, %c0_i32_0 : i32, i32
  }
  func.func @transform_5(%arg0: i32) -> (i32, i32) {
    %c0_i32 = arith.constant 0 : i32
    %c0_i32_0 = arith.constant 0 : i32
    return %arg0, %c0_i32 : i32, i32
  }
}

module attributes {stable_mosaic.version = 14 : i64} {
  func.func @_final_body(%arg0: i32, %arg1: memref<2x1024x16xf32, #tpu.memory_space<vmem>>, %arg2: memref<1024x16xf32, #tpu.memory_space<vmem>>, %arg3: memref<2x1024x16xf32, #tpu.memory_space<vmem>>, %arg4: memref<1x16xf32, #tpu.memory_space<vmem>>, %arg5: memref<1024x16xf32, #tpu.memory_space<vmem>>) attributes {dimension_semantics = [#tpu.dimension_semantics<arbitrary>], iteration_bounds = array<i64: 10>, scalar_prefetch = 0 : i64, scratch_operands = 0 : i64, tpu.core_type = #tpu.core_type<tc>, window_params = [{transform_indices = @transform_0, window_bounds = array<i64: 2, 1024, 16>}, {transform_indices = @transform_1, window_bounds = array<i64: 1024, 16>}, {transform_indices = @transform_2, window_bounds = array<i64: 2, 1024, 16>}, {pipeline_mode = #tpu.pipeline_mode<synchronous>, transform_indices = @transform_3, window_bounds = array<i64: 1, 16>}, {transform_indices = @transform_4, window_bounds = array<i64: 1024, 16>}]} {
    %get3A = arith.constant 0 : index
    %get3A_0 = arith.constant 0 : index
    %get3A_1 = arith.constant 0 : index
    %get3A_2 = vector.load %arg3[%get3A, %get3A_0, %get3A_1] : memref<2x1024x16xf32, #tpu.memory_space<vmem>>, vector<1x1024x16xf32>
    %get3A_3 = vector.shape_cast %get3A_2 : vector<1x1024x16xf32> to vector<1024x16xf32>
    %get3A_4 = arith.constant 1 : index
    %get3A_5 = arith.constant 0 : index
    %get3A_6 = arith.constant 0 : index
    %get3A_7 = vector.load %arg3[%get3A_4, %get3A_5, %get3A_6] : memref<2x1024x16xf32, #tpu.memory_space<vmem>>, vector<1x1024x16xf32>
    %get3A_8 = vector.shape_cast %get3A_7 : vector<1x1024x16xf32> to vector<1024x16xf32>
    %add3A = arith.addf %get3A_3, %get3A_8 : vector<1024x16xf32>
    %add3A_9 = arith.constant 1.000000e+00 : f32
    %add3A_10 = vector.broadcast %add3A_9 : f32 to vector<1024x16xf32>
    %add3A_11 = arith.addf %add3A, %add3A_10 : vector<1024x16xf32>
    %rsqrt3A = math.rsqrt %add3A_11 : vector<1024x16xf32>
    %slice3A = vector.extract_strided_slice %rsqrt3A {offsets = [0, 0], sizes = [1024, 1], strides = [1, 1]} : vector<1024x16xf32> to vector<1024x1xf32>
    %get3A_12 = arith.constant 0 : index
    %get3A_13 = arith.constant 0 : index
    %get3A_14 = arith.constant 0 : index
    %get3A_15 = vector.load %arg1[%get3A_12, %get3A_13, %get3A_14] : memref<2x1024x16xf32, #tpu.memory_space<vmem>>, vector<1x1024x16xf32>
    %get3A_16 = vector.shape_cast %get3A_15 : vector<1x1024x16xf32> to vector<1024x16xf32>
    %get3A_17 = arith.constant 1 : index
    %get3A_18 = arith.constant 0 : index
    %get3A_19 = arith.constant 0 : index
    %get3A_20 = vector.load %arg1[%get3A_17, %get3A_18, %get3A_19] : memref<2x1024x16xf32, #tpu.memory_space<vmem>>, vector<1x1024x16xf32>
    %get3A_21 = vector.shape_cast %get3A_20 : vector<1x1024x16xf32> to vector<1024x16xf32>
    %add3A_22 = arith.addf %get3A_16, %get3A_21 : vector<1024x16xf32>
    %get3A_23 = arith.constant 0 : index
    %get3A_24 = arith.constant 0 : index
    %get3A_25 = vector.load %arg2[%get3A_23, %get3A_24] : memref<1024x16xf32, #tpu.memory_space<vmem>>, vector<1024x16xf32>
    %add3A_26 = arith.addf %add3A_22, %get3A_25 : vector<1024x16xf32>
    %mul3A = vector.broadcast %slice3A : vector<1024x1xf32> to vector<1024x16xf32>
    %mul3A_27 = arith.mulf %add3A_26, %mul3A : vector<1024x16xf32>
    %get3A_28 = arith.constant 0 : index
    %get3A_29 = arith.constant 0 : index
    %get3A_30 = vector.load %arg4[%get3A_28, %get3A_29] : memref<1x16xf32, #tpu.memory_space<vmem>>, vector<1x16xf32>
    %add3A_31 = vector.broadcast %get3A_30 : vector<1x16xf32> to vector<1024x16xf32>
    %add3A_32 = arith.addf %mul3A_27, %add3A_31 : vector<1024x16xf32>
    %swap3A = arith.constant 0 : index
    %swap3A_33 = arith.constant 0 : index
    %swap3A_34 = vector.load %arg5[%swap3A, %swap3A_33] : memref<1024x16xf32, #tpu.memory_space<vmem>>, vector<1024x16xf32>
    tpu.vector_store %arg5[%swap3A, %swap3A_33], %add3A_32 {strides = array<i32>} : memref<1024x16xf32, #tpu.memory_space<vmem>>, vector<1024x16xf32>,
    return
  }
  func.func @transform_0(%arg0: i32) -> (i32, i32, i32) {
    %c0_i32 = arith.constant 0 : i32
    %c0_i32_0 = arith.constant 0 : i32
    %c0_i32_1 = arith.constant 0 : i32
    return %c0_i32, %arg0, %c0_i32_0 : i32, i32, i32
  }
  func.func @transform_1(%arg0: i32) -> (i32, i32) {
    %c0_i32 = arith.constant 0 : i32
    %c0_i32_0 = arith.constant 0 : i32
    return %arg0, %c0_i32 : i32, i32
  }
  func.func @transform_2(%arg0: i32) -> (i32, i32, i32) {
    %c0_i32 = arith.constant 0 : i32
    %c0_i32_0 = arith.constant 0 : i32
    %c0_i32_1 = arith.constant 0 : i32
    return %c0_i32, %arg0, %c0_i32_0 : i32, i32, i32
  }
  func.func @transform_3(%arg0: i32) -> (i32, i32) {
    %c0_i32 = arith.constant 0 : i32
    %c0_i32_0 = arith.constant 0 : i32
    %c0_i32_1 = arith.constant 0 : i32
    return %c0_i32, %c0_i32_0 : i32, i32
  }
  func.func @transform_4(%arg0: i32) -> (i32, i32) {
    %c0_i32 = arith.constant 0 : i32
    %c0_i32_0 = arith.constant 0 : i32
    return %arg0, %c0_i32 : i32, i32
  }
}

</mosaic_0001>

<sc_bundles>
// kernel: kernel.11.cloned.1.call-start
scs
__scs_entry_jumppad:
0x0: {  	(pc) =	sbr.rel $0x88, $3  }
0x1: {  	(tag) =	ssettag $0x0;
	lr =	simm.s32 $0x1  }
0x2: {  	[smem:$0x3F9B] =	sst lr;
	_ =	strace $0xD0000000  }
0x3: {  	_ = 	snop  }
0x4: {  	_ = 	snop  }
0x5: {  	_ = 	snop  }
0x6: {  	_ = 	snop  }
0x7: {  	_ = 	snop  }
__scs_overlays_trampoline_lowered:
0x8: {  	[smem:$0x3FAA] =	sst s0  }
0x9: {  	[smem:$0x3FAB] =	sst s1  }
0xa: {  	[smem:$0x3FAC] =	sst s2  }
0xb: {  	[smem:$0x3FAD] =	sst s3  }
0xc: {  	[smem:$0x3FAE] =	sst s4  }
0xd: {  	[smem:$0x3FAF] =	sst s5  }
0xe: {  	[smem:$0x3FB0] =	sst s6  }
0xf: {  	[smem:$0x3FB1] =	sst s7  }
0x10: {  	[smem:$0x3FB2] =	sst s8  }
0x11: {  	[smem:$0x3FB3] =	sst s9;
	s0 =	simm.s32 @!p0 $0x0  }
0x12: {  	s1 =	sld [smem:$0x3F99];
	s0 =	simm.s32 @p0 $0x1  }
0x13: {  	[smem:$0x3FB4] =	sst s0;
	s0 =	simm.s32 @!p1 $0x0  }
0x14: {  	s2 =	sld [smem:$0x3F98];
	s0 =	simm.s32 @p1 $0x1  }
0x15: {  	[smem:$0x3FB5] =	sst s0;
	s0 =	simm.s32 @!p2 $0x0  }
0x16: {  	s3 =	sld [smem:$0x3FDB];
	s0 =	simm.s32 @p2 $0x1  }
0x17: {  	s4 =	simm.s32 $0x1BF5;
	[smem:$0x3FB7] =	sst s0  }
0x18: {  	s0 =	sld [smem:$0x3F9A];
	_ =	swait.ge [sflag:s4], $0x0  }
0x19: {  	s7 =	sld [smem:$0x3F9B]  }
0x1a: {  	s8 =	sadd.s32 $0xFFFFE003, lr  }
0x1b: {  	s9 =	sadd.s32 $0xFFFFFEF7, lr;
	s5 =	simm.s32 $0xFFFFFFFF;
	p2 =	slt.u32 s8, $0xFFFFF086  }
0x1c: {  	p1 =	slt.u32 s9, $0xF7A;
	s5 =	simm.s32 @!p2 $0x0  }
0x1d: {  	s5 =	simm.s32 @p1 $0x1;
	p0 =	seq.s32 s7, s2  }
0x1e: {  	s7 =	smul.u32 @!p0 $0xF7A, s2;
	p2 =	seq.s32 @!p0 s5, $0x0  }
0x1f: {  	s9 =	smul.u32 $0xF7A, s1;
	s8 =	simm.s32 @!p0 $0x1BF5;
	p2 =	por !p2, p0  }
0x20: {  	[sflag:s8] =	ssyncset.s32 @!p0 $0xFFFFF086;
	s6 =	sadd.s32 @!p0 s3, s7;
	s7 =	simm.s32 @!p0 $0x108  }
0x21: {  	s3 =	sadd.s32 s3, s9;
	s6 =	sadd.s32 @!p0 $0x88, s6;
	s7 =	simm.s32 @p2 $0x1082  }
0x22: {  	[simem:s7], [sflag:s8] =	dma.local @!p0 [hbm:s6], $0xF7A  }
0x23: {  	s9 =	sor.u32 $0xD0000000, s2;
	s6 =	simm.s32 $0x108;
	_ =	swait.ge @!p0 [sflag:s8], $0x0  }
0x24: {  	s3 =	sadd.s32 $0x88, s3;
	s6 =	simm.s32 @!p1 $0x1082;
	[sflag:s4] =	ssyncset.s32 $0xFFFFF086  }
0x25: {  	[simem:s6], [sflag:s4] =	dma.local [hbm:s3], $0xF7A  }
0x26: {  	[smem:$0x3F9B] =	sst s1;
	(tag) =	ssettag s2;
	_ =	strace s9  }
0x27: {  	s1 =	sld [smem:$0x3FAB]  }
0x28: {  	s2 =	sld [smem:$0x3FAC]  }
0x29: {  	s4 =	sld [smem:$0x3FAE]  }
0x2a: {  	p0 =	seq.s32 s5, $0x0;
	s5 =	sld [smem:$0x3FAF]  }
0x2b: {  	s6 =	sld [smem:$0x3FB0]  }
0x2c: {  	s7 =	sld [smem:$0x3FB1]  }
0x2d: {  	s3 =	simm.s32 $0x108;
	s8 =	sld [smem:$0x3FB2]  }
0x2e: {  	s3 =	simm.s32 @!p0 $0x1082;
	s9 =	sld [smem:$0x3FB3]  }
0x2f: {  	lr =	sadd.s32 s0, s3;
	s0 =	sld [smem:$0x3FAA]  }
0x30: {  	s3 =	sld [smem:$0x3FAD]  }
0x31: {  	[smem:$0x3FB6] =	sst s10  }
0x32: {  	s10 =	sld [smem:$0x3FB4];
	_ =	sdelay $0x3  }
0x33: {  	p0 =	seq.s32 s10, $0x1;
	s10 =	sld [smem:$0x3FB6];
	_ =	sdelay $0x3  }
0x34: {  	[smem:$0x3FB6] =	sst s10  }
0x35: {  	s10 =	sld [smem:$0x3FB5];
	_ =	sdelay $0x3  }
0x36: {  	p1 =	seq.s32 s10, $0x1;
	s10 =	sld [smem:$0x3FB6];
	_ =	sdelay $0x3  }
0x37: {  	[smem:$0x3FB6] =	sst s10  }
0x38: {  	s10 =	sld [smem:$0x3FB7]  }
0x39: {  	_ = 	snop;
	(pc) =	sbr.ind lr, $3  }
0x3a: {  	_ = 	snop  }
0x3b: {  	_ = 	snop  }
0x3c: {  	p2 =	seq.s32 s10, $0x1;
	s10 =	sld [smem:$0x3FB6]  }
0x3d: {  	_ =	shalt  }
0x3e: {  	_ =	shalt  }
0x3f: {  	_ =	shalt  }
0x40: {  	_ =	shalt  }
0x41: {  	_ =	shalt  }
0x42: {  	_ =	shalt  }
0x43: {  	_ =	shalt  }
0x44: {  	_ =	shalt  }
0x45: {  	_ =	shalt  }
0x46: {  	_ =	shalt  }
0x47: {  	_ =	shalt  }
0x48: {  	_ =	shalt  }
0x49: {  	_ =	shalt  }
0x4a: {  	_ =	shalt  }
0x4b: {  	_ =	shalt  }
0x4c: {  	_ =	shalt  }
0x4d: {  	_ =	shalt  }
0x4e: {  	_ =	shalt  }
0x4f: {  	_ =	shalt  }
0x50: {  	_ =	shalt  }
0x51: {  	_ =	shalt  }
0x52: {  	_ =	shalt  }
0x53: {  	_ =	shalt  }
0x54: {  	_ =	shalt  }
0x55: {  	_ =	shalt  }
0x56: {  	_ =	shalt  }
0x57: {  	_ =	shalt  }
0x58: {  	_ =	shalt  }
0x59: {  	_ =	shalt  }
0x5a: {  	_ =	shalt  }
0x5b: {  	_ =	shalt  }
0x5c: {  	_ =	shalt  }
0x5d: {  	_ =	shalt  }
0x5e: {  	_ =	shalt  }
0x5f: {  	_ =	shalt  }
0x60: {  	_ =	shalt  }
0x61: {  	_ =	shalt  }
0x62: {  	_ =	shalt  }
0x63: {  	_ =	shalt  }
0x64: {  	_ =	shalt  }
0x65: {  	_ =	shalt  }
0x66: {  	_ =	shalt  }
0x67: {  	_ =	shalt  }
0x68: {  	_ =	shalt  }
0x69: {  	_ =	shalt  }
0x6a: {  	_ =	shalt  }
0x6b: {  	_ =	shalt  }
0x6c: {  	_ =	shalt  }
0x6d: {  	_ =	shalt  }
0x6e: {  	_ =	shalt  }
0x6f: {  	_ =	shalt  }
0x70: {  	_ =	shalt  }
0x71: {  	_ =	shalt  }
0x72: {  	_ =	shalt  }
0x73: {  	_ =	shalt  }
0x74: {  	_ =	shalt  }
0x75: {  	_ =	shalt  }
0x76: {  	_ =	shalt  }
0x77: {  	_ =	shalt  }
0x78: {  	_ =	shalt  }
0x79: {  	_ =	shalt  }
0x7a: {  	_ =	shalt  }
0x7b: {  	_ =	shalt  }
0x7c: {  	_ =	shalt  }
0x7d: {  	_ =	shalt  }
0x7e: {  	_ =	shalt  }
0x7f: {  	_ =	shalt  }
0x80: {  	_ =	shalt  }
0x81: {  	_ =	shalt  }
0x82: {  	_ =	shalt  }
0x83: {  	_ =	shalt  }
0x84: {  	_ =	shalt  }
0x85: {  	_ =	shalt  }
0x86: {  	_ =	shalt  }
0x87: {  	_ =	shalt  }
.Lfunc_end0:
.L_simem_size_0:
called_computation.1_lowered:
.L_overlay_start_0:
0x88: {  	s2 =	sld [smem:$0x3FD9]  }
0x89: {  	s3 =	sld [smem:$0x3FFE];
	_ =	sdelay $0x1  }
0x8a: {  	s1 =	srdreg.scid  }
0x8b: {  	s0 =	sand.u32 $0x1, s1  }
0x8c: {  	s16 =	sshll.u32 s0, $0xA;
	s2 =	sadd.s32 s3, s2  }
0x8d: {  	s2 =	sadd.s32 s2, s16  }
0x8e: {  	[smem:$0x3FC2] =	sst s2  }
0x8f: {  	_ = 	snop  }
0x90: {  	(tm) =	ssettm $0x1  }
0x91: {  	s17 =	sld [smem:$0x3FFB];
	_ =	sdelay $0x3  }
0x92: {  	_ =	strace s17  }
0x93: {  	s2 =	sld [smem:$0x3FFC];
	_ =	sdelay $0x3  }
0x94: {  	_ =	strace s2  }
0x95: {  	s2 =	sld [smem:$0x3FFD];
	_ =	sdelay $0x3  }
0x96: {  	_ =	strace s2  }
0x97: {  	_ =	strace $0x8FFFFFFF  }
0x98: {  	s18 =	sld [smem:$0x3FDB];
	_ =	sdelay $0x1  }
0x99: {  	s19 =	simm.s32 $_scs_section_size  }
0x9a: {  	s4 =	simm.s32 $_size__tile_overlayer_lowered;
	s5 =	simm.s32 $_tile_overlayer_lowered  }
0x9b: {  	s22 =	simm.s32 $0x1BFF;
	s21 =	sshll.u32 s5, $0x1;
	s2 =	sadd.s32 s19, s18  }
0x9c: {  	s6 =	simm.s32 $0x0;
	s20 =	sshll.u32 s4, $0x1;
	s4 =	sadd.s32 s21, s2  }
0x9d: {  	[timem:s6], [sflag:s22] =	dma.local [hbm:s4], s20  }
0x9e: {  	_ =	swait.ge [sflag:s22], s20  }
0x9f: {  	s3 =	ssub.s32 $0x0, s20;
	[sflag:s22] =	ssyncset.done $0x0  }
0xa0: {  	[sflag:s22] =	ssyncadd.s32 s3;
	_ =	sdelay $0x1  }
0xa1: {  	s23 =	simm.s32 $0x1B8B  }
0xa2: {  	_ =	swait.ge [sflag:s23], $0x1  }
0xa3: {  	[sflag:s23] =	ssyncset.done $0x0  }
0xa4: {  	s25 =	simm.s32 $0x1B8E;
	s24 =	sld [smem:$0x3FFE];
	[sflag:s23] =	ssyncadd.s32 $0xFFFFFFFF  }
0xa5: {  	s26 =	simm.s32 $execute0_lowered;
	[smem:$0x3FD2] =	sst s25  }
0xa6: {  	s4 =	sshll.u32 s26, $0x1;
	_ =	strace $0x80000049;
	[dreg:$0x1] =	wrdreg $0xFFFFFFFF  }
0xa7: {  	s28 =	simm.s32 $_size_execute0_lowered;
	s2 =	sadd.s32 s2, s4;
	[dreg:$0x0] =	wrdreg $0x0  }
0xa8: {  	s4 =	sshll.u32 s28, $0x1;
	[dreg:$0x2] =	wrdreg s2  }
0xa9: {  	[dreg:$0x3] =	wrdreg s4  }
0xaa: {  	[dreg:$0x4] =	wrdreg $0xC0  }
0xab: {  	_ =	task [dreg:s6], $0x5FFFF  }
0xac: {  	[dreg:$0x1] =	wrdreg $0xFFFFFFFF  }
0xad: {  	[dreg:$0x0] =	wrdreg $0x60  }
0xae: {  	[dreg:$0x2] =	wrdreg s24  }
0xaf: {  	[dreg:$0x3] =	wrdreg $0x13D000  }
0xb0: {  	[dreg:$0x4] =	wrdreg $0x9  }
0xb1: {  	_ =	task.clear_ibuf [dreg:s6], $0x5FFFF;
	_ =	strace $0x90000049  }
0xb2: {  	s29 =	simm.s32 $0x9;
	_ =	strace $0x8000004B  }
0xb3: {  	_ =	swait.ge [sflag:s29], $0x1  }
0xb4: {  	[sflag:s29] =	ssyncadd.s32 $0xFFFFFFFF  }
0xb5: {  	_ =	strace $0x9000004B  }
0xb6: {  	_ =	sfence  }
0xb7: {  	s30 =	sld [smem:$0x0];
	_ =	sdelay $0x2  }
0xb8: {  	s31 =	sshll.u32 s1, $0xD;
	s1 =	sshrl.u32 s1, $0x2  }
0xb9: {  	s3 =	sand.u32 $0x4000, s31;
	s1 =	sadd.s32 s1, s30  }
0xba: {  	s0 =	sor.u32 s3, s0;
	s1 =	sshll.u32 s1, $0x11  }
0xbb: {  	s0 =	sor.u32 s1, s0  }
0xbc: {  	s0 =	sadd.s32 $0x8F2B, s0  }
0xbd: {  	[sflag:s0] =	ssyncadd.remote.s32 $0x1  }
0xbe: {  	_ =	sfence.sel $0xFFFF  }
0xbf: {  	[dreg:$0x0] =	wrdreg $0xFFFFFFFF;
	(pc) =	sbr.abs _section_cstart, $3  }
0xc0: {  	[dreg:$0x1] =	wrdreg $0xFFFFFFFF  }
0xc1: {  	_ =	task.clear_ibuf [dreg:s6], $0x2FFFF;
	_ =	strace $0x9FFFFFFF  }
0xc2: {  	(tm) =	ssettm $0x7FFFFFFF  }
0xc3: {  	_ =	shalt  }
tec
execute0_lowered:
.L_overlay_start_1:
0x0: {  	(tag) =	ssettag $0x1  }
0x1: {  	s0 =	rddreg [dreg:$0x0]  }
0x2: {  	s2 =	srdreg.scid;
	s9 =	stileid.u32  }
0x3: {  	s1 =	rddreg [dreg:$0x1];
	s3 =	simm.s32 $0x0;
	s6 =	smul.u32 $0x9D0, s9  }
0x4: {  	s28 =	simm.s32 $0xBD00;
	s30 =	simm.s32 $0xDD00;
	s12 =	smul.u32 $0x28000, s9  }
0x5: {  	s29 =	simm.s32 $0x1;
	s2 =	sand.u32 $0x1, s2;
	s9 =	smul.u32 $0xA000, s9  }
0x6: {  	s31 =	simm.s32 $0x2;
	[smem:$0x7FF] =	sst s3;
	s5 =	smul.u32 $0xA0000, s2  }
0x7: {  	_ =	strace $0x8000004A;
	s2 =	ssub.s32 $0x2, s2;
	s6 =	sadd.s32 s6, s0  }
0x8: {  	s8 =	sshrl.u32 s2, $0x1;
	s16 =	sadd.s32 $0x2000, s9;
	s22 =	sadd.s32 s9, s1  }
0x9: {  	s23 =	sadd.s32 $0x4000, s9;
	s11 =	sadd.s32 $0x6000, s9;
	s4 =	sshrl.u32 s5, $0x3  }
0xa: {  	s2 =	ssub.s32 s2, s8;
	s13 =	sadd.s32 $0x15400, s6;
	s14 =	sadd.s32 s5, s9  }
0xb: {  	s6 =	sadd.s32 $0x1F200, s6;
	s19 =	sadd.s32 s5, s16;
	s10 =	sadd.s32 s5, s23  }
0xc: {  	s9 =	sadd.s32 $0x8000, s9;
	s25 =	sadd.s32 s11, s1;
	s8 =	simm.s32 $0x6  }
0xd: {  	s7 =	sadd.s32 s4, s0;
	s0 =	sadd.s32 $0xF1000, s0;
	[dreg:$0x3] =	wrdreg s13  }
0xe: {  	s4 =	sshrl.u32 s12, $0x2;
	[dreg:$0x4] =	wrdreg s6;
	s15 =	sshrl.u32 s14, $0x3  }
0xf: {  	s2 =	smax.u32 s2, $0x1;
	s10 =	sshrl.u32 s10, $0x3;
	s12 =	sadd.s32 s5, s11  }
0x10: {  	s5 =	sadd.s32 s5, s9;
	s26 =	sadd.s32 s9, s1;
	s9 =	simm.s32 $0x7  }
0x11: {  	s4 =	sadd.s32 s4, s1;
	s7 =	sadd.s32 $0xC9000, s7;
	s6 =	sadd.s32 s0, s15  }
0x12: {  	[dreg:$0x6] =	wrdreg s2;
	s2 =	sadd.s32 s16, s1;
	s15 =	sadd.s32 s0, s10  }
0x13: {  	s24 =	sshrl.u32 s12, $0x3;
	s5 =	sshrl.u32 s5, $0x3;
	s10 =	simm.s32 $0x8  }
0x14: {  	[dreg:$0x5] =	wrdreg s6;
	s17 =	sadd.s32 $0x2000, s4;
	s18 =	sadd.s32 $0x4000, s4  }
0x15: {  	s20 =	sadd.s32 $0x6000, s4;
	s21 =	sadd.s32 $0x8000, s4;
	[dreg:$0x7] =	wrdreg s17  }
0x16: {  	s6 =	sshrl.u32 s19, $0x3;
	s16 =	sadd.s32 s0, s24;
	[dreg:$0x8] =	wrdreg s18  }
0x17: {  	s19 =	simm.s32 $0x2000;
	s24 =	sshrl.u32 s25, $0x3;
	[dreg:$0x9] =	wrdreg s20  }
0x18: {  	s25 =	sshrl.u32 s26, $0x3;
	s26 =	simm.s32 $0x80;
	[dreg:$0xa] =	wrdreg s21  }
0x19: {  	s14 =	sadd.s32 s0, s6;
	s6 =	sadd.s32 s23, s1;
	s17 =	sadd.s32 s0, s5  }
0x1a: {  	s18 =	simm.s32 $0x9;
	s21 =	sshrl.u32 s22, $0x3;
	s22 =	sshrl.u32 s2, $0x3  }
0x1b: {  	s0 =	simm.s32 $0xFD00;
	s20 =	simm.s32 $0x11D00;
	s2 =	simm.s32 $0x3  }
0x1c: {  	v0 =	vimm.f32 $0.0e+00;
	s5 =	simm.s32 $0x4;
	s23 =	sshrl.u32 s6, $0x3;
	s6 =	simm.s32 $0x5  }
.LBB2_1:
0x1d: {  	s12 =	simm.s32 $0x100;
	s11 =	simm.s32 $0x0  }
.LBB2_2:
0x1e: {  	p0 =	sne.s32 s12, $0x7F00;
	[tilespmem:s11+$0x30] =	vst v0;
	s13 =	smov.u32 s12;
	s12 =	sadd.s32 $0x100, s12  }
.Ltmp0:
0x1f: {  	[tilespmem:s11+$0x20] =	vst v0;
	(pc) =	sbr.rel @p0 .LBB2_2-.Ltmp0, $3  }
0x20: {  	[tilespmem:s11+$0x0] =	vst v0  }
0x21: {  	[tilespmem:s11+$0x10] =	vst v0;
	_ =	sdelay $0x1  }
0x22: {  	s11 =	sshra.s32 s13, $0x2  }
0x23: {  	[tilespmem:s11+$0x30] =	vst v0  }
0x24: {  	[tilespmem:s11+$0x20] =	vst v0  }
0x25: {  	[tilespmem:s11+$0x0] =	vst v0  }
0x26: {  	[tilespmem:s11+$0x10] =	vst v0;
	s11 =	simm.s32 $0x0  }
0x27: {  	[spmem:s4] =	stream.linear.scatter [tilespmem:s11], [sflag:$0x9], $0x2000, $0x38;
	[tilespmem:$0x1DD00] =	vst v63  }
0x28: {  	_ =	swait.ge [sflag:s18], $0x2000  }
0x29: {  	[sflag:s18] =	ssyncset.done $0x0  }
0x2a: {  	s12 =	rddreg [dreg:$0x7];
	[sflag:s18] =	ssyncadd.s32 $0xFFFFE000  }
0x2b: {  	[spmem:s12] =	stream.linear.scatter [tilespmem:s11], [sflag:$0x9], $0x2000, $0x38;
	[tilespmem:$0x1DD00] =	vst v63  }
0x2c: {  	_ =	swait.ge [sflag:s18], $0x2000  }
0x2d: {  	[sflag:s18] =	ssyncset.done $0x0  }
0x2e: {  	s13 =	rddreg [dreg:$0x8];
	[sflag:s18] =	ssyncadd.s32 $0xFFFFE000  }
0x2f: {  	[spmem:s13] =	stream.linear.scatter [tilespmem:s11], [sflag:$0x9], $0x2000, $0x38;
	[tilespmem:$0x1DD00] =	vst v63  }
0x30: {  	_ =	swait.ge [sflag:s18], $0x2000  }
0x31: {  	[sflag:s18] =	ssyncset.done $0x0  }
0x32: {  	s13 =	rddreg [dreg:$0x9];
	[sflag:s18] =	ssyncadd.s32 $0xFFFFE000  }
0x33: {  	[spmem:s13] =	stream.linear.scatter [tilespmem:s11], [sflag:$0x9], $0x2000, $0x38;
	[tilespmem:$0x1DD00] =	vst v63  }
0x34: {  	_ =	swait.ge [sflag:s18], $0x2000  }
0x35: {  	[sflag:s18] =	ssyncset.done $0x0  }
0x36: {  	s13 =	rddreg [dreg:$0xa];
	[sflag:s18] =	ssyncadd.s32 $0xFFFFE000  }
0x37: {  	[spmem:s13] =	stream.linear.scatter [tilespmem:s11], [sflag:$0x9], $0x2000, $0x38;
	[tilespmem:$0x1DD00] =	vst v63  }
0x38: {  	_ =	swait.ge [sflag:s18], $0x2000  }
0x39: {  	[sflag:s18] =	ssyncset.done $0x0  }
0x3a: {  	s13 =	rddreg [dreg:$0x3];
	[sflag:s18] =	ssyncadd.s32 $0xFFFFE000  }
0x3b: {  	[tilespmem:s19], [sflag:$0x9] =	stream.linear.gather [hbm4b:s13+s11], $0x4E80, $0x38;
	[tilespmem:$0x1DD00] =	vst v63  }
0x3c: {  	_ =	swait.ge [sflag:s18], $0x4E80  }
0x3d: {  	[sflag:s18] =	ssyncset.done $0x0  }
0x3e: {  	s13 =	simm.s32 $0x6E80;
	s12 =	rddreg [dreg:$0x4];
	[sflag:s18] =	ssyncadd.s32 $0xFFFFB180  }
0x3f: {  	[tilespmem:s13], [sflag:$0x9] =	stream.linear.gather [hbm4b:s12+s11], $0x4E80, $0x38;
	[tilespmem:$0x1DD00] =	vst v63  }
0x40: {  	_ =	swait.ge [sflag:s18], $0x4E80  }
0x41: {  	[sflag:s18] =	ssyncset.done $0x0  }
0x42: {  	[sflag:s18] =	ssyncadd.s32 $0xFFFFB180  }
0x43: {  	[bflag:$0x0] =	sbarrier.arrive $0xFFFF  }
0x44: {  	[tilespmem:s28], [sflag:$0x1] =	stream.indirect.gather [hbm4b:s7+s26], $0x40, s19, s26, $0xb8;
	[tilespmem:$0x1DD00] =	vst v63  }
0x45: {  	s12 =	simm.s32 $0x2080  }
0x46: {  	[tilespmem:s30], [sflag:$0x2] =	stream.indirect.gather [hbm4b:s7+s26], $0x40, s12, s26, $0xb8;
	[tilespmem:$0x1DD00] =	vst v63  }
0x47: {  	s13 =	simm.s32 $0x2100  }
0x48: {  	[tilespmem:s0], [sflag:$0x3] =	stream.indirect.gather [hbm4b:s7+s26], $0x40, s13, s26, $0xb8;
	[tilespmem:$0x1DD00] =	vst v63  }
0x49: {  	s12 =	simm.s32 $0x2180  }
0x4a: {  	[tilespmem:s20], [sflag:$0x4] =	stream.indirect.gather [hbm4b:s7+s26], $0x40, s12, s26, $0xb8;
	[tilespmem:$0x1DD00] =	vst v63  }
0x4b: {  	_ =	swait.ge [sflag:s29], $0x2000  }
0x4c: {  	[sflag:s29] =	ssyncset.done $0x0  }
0x4d: {  	s13 =	simm.s32 $0x6E80;
	[sflag:s29] =	ssyncadd.s32 $0xFFFFE000  }
0x4e: {  	[spmem:s1] =	stream.indirect.scatter.add.f32 [tilespmem:s28], [sflag:$0x5], $0x40, s13, s26, $0xb8;
	[tilespmem:$0x1DD00] =	vst v63  }
0x4f: {  	_ =	swait.ge [sflag:s31], $0x2000  }
0x50: {  	[sflag:s31] =	ssyncset.done $0x0  }
0x51: {  	s12 =	simm.s32 $0x6F00;
	[sflag:s31] =	ssyncadd.s32 $0xFFFFE000  }
0x52: {  	[spmem:s1] =	stream.indirect.scatter.add.f32 [tilespmem:s30], [sflag:$0x6], $0x40, s12, s26, $0xb8;
	[tilespmem:$0x1DD00] =	vst v63  }
0x53: {  	_ =	swait.ge [sflag:s2], $0x2000  }
0x54: {  	[sflag:s2] =	ssyncset.done $0x0  }
0x55: {  	s13 =	simm.s32 $0x6F80;
	[sflag:s2] =	ssyncadd.s32 $0xFFFFE000  }
0x56: {  	[spmem:s1] =	stream.indirect.scatter.add.f32 [tilespmem:s0], [sflag:$0x7], $0x40, s13, s26, $0xb8;
	[tilespmem:$0x1DD00] =	vst v63  }
0x57: {  	_ =	swait.ge [sflag:s5], $0x2000  }
0x58: {  	[sflag:s5] =	ssyncset.done $0x0  }
0x59: {  	s12 =	simm.s32 $0x7000;
	[sflag:s5] =	ssyncadd.s32 $0xFFFFE000  }
0x5a: {  	[spmem:s1] =	stream.indirect.scatter.add.f32 [tilespmem:s20], [sflag:$0x8], $0x40, s12, s26, $0xb8;
	[tilespmem:$0x1DD00] =	vst v63  }
0x5b: {  	_ =	swait.ge [sflag:s6], $0x2000  }
0x5c: {  	[sflag:s6] =	ssyncset.done $0x0  }
0x5d: {  	s13 =	simm.s32 $0x2200;
	[sflag:s6] =	ssyncadd.s32 $0xFFFFE000  }
0x5e: {  	[tilespmem:s28], [sflag:$0x1] =	stream.indirect.gather [hbm4b:s7+s26], $0x40, s13, s26, $0xb8;
	[tilespmem:$0x1DD00] =	vst v63  }
0x5f: {  	_ =	swait.ge [sflag:s8], $0x2000  }
0x60: {  	[sflag:s8] =	ssyncset.done $0x0  }
0x61: {  	s12 =	simm.s32 $0x2280;
	[sflag:s8] =	ssyncadd.s32 $0xFFFFE000  }
0x62: {  	[tilespmem:s30], [sflag:$0x2] =	stream.indirect.gather [hbm4b:s7+s26], $0x40, s12, s26, $0xb8;
	[tilespmem:$0x1DD00] =	vst v63  }
0x63: {  	_ =	swait.ge [sflag:s9], $0x2000  }
0x64: {  	[sflag:s9] =	ssyncset.done $0x0  }
0x65: {  	s13 =	simm.s32 $0x2300;
	[sflag:s9] =	ssyncadd.s32 $0xFFFFE000  }
0x66: {  	[tilespmem:s0], [sflag:$0x3] =	stream.indirect.gather [hbm4b:s7+s26], $0x40, s13, s26, $0xb8;
	[tilespmem:$0x1DD00] =	vst v63  }
0x67: {  	_ =	swait.ge [sflag:s10], $0x2000  }
0x68: {  	[sflag:s10] =	ssyncset.done $0x0  }
0x69: {  	s11 =	simm.s32 $0x800;
	s12 =	simm.s32 $0x2380;
	[sflag:s10] =	ssyncadd.s32 $0xFFFFE000  }
.LBB2_4:
0x6a: {  	[tilespmem:s20], [sflag:$0x4] =	stream.indirect.gather [hbm4b:s7+s26], $0x40, s12, s26, $0xb8;
	[tilespmem:$0x1DD00] =	vst v63  }
0x6b: {  	s12 =	smov.u32 s11  }
0x6c: {  	p0 =	sne.s32 s11, $0x12800;
	s11 =	sadd.s32 $0x800, s11;
	_ =	swait.ge [sflag:s29], $0x2000  }
0x6d: {  	s12 =	sshra.s32 s12, $0x2;
	[sflag:s29] =	ssyncset.done $0x0  }
0x6e: {  	s13 =	sadd.s32 $0x6E80, s12;
	[sflag:s29] =	ssyncadd.s32 $0xFFFFE000  }
0x6f: {  	[spmem:s1] =	stream.indirect.scatter.add.f32 [tilespmem:s28], [sflag:$0x5], $0x40, s13, s26, $0xb8;
	[tilespmem:$0x1DD00] =	vst v63  }
0x70: {  	_ =	swait.ge [sflag:s31], $0x2000  }
0x71: {  	[sflag:s31] =	ssyncset.done $0x0  }
0x72: {  	s13 =	sadd.s32 $0x6F00, s12;
	[sflag:s31] =	ssyncadd.s32 $0xFFFFE000  }
0x73: {  	[spmem:s1] =	stream.indirect.scatter.add.f32 [tilespmem:s30], [sflag:$0x6], $0x40, s13, s26, $0xb8;
	[tilespmem:$0x1DD00] =	vst v63  }
0x74: {  	_ =	swait.ge [sflag:s2], $0x2000  }
0x75: {  	[sflag:s2] =	ssyncset.done $0x0  }
0x76: {  	s13 =	sadd.s32 $0x6F80, s12;
	[sflag:s2] =	ssyncadd.s32 $0xFFFFE000  }
0x77: {  	[spmem:s1] =	stream.indirect.scatter.add.f32 [tilespmem:s0], [sflag:$0x7], $0x40, s13, s26, $0xb8;
	[tilespmem:$0x1DD00] =	vst v63  }
0x78: {  	_ =	swait.ge [sflag:s5], $0x2000  }
0x79: {  	[sflag:s5] =	ssyncset.done $0x0  }
0x7a: {  	s13 =	sadd.s32 $0x7000, s12;
	[sflag:s5] =	ssyncadd.s32 $0xFFFFE000  }
0x7b: {  	[spmem:s1] =	stream.indirect.scatter.add.f32 [tilespmem:s20], [sflag:$0x8], $0x40, s13, s26, $0xb8;
	[tilespmem:$0x1DD00] =	vst v63  }
0x7c: {  	_ =	swait.ge [sflag:s6], $0x2000  }
0x7d: {  	[sflag:s6] =	ssyncset.done $0x0  }
0x7e: {  	s13 =	sadd.s32 $0x2200, s12;
	[sflag:s6] =	ssyncadd.s32 $0xFFFFE000  }
0x7f: {  	[tilespmem:s28], [sflag:$0x1] =	stream.indirect.gather [hbm4b:s7+s26], $0x40, s13, s26, $0xb8;
	[tilespmem:$0x1DD00] =	vst v63  }
0x80: {  	_ =	swait.ge [sflag:s8], $0x2000  }
0x81: {  	[sflag:s8] =	ssyncset.done $0x0  }
0x82: {  	s13 =	sadd.s32 $0x2280, s12;
	[sflag:s8] =	ssyncadd.s32 $0xFFFFE000  }
0x83: {  	[tilespmem:s30], [sflag:$0x2] =	stream.indirect.gather [hbm4b:s7+s26], $0x40, s13, s26, $0xb8;
	[tilespmem:$0x1DD00] =	vst v63  }
0x84: {  	_ =	swait.ge [sflag:s9], $0x2000  }
0x85: {  	[sflag:s9] =	ssyncset.done $0x0  }
.Ltmp1:
0x86: {  	s13 =	sadd.s32 $0x2300, s12;
	[sflag:s9] =	ssyncadd.s32 $0xFFFFE000;
	(pc) =	sbr.rel @p0 .LBB2_4-.Ltmp1, $4  }
0x87: {  	[tilespmem:s0], [sflag:$0x3] =	stream.indirect.gather [hbm4b:s7+s26], $0x40, s13, s26, $0xb8;
	[tilespmem:$0x1DD00] =	vst v63  }
0x88: {  	_ =	swait.ge [sflag:s10], $0x2000  }
0x89: {  	[sflag:s10] =	ssyncset.done $0x0  }
0x8a: {  	s12 =	sadd.s32 $0x2380, s12;
	[sflag:s10] =	ssyncadd.s32 $0xFFFFE000  }
0x8b: {  	[tilespmem:s20], [sflag:$0x4] =	stream.indirect.gather [hbm4b:s7+s26], $0x40, s12, s26, $0xb8;
	[tilespmem:$0x1DD00] =	vst v63  }
0x8c: {  	_ =	swait.ge [sflag:s29], $0x2000  }
0x8d: {  	[sflag:s29] =	ssyncset.done $0x0  }
0x8e: {  	s11 =	simm.s32 $0xBA80;
	[sflag:s29] =	ssyncadd.s32 $0xFFFFE000  }
0x8f: {  	[spmem:s1] =	stream.indirect.scatter.add.f32 [tilespmem:s28], [sflag:$0x5], $0x40, s11, s26, $0xb8;
	[tilespmem:$0x1DD00] =	vst v63  }
0x90: {  	_ =	swait.ge [sflag:s31], $0x2000  }
0x91: {  	[sflag:s31] =	ssyncset.done $0x0  }
0x92: {  	s13 =	simm.s32 $0xBB00;
	[sflag:s31] =	ssyncadd.s32 $0xFFFFE000  }
0x93: {  	[spmem:s1] =	stream.indirect.scatter.add.f32 [tilespmem:s30], [sflag:$0x6], $0x40, s13, s26, $0xb8;
	[tilespmem:$0x1DD00] =	vst v63  }
0x94: {  	_ =	swait.ge [sflag:s2], $0x2000  }
0x95: {  	[sflag:s2] =	ssyncset.done $0x0  }
0x96: {  	s12 =	simm.s32 $0xBB80;
	[sflag:s2] =	ssyncadd.s32 $0xFFFFE000  }
0x97: {  	[spmem:s1] =	stream.indirect.scatter.add.f32 [tilespmem:s0], [sflag:$0x7], $0x40, s12, s26, $0xb8;
	[tilespmem:$0x1DD00] =	vst v63  }
0x98: {  	_ =	swait.ge [sflag:s5], $0x2000  }
0x99: {  	[sflag:s5] =	ssyncset.done $0x0  }
0x9a: {  	s13 =	simm.s32 $0xBC00;
	[sflag:s5] =	ssyncadd.s32 $0xFFFFE000  }
0x9b: {  	[spmem:s1] =	stream.indirect.scatter.add.f32 [tilespmem:s20], [sflag:$0x8], $0x40, s13, s26, $0xb8;
	[tilespmem:$0x1DD00] =	vst v63  }
0x9c: {  	_ =	swait.ge [sflag:s6], $0x2000  }
0x9d: {  	[sflag:s6] =	ssyncset.done $0x0  }
0x9e: {  	[sflag:s6] =	ssyncadd.s32 $0xFFFFE000  }
0x9f: {  	_ =	swait.ge [sflag:s8], $0x2000  }
0xa0: {  	[sflag:s8] =	ssyncset.done $0x0  }
0xa1: {  	[sflag:s8] =	ssyncadd.s32 $0xFFFFE000  }
0xa2: {  	_ =	swait.ge [sflag:s9], $0x2000  }
0xa3: {  	[sflag:s9] =	ssyncset.done $0x0  }
0xa4: {  	[sflag:s9] =	ssyncadd.s32 $0xFFFFE000  }
0xa5: {  	_ =	swait.ge [sflag:s10], $0x2000  }
0xa6: {  	[sflag:s10] =	ssyncset.done $0x0  }
0xa7: {  	s12 =	simm.s32 $0x6E00;
	[sflag:s10] =	ssyncadd.s32 $0xFFFFE000  }
0xa8: {  	[tilespmem:s28], [sflag:$0x1] =	stream.indirect.gather [hbm4b:s7+s26], $0x40, s12, s26, $0xb8;
	[tilespmem:$0x1DD00] =	vst v63  }
0xa9: {  	_ =	swait.ge [sflag:s29], $0x2000  }
0xaa: {  	[sflag:s29] =	ssyncset.done $0x0  }
0xab: {  	s13 =	simm.s32 $0xBC80;
	[sflag:s29] =	ssyncadd.s32 $0xFFFFE000  }
0xac: {  	[spmem:s1] =	stream.indirect.scatter.add.f32 [tilespmem:s28], [sflag:$0x5], $0x40, s13, s26, $0xb8;
	[tilespmem:$0x1DD00] =	vst v63  }
0xad: {  	_ =	swait.ge [sflag:s6], $0x2000  }
0xae: {  	[sflag:s6] =	ssyncset.done $0x0  }
0xaf: {  	s12 =	stileid.u32;
	[sflag:s6] =	ssyncadd.s32 $0xFFFFE000  }
0xb0: {  	s11 =	sshll.u32 s12, $0x6;
	[bflag:$0x0] =	sbarrier.arrive $0xFFFF  }
0xb1: {  	s11 =	sor.u32 $0x1C09, s11;
	s13 =	rddreg [dreg:$0x5]  }
0xb2: {  	[hbm:s13], [sflag:s11] =	dma.local [spmem:s21], $0x400  }
0xb3: {  	_ =	swait.ge [sflag:s18], $0x400  }
0xb4: {  	[sflag:s18] =	ssyncset.done $0x0  }
0xb5: {  	[sflag:s18] =	ssyncadd.s32 $0xFFFFFC00  }
0xb6: {  	[hbm:s14], [sflag:s11] =	dma.local [spmem:s22], $0x400  }
0xb7: {  	_ =	swait.ge [sflag:s18], $0x400  }
0xb8: {  	[sflag:s18] =	ssyncset.done $0x0  }
0xb9: {  	[sflag:s18] =	ssyncadd.s32 $0xFFFFFC00  }
0xba: {  	[hbm:s15], [sflag:s11] =	dma.local [spmem:s23], $0x400  }
0xbb: {  	_ =	swait.ge [sflag:s18], $0x400  }
0xbc: {  	[sflag:s18] =	ssyncset.done $0x0  }
0xbd: {  	[sflag:s18] =	ssyncadd.s32 $0xFFFFFC00  }
0xbe: {  	[hbm:s16], [sflag:s11] =	dma.local [spmem:s24], $0x400  }
0xbf: {  	_ =	swait.ge [sflag:s18], $0x400  }
0xc0: {  	[sflag:s18] =	ssyncset.done $0x0  }
0xc1: {  	[sflag:s18] =	ssyncadd.s32 $0xFFFFFC00  }
0xc2: {  	[hbm:s17], [sflag:s11] =	dma.local [spmem:s25], $0x400  }
0xc3: {  	_ =	swait.ge [sflag:s18], $0x400  }
0xc4: {  	s3 =	sadd.s32 $0x1, s3;
	s13 =	rddreg [dreg:$0x6]  }
0xc5: {  	p0 =	sne.s32 s3, s13  }
.Ltmp2:
0xc6: {  	_ = 	snop;
	(pc) =	sbr.rel @p0 .LBB2_1-.Ltmp2, $3  }
0xc7: {  	_ =	sdelay $0x1  }
0xc8: {  	[sflag:s18] =	ssyncset.done $0x0  }
0xc9: {  	[sflag:s18] =	ssyncadd.s32 $0xFFFFFC00  }
0xca: {  	_ =	sfence.sel $0x180000  }
0xcb: {  	[bflag:$0x0] =	sbarrier.arrive $0xFFFF  }
0xcc: {  	_ =	strace $0x9000004A  }
0xcd: {  	s0 =	stileid.u32;
	[bflag:$0x2] =	sbarrier.arrive $0xFFFF  }
0xce: {  	p0 =	sne.s32 s0, $0x0;
	s0 =	rddreg [dreg:$0x2]  }
0xcf: {  	s0 =	sadd.s32 @!p0 $0x100000, s0  }
0xd0: {  	[sflag:s0] =	ssyncadd.tile.s32 @!p0 $0x1;
	_ =	shalt  }
.Lfunc_end2:
_tile_overlayer_lowered:
.L_overlay_start_2:
0xd1: {  	(tag) =	ssettag $0x2  }
0xd2: {  	s0 =	rddreg [dreg:$0x0];
	s2 =	stileid.u32  }
0xd3: {  	s1 =	rddreg [dreg:$0x1];
	p0 =	sne.s32 s2, $0x0  }
0xd4: {  	s3 =	rddreg [dreg:$0x2];
	[bflag:$0x3] =	sbarrier.arrive $0xFFFF;
	s2 =	simm.s32 @!p0 $0x1C09  }
0xd5: {  	[timem:s3], [sflag:s2] =	dma.local @!p0 [hbm:s0], s1  }
0xd6: {  	s0 =	simm.s32 @!p0 $0x9  }
0xd7: {  	_ =	swait.ge @!p0 [sflag:s0], s1  }
0xd8: {  	s1 =	ssub.s32 @!p0 $0x0, s1;
	[sflag:s0] =	ssyncset.done @!p0 $0x0  }
0xd9: {  	[sflag:s0] =	ssyncadd.s32 @!p0 s1  }
0xda: {  	[bflag:$0x3] =	sbarrier.arrive $0xFFFF  }
0xdb: {  	_ =	shalt  }

// kernel: kernel.14.cloned.1.call-start
scs
__scs_entry_jumppad:
0x0: {  	(pc) =	sbr.rel $0x88, $3  }
0x1: {  	(tag) =	ssettag $0x0;
	lr =	simm.s32 $0x1  }
0x2: {  	[smem:$0x3F9B] =	sst lr;
	_ =	strace $0xD0000000  }
0x3: {  	_ = 	snop  }
0x4: {  	_ = 	snop  }
0x5: {  	_ = 	snop  }
0x6: {  	_ = 	snop  }
0x7: {  	_ = 	snop  }
__scs_overlays_trampoline_lowered:
0x8: {  	[smem:$0x3FAA] =	sst s0  }
0x9: {  	[smem:$0x3FAB] =	sst s1  }
0xa: {  	[smem:$0x3FAC] =	sst s2  }
0xb: {  	[smem:$0x3FAD] =	sst s3  }
0xc: {  	[smem:$0x3FAE] =	sst s4  }
0xd: {  	[smem:$0x3FAF] =	sst s5  }
0xe: {  	[smem:$0x3FB0] =	sst s6  }
0xf: {  	[smem:$0x3FB1] =	sst s7  }
0x10: {  	[smem:$0x3FB2] =	sst s8  }
0x11: {  	[smem:$0x3FB3] =	sst s9;
	s0 =	simm.s32 @!p0 $0x0  }
0x12: {  	s1 =	sld [smem:$0x3F99];
	s0 =	simm.s32 @p0 $0x1  }
0x13: {  	[smem:$0x3FB4] =	sst s0;
	s0 =	simm.s32 @!p1 $0x0  }
0x14: {  	s2 =	sld [smem:$0x3F98];
	s0 =	simm.s32 @p1 $0x1  }
0x15: {  	[smem:$0x3FB5] =	sst s0;
	s0 =	simm.s32 @!p2 $0x0  }
0x16: {  	s3 =	sld [smem:$0x3FDB];
	s0 =	simm.s32 @p2 $0x1  }
0x17: {  	s4 =	simm.s32 $0x1BF5;
	[smem:$0x3FB7] =	sst s0  }
0x18: {  	s0 =	sld [smem:$0x3F9A];
	_ =	swait.ge [sflag:s4], $0x0  }
0x19: {  	s7 =	sld [smem:$0x3F9B]  }
0x1a: {  	s8 =	sadd.s32 $0xFFFFE003, lr  }
0x1b: {  	s9 =	sadd.s32 $0xFFFFFEF7, lr;
	s5 =	simm.s32 $0xFFFFFFFF;
	p2 =	slt.u32 s8, $0xFFFFF086  }
0x1c: {  	p1 =	slt.u32 s9, $0xF7A;
	s5 =	simm.s32 @!p2 $0x0  }
0x1d: {  	s5 =	simm.s32 @p1 $0x1;
	p0 =	seq.s32 s7, s2  }
0x1e: {  	s7 =	smul.u32 @!p0 $0xF7A, s2;
	p2 =	seq.s32 @!p0 s5, $0x0  }
0x1f: {  	s9 =	smul.u32 $0xF7A, s1;
	s8 =	simm.s32 @!p0 $0x1BF5;
	p2 =	por !p2, p0  }
0x20: {  	[sflag:s8] =	ssyncset.s32 @!p0 $0xFFFFF086;
	s6 =	sadd.s32 @!p0 s3, s7;
	s7 =	simm.s32 @!p0 $0x108  }
0x21: {  	s3 =	sadd.s32 s3, s9;
	s6 =	sadd.s32 @!p0 $0x88, s6;
	s7 =	simm.s32 @p2 $0x1082  }
0x22: {  	[simem:s7], [sflag:s8] =	dma.local @!p0 [hbm:s6], $0xF7A  }
0x23: {  	s9 =	sor.u32 $0xD0000000, s2;
	s6 =	simm.s32 $0x108;
	_ =	swait.ge @!p0 [sflag:s8], $0x0  }
0x24: {  	s3 =	sadd.s32 $0x88, s3;
	s6 =	simm.s32 @!p1 $0x1082;
	[sflag:s4] =	ssyncset.s32 $0xFFFFF086  }
0x25: {  	[simem:s6], [sflag:s4] =	dma.local [hbm:s3], $0xF7A  }
0x26: {  	[smem:$0x3F9B] =	sst s1;
	(tag) =	ssettag s2;
	_ =	strace s9  }
0x27: {  	s1 =	sld [smem:$0x3FAB]  }
0x28: {  	s2 =	sld [smem:$0x3FAC]  }
0x29: {  	s4 =	sld [smem:$0x3FAE]  }
0x2a: {  	p0 =	seq.s32 s5, $0x0;
	s5 =	sld [smem:$0x3FAF]  }
0x2b: {  	s6 =	sld [smem:$0x3FB0]  }
0x2c: {  	s7 =	sld [smem:$0x3FB1]  }
0x2d: {  	s3 =	simm.s32 $0x108;
	s8 =	sld [smem:$0x3FB2]  }
0x2e: {  	s3 =	simm.s32 @!p0 $0x1082;
	s9 =	sld [smem:$0x3FB3]  }
0x2f: {  	lr =	sadd.s32 s0, s3;
	s0 =	sld [smem:$0x3FAA]  }
0x30: {  	s3 =	sld [smem:$0x3FAD]  }
0x31: {  	[smem:$0x3FB6] =	sst s10  }
0x32: {  	s10 =	sld [smem:$0x3FB4];
	_ =	sdelay $0x3  }
0x33: {  	p0 =	seq.s32 s10, $0x1;
	s10 =	sld [smem:$0x3FB6];
	_ =	sdelay $0x3  }
0x34: {  	[smem:$0x3FB6] =	sst s10  }
0x35: {  	s10 =	sld [smem:$0x3FB5];
	_ =	sdelay $0x3  }
0x36: {  	p1 =	seq.s32 s10, $0x1;
	s10 =	sld [smem:$0x3FB6];
	_ =	sdelay $0x3  }
0x37: {  	[smem:$0x3FB6] =	sst s10  }
0x38: {  	s10 =	sld [smem:$0x3FB7]  }
0x39: {  	_ = 	snop;
	(pc) =	sbr.ind lr, $3  }
0x3a: {  	_ = 	snop  }
0x3b: {  	_ = 	snop  }
0x3c: {  	p2 =	seq.s32 s10, $0x1;
	s10 =	sld [smem:$0x3FB6]  }
0x3d: {  	_ =	shalt  }
0x3e: {  	_ =	shalt  }
0x3f: {  	_ =	shalt  }
0x40: {  	_ =	shalt  }
0x41: {  	_ =	shalt  }
0x42: {  	_ =	shalt  }
0x43: {  	_ =	shalt  }
0x44: {  	_ =	shalt  }
0x45: {  	_ =	shalt  }
0x46: {  	_ =	shalt  }
0x47: {  	_ =	shalt  }
0x48: {  	_ =	shalt  }
0x49: {  	_ =	shalt  }
0x4a: {  	_ =	shalt  }
0x4b: {  	_ =	shalt  }
0x4c: {  	_ =	shalt  }
0x4d: {  	_ =	shalt  }
0x4e: {  	_ =	shalt  }
0x4f: {  	_ =	shalt  }
0x50: {  	_ =	shalt  }
0x51: {  	_ =	shalt  }
0x52: {  	_ =	shalt  }
0x53: {  	_ =	shalt  }
0x54: {  	_ =	shalt  }
0x55: {  	_ =	shalt  }
0x56: {  	_ =	shalt  }
0x57: {  	_ =	shalt  }
0x58: {  	_ =	shalt  }
0x59: {  	_ =	shalt  }
0x5a: {  	_ =	shalt  }
0x5b: {  	_ =	shalt  }
0x5c: {  	_ =	shalt  }
0x5d: {  	_ =	shalt  }
0x5e: {  	_ =	shalt  }
0x5f: {  	_ =	shalt  }
0x60: {  	_ =	shalt  }
0x61: {  	_ =	shalt  }
0x62: {  	_ =	shalt  }
0x63: {  	_ =	shalt  }
0x64: {  	_ =	shalt  }
0x65: {  	_ =	shalt  }
0x66: {  	_ =	shalt  }
0x67: {  	_ =	shalt  }
0x68: {  	_ =	shalt  }
0x69: {  	_ =	shalt  }
0x6a: {  	_ =	shalt  }
0x6b: {  	_ =	shalt  }
0x6c: {  	_ =	shalt  }
0x6d: {  	_ =	shalt  }
0x6e: {  	_ =	shalt  }
0x6f: {  	_ =	shalt  }
0x70: {  	_ =	shalt  }
0x71: {  	_ =	shalt  }
0x72: {  	_ =	shalt  }
0x73: {  	_ =	shalt  }
0x74: {  	_ =	shalt  }
0x75: {  	_ =	shalt  }
0x76: {  	_ =	shalt  }
0x77: {  	_ =	shalt  }
0x78: {  	_ =	shalt  }
0x79: {  	_ =	shalt  }
0x7a: {  	_ =	shalt  }
0x7b: {  	_ =	shalt  }
0x7c: {  	_ =	shalt  }
0x7d: {  	_ =	shalt  }
0x7e: {  	_ =	shalt  }
0x7f: {  	_ =	shalt  }
0x80: {  	_ =	shalt  }
0x81: {  	_ =	shalt  }
0x82: {  	_ =	shalt  }
0x83: {  	_ =	shalt  }
0x84: {  	_ =	shalt  }
0x85: {  	_ =	shalt  }
0x86: {  	_ =	shalt  }
0x87: {  	_ =	shalt  }
.Lfunc_end0:
.L_simem_size_0:
called_computation.2_lowered:
.L_overlay_start_0:
0x88: {  	s2 =	sld [smem:$0x3FD9]  }
0x89: {  	s3 =	sld [smem:$0x3FFE];
	_ =	sdelay $0x1  }
0x8a: {  	s1 =	srdreg.scid  }
0x8b: {  	s0 =	sand.u32 $0x1, s1  }
0x8c: {  	s16 =	sshll.u32 s0, $0xA;
	s2 =	sadd.s32 s3, s2  }
0x8d: {  	s2 =	sadd.s32 s2, s16  }
0x8e: {  	[smem:$0x3FC2] =	sst s2  }
0x8f: {  	_ = 	snop  }
0x90: {  	(tm) =	ssettm $0x1  }
0x91: {  	s17 =	sld [smem:$0x3FFB];
	_ =	sdelay $0x3  }
0x92: {  	_ =	strace s17  }
0x93: {  	s2 =	sld [smem:$0x3FFC];
	_ =	sdelay $0x3  }
0x94: {  	_ =	strace s2  }
0x95: {  	s2 =	sld [smem:$0x3FFD];
	_ =	sdelay $0x3  }
0x96: {  	_ =	strace s2  }
0x97: {  	_ =	strace $0x8FFFFFFF  }
0x98: {  	s18 =	sld [smem:$0x3FDB];
	_ =	sdelay $0x1  }
0x99: {  	s19 =	simm.s32 $_scs_section_size  }
0x9a: {  	s4 =	simm.s32 $_size__tile_overlayer_lowered;
	s5 =	simm.s32 $_tile_overlayer_lowered  }
0x9b: {  	s22 =	simm.s32 $0x1BFF;
	s21 =	sshll.u32 s5, $0x1;
	s2 =	sadd.s32 s19, s18  }
0x9c: {  	s6 =	simm.s32 $0x0;
	s20 =	sshll.u32 s4, $0x1;
	s4 =	sadd.s32 s21, s2  }
0x9d: {  	[timem:s6], [sflag:s22] =	dma.local [hbm:s4], s20  }
0x9e: {  	_ =	swait.ge [sflag:s22], s20  }
0x9f: {  	s3 =	ssub.s32 $0x0, s20;
	[sflag:s22] =	ssyncset.done $0x0  }
0xa0: {  	[sflag:s22] =	ssyncadd.s32 s3;
	_ =	sdelay $0x1  }
0xa1: {  	s23 =	simm.s32 $0x1B8B  }
0xa2: {  	_ =	swait.ge [sflag:s23], $0x1  }
0xa3: {  	[sflag:s23] =	ssyncset.done $0x0  }
0xa4: {  	s25 =	simm.s32 $0x1B8E;
	s24 =	sld [smem:$0x3FFE];
	[sflag:s23] =	ssyncadd.s32 $0xFFFFFFFF  }
0xa5: {  	s26 =	simm.s32 $execute0_lowered;
	[smem:$0x3FD2] =	sst s25  }
0xa6: {  	s4 =	sshll.u32 s26, $0x1;
	_ =	strace $0x8000004C;
	[dreg:$0x1] =	wrdreg $0xFFFFFFFF  }
0xa7: {  	s28 =	simm.s32 $_size_execute0_lowered;
	s2 =	sadd.s32 s2, s4;
	[dreg:$0x0] =	wrdreg $0x0  }
0xa8: {  	s4 =	sshll.u32 s28, $0x1;
	[dreg:$0x2] =	wrdreg s2  }
0xa9: {  	[dreg:$0x3] =	wrdreg s4  }
0xaa: {  	[dreg:$0x4] =	wrdreg $0xC0  }
0xab: {  	_ =	task [dreg:s6], $0x5FFFF  }
0xac: {  	[dreg:$0x1] =	wrdreg $0xFFFFFFFF  }
0xad: {  	[dreg:$0x0] =	wrdreg $0x60  }
0xae: {  	[dreg:$0x2] =	wrdreg s24  }
0xaf: {  	[dreg:$0x3] =	wrdreg $0x77000  }
0xb0: {  	[dreg:$0x4] =	wrdreg $0x9  }
0xb1: {  	_ =	task.clear_ibuf [dreg:s6], $0x5FFFF;
	_ =	strace $0x9000004C  }
0xb2: {  	s29 =	simm.s32 $0x9;
	_ =	strace $0x8000004E  }
0xb3: {  	_ =	swait.ge [sflag:s29], $0x1  }
0xb4: {  	[sflag:s29] =	ssyncadd.s32 $0xFFFFFFFF  }
0xb5: {  	_ =	strace $0x9000004E  }
0xb6: {  	_ =	sfence  }
0xb7: {  	s30 =	sld [smem:$0x0];
	_ =	sdelay $0x2  }
0xb8: {  	s31 =	sshll.u32 s1, $0xD;
	s1 =	sshrl.u32 s1, $0x2  }
0xb9: {  	s3 =	sand.u32 $0x4000, s31;
	s1 =	sadd.s32 s1, s30  }
0xba: {  	s0 =	sor.u32 s3, s0;
	s1 =	sshll.u32 s1, $0x11  }
0xbb: {  	s0 =	sor.u32 s1, s0  }
0xbc: {  	s0 =	sadd.s32 $0x8F2B, s0  }
0xbd: {  	[sflag:s0] =	ssyncadd.remote.s32 $0x1  }
0xbe: {  	_ =	sfence.sel $0xFFFF  }
0xbf: {  	[dreg:$0x0] =	wrdreg $0xFFFFFFFF;
	(pc) =	sbr.abs _section_cstart, $3  }
0xc0: {  	[dreg:$0x1] =	wrdreg $0xFFFFFFFF  }
0xc1: {  	_ =	task.clear_ibuf [dreg:s6], $0x2FFFF;
	_ =	strace $0x9FFFFFFF  }
0xc2: {  	(tm) =	ssettm $0x7FFFFFFF  }
0xc3: {  	_ =	shalt  }
tec
execute0_lowered:
.L_overlay_start_1:
0x0: {  	(tag) =	ssettag $0x1  }
0x1: {  	s0 =	srdreg.scid  }
0x2: {  	s8 =	stileid.u32;
	s5 =	rddreg [dreg:$0x0]  }
0x3: {  	s2 =	rddreg [dreg:$0x1];
	s3 =	simm.s32 $0x0;
	s28 =	simm.s32 $0x5700  }
0x4: {  	s30 =	simm.s32 $0x5F00;
	s29 =	simm.s32 $0x1;
	s31 =	simm.s32 $0x2  }
0x5: {  	s0 =	sand.u32 $0x1, s0;
	s6 =	smul.u32 $0xA000, s8;
	[smem:$0x7FF] =	sst s3  }
0x6: {  	s4 =	sadd.s32 $0x15200, s5;
	s9 =	sadd.s32 $0x1A200, s5;
	s1 =	sshll.u32 s0, $0x4  }
0x7: {  	s7 =	smul.u32 $0x28000, s0;
	_ =	strace $0x8000004D;
	s0 =	ssub.s32 $0x2, s0  }
0x8: {  	s1 =	sor.u32 s8, s1;
	s8 =	smul.u32 $0x2800, s8;
	s11 =	sshrl.u32 s0, $0x1  }
0x9: {  	s6 =	sshrl.u32 s6, $0x2;
	s1 =	smul.u32 $0x4F0, s1;
	s0 =	ssub.s32 s0, s11  }
0xa: {  	s10 =	sadd.s32 s7, s8;
	s0 =	smax.u32 s0, $0x1;
	s16 =	sadd.s32 $0x800, s8  }
0xb: {  	s21 =	sadd.s32 $0x1000, s8;
	s22 =	sadd.s32 s8, s2;
	s11 =	sadd.s32 $0x1800, s8  }
0xc: {  	s8 =	sadd.s32 $0x2000, s8;
	s1 =	sadd.s32 s1, s5;
	s5 =	sadd.s32 s6, s2  }
0xd: {  	s12 =	sshrl.u32 s10, $0x3;
	[dreg:$0x6] =	wrdreg s0;
	s19 =	sadd.s32 s7, s16  }
0xe: {  	s23 =	sadd.s32 s7, s21;
	s0 =	sadd.s32 s16, s2;
	s24 =	sadd.s32 s7, s11  }
0xf: {  	s6 =	sadd.s32 s21, s2;
	s7 =	sadd.s32 s7, s8;
	s13 =	sadd.s32 $0xB400, s1  }
0x10: {  	s25 =	sadd.s32 s11, s2;
	s1 =	sadd.s32 $0x1600, s1;
	[dreg:$0x3] =	wrdreg s13  }
0x11: {  	s26 =	sadd.s32 s8, s2;
	s14 =	sadd.s32 s9, s12;
	[dreg:$0x4] =	wrdreg s1  }
0x12: {  	s21 =	sshrl.u32 s22, $0x3;
	s15 =	sadd.s32 $0x800, s5;
	[dreg:$0x5] =	wrdreg s14  }
0x13: {  	s8 =	simm.s32 $0x6;
	s17 =	sadd.s32 $0x1000, s5;
	[dreg:$0x7] =	wrdreg s15  }
0x14: {  	s10 =	simm.s32 $0x8;
	s18 =	sadd.s32 $0x1800, s5;
	[dreg:$0x8] =	wrdreg s17  }
0x15: {  	s20 =	sadd.s32 $0x2000, s5;
	s7 =	sshrl.u32 s7, $0x3;
	[dreg:$0x9] =	wrdreg s18  }
0x16: {  	s22 =	sshrl.u32 s0, $0x3;
	s0 =	simm.s32 $0x3;
	[dreg:$0xa] =	wrdreg s20  }
0x17: {  	s1 =	sshrl.u32 s19, $0x3;
	s17 =	sadd.s32 s9, s7;
	s18 =	simm.s32 $0x9  }
0x18: {  	s19 =	simm.s32 $0x800;
	s20 =	simm.s32 $0x6F00;
	s7 =	simm.s32 $0x5  }
0x19: {  	s14 =	sadd.s32 s9, s1;
	s1 =	sshrl.u32 s23, $0x3;
	s23 =	sshrl.u32 s6, $0x3  }
0x1a: {  	s6 =	simm.s32 $0x4;
	s15 =	sadd.s32 s9, s1;
	s1 =	sshrl.u32 s24, $0x3  }
0x1b: {  	s24 =	sshrl.u32 s25, $0x3;
	s25 =	sshrl.u32 s26, $0x3;
	s26 =	simm.s32 $0x80  }
0x1c: {  	v0 =	vimm.f32 $0.0e+00;
	s16 =	sadd.s32 s9, s1;
	s1 =	simm.s32 $0x6700;
	s9 =	simm.s32 $0x7  }
.LBB2_1:
0x1d: {  	s11 =	simm.s32 $0x40;
	s12 =	simm.s32 $0x0  }
.LBB2_2:
0x1e: {  	p0 =	sne.s32 s11, $0x1FC0;
	[tilespmem:s12+$0x0] =	vst v0;
	s12 =	smov.u32 s11;
	s11 =	sadd.s32 $0x40, s11  }
.Ltmp0:
0x1f: {  	(pc) =	sbr.rel @p0 .LBB2_2-.Ltmp0, $2  }
0x20: {  	_ =	sdelay $0x2  }
0x21: {  	s12 =	sshra.s32 s12, $0x2  }
0x22: {  	[tilespmem:s12+$0x0] =	vst v0;
	s11 =	simm.s32 $0x0  }
0x23: {  	[spmem:s5] =	stream.linear.scatter [tilespmem:s11], [sflag:$0x9], $0x800, $0x38;
	[tilespmem:$0x9F00] =	vst v63  }
0x24: {  	_ =	swait.ge [sflag:s18], $0x800  }
0x25: {  	[sflag:s18] =	ssyncset.done $0x0  }
0x26: {  	s13 =	rddreg [dreg:$0x7];
	[sflag:s18] =	ssyncadd.s32 $0xFFFFF800  }
0x27: {  	[spmem:s13] =	stream.linear.scatter [tilespmem:s11], [sflag:$0x9], $0x800, $0x38;
	[tilespmem:$0x9F00] =	vst v63  }
0x28: {  	_ =	swait.ge [sflag:s18], $0x800  }
0x29: {  	[sflag:s18] =	ssyncset.done $0x0  }
0x2a: {  	s13 =	rddreg [dreg:$0x8];
	[sflag:s18] =	ssyncadd.s32 $0xFFFFF800  }
0x2b: {  	[spmem:s13] =	stream.linear.scatter [tilespmem:s11], [sflag:$0x9], $0x800, $0x38;
	[tilespmem:$0x9F00] =	vst v63  }
0x2c: {  	_ =	swait.ge [sflag:s18], $0x800  }
0x2d: {  	[sflag:s18] =	ssyncset.done $0x0  }
0x2e: {  	s13 =	rddreg [dreg:$0x9];
	[sflag:s18] =	ssyncadd.s32 $0xFFFFF800  }
0x2f: {  	[spmem:s13] =	stream.linear.scatter [tilespmem:s11], [sflag:$0x9], $0x800, $0x38;
	[tilespmem:$0x9F00] =	vst v63  }
0x30: {  	_ =	swait.ge [sflag:s18], $0x800  }
0x31: {  	[sflag:s18] =	ssyncset.done $0x0  }
0x32: {  	s13 =	rddreg [dreg:$0xa];
	[sflag:s18] =	ssyncadd.s32 $0xFFFFF800  }
0x33: {  	[spmem:s13] =	stream.linear.scatter [tilespmem:s11], [sflag:$0x9], $0x800, $0x38;
	[tilespmem:$0x9F00] =	vst v63  }
0x34: {  	_ =	swait.ge [sflag:s18], $0x800  }
0x35: {  	[sflag:s18] =	ssyncset.done $0x0  }
0x36: {  	s13 =	rddreg [dreg:$0x3];
	[sflag:s18] =	ssyncadd.s32 $0xFFFFF800  }
0x37: {  	[tilespmem:s19], [sflag:$0x9] =	stream.linear.gather [hbm4b:s13+s11], $0x2780, $0x38;
	[tilespmem:$0x9F00] =	vst v63  }
0x38: {  	_ =	swait.ge [sflag:s18], $0x2780  }
0x39: {  	[sflag:s18] =	ssyncset.done $0x0  }
0x3a: {  	s13 =	simm.s32 $0x2F80;
	s12 =	rddreg [dreg:$0x4];
	[sflag:s18] =	ssyncadd.s32 $0xFFFFD880  }
0x3b: {  	[tilespmem:s13], [sflag:$0x9] =	stream.linear.gather [hbm4b:s12+s11], $0x2780, $0x38;
	[tilespmem:$0x9F00] =	vst v63  }
0x3c: {  	_ =	swait.ge [sflag:s18], $0x2780  }
0x3d: {  	[sflag:s18] =	ssyncset.done $0x0  }
0x3e: {  	[sflag:s18] =	ssyncadd.s32 $0xFFFFD880  }
0x3f: {  	[bflag:$0x0] =	sbarrier.arrive $0xFFFF  }
0x40: {  	[tilespmem:s28], [sflag:$0x1] =	stream.indirect.gather [hbm4b:s4+s26], $0x10, s19, s26, $0xb8;
	[tilespmem:$0x9F00] =	vst v63  }
0x41: {  	s12 =	simm.s32 $0x880  }
0x42: {  	[tilespmem:s30], [sflag:$0x2] =	stream.indirect.gather [hbm4b:s4+s26], $0x10, s12, s26, $0xb8;
	[tilespmem:$0x9F00] =	vst v63  }
0x43: {  	s13 =	simm.s32 $0x900  }
0x44: {  	[tilespmem:s1], [sflag:$0x3] =	stream.indirect.gather [hbm4b:s4+s26], $0x10, s13, s26, $0xb8;
	[tilespmem:$0x9F00] =	vst v63  }
0x45: {  	s12 =	simm.s32 $0x980  }
0x46: {  	[tilespmem:s20], [sflag:$0x4] =	stream.indirect.gather [hbm4b:s4+s26], $0x10, s12, s26, $0xb8;
	[tilespmem:$0x9F00] =	vst v63  }
0x47: {  	_ =	swait.ge [sflag:s29], $0x800  }
0x48: {  	[sflag:s29] =	ssyncset.done $0x0  }
0x49: {  	s13 =	simm.s32 $0x2F80;
	[sflag:s29] =	ssyncadd.s32 $0xFFFFF800  }
0x4a: {  	[spmem:s2] =	stream.indirect.scatter.add.f32 [tilespmem:s28], [sflag:$0x5], $0x10, s13, s26, $0xb8;
	[tilespmem:$0x9F00] =	vst v63  }
0x4b: {  	_ =	swait.ge [sflag:s31], $0x800  }
0x4c: {  	[sflag:s31] =	ssyncset.done $0x0  }
0x4d: {  	s12 =	simm.s32 $0x3000;
	[sflag:s31] =	ssyncadd.s32 $0xFFFFF800  }
0x4e: {  	[spmem:s2] =	stream.indirect.scatter.add.f32 [tilespmem:s30], [sflag:$0x6], $0x10, s12, s26, $0xb8;
	[tilespmem:$0x9F00] =	vst v63  }
0x4f: {  	_ =	swait.ge [sflag:s0], $0x800  }
0x50: {  	[sflag:s0] =	ssyncset.done $0x0  }
0x51: {  	s13 =	simm.s32 $0x3080;
	[sflag:s0] =	ssyncadd.s32 $0xFFFFF800  }
0x52: {  	[spmem:s2] =	stream.indirect.scatter.add.f32 [tilespmem:s1], [sflag:$0x7], $0x10, s13, s26, $0xb8;
	[tilespmem:$0x9F00] =	vst v63  }
0x53: {  	_ =	swait.ge [sflag:s6], $0x800  }
0x54: {  	[sflag:s6] =	ssyncset.done $0x0  }
0x55: {  	s12 =	simm.s32 $0x3100;
	[sflag:s6] =	ssyncadd.s32 $0xFFFFF800  }
0x56: {  	[spmem:s2] =	stream.indirect.scatter.add.f32 [tilespmem:s20], [sflag:$0x8], $0x10, s12, s26, $0xb8;
	[tilespmem:$0x9F00] =	vst v63  }
0x57: {  	_ =	swait.ge [sflag:s7], $0x800  }
0x58: {  	[sflag:s7] =	ssyncset.done $0x0  }
0x59: {  	s13 =	simm.s32 $0xA00;
	[sflag:s7] =	ssyncadd.s32 $0xFFFFF800  }
0x5a: {  	[tilespmem:s28], [sflag:$0x1] =	stream.indirect.gather [hbm4b:s4+s26], $0x10, s13, s26, $0xb8;
	[tilespmem:$0x9F00] =	vst v63  }
0x5b: {  	_ =	swait.ge [sflag:s8], $0x800  }
0x5c: {  	[sflag:s8] =	ssyncset.done $0x0  }
0x5d: {  	s12 =	simm.s32 $0xA80;
	[sflag:s8] =	ssyncadd.s32 $0xFFFFF800  }
0x5e: {  	[tilespmem:s30], [sflag:$0x2] =	stream.indirect.gather [hbm4b:s4+s26], $0x10, s12, s26, $0xb8;
	[tilespmem:$0x9F00] =	vst v63  }
0x5f: {  	_ =	swait.ge [sflag:s9], $0x800  }
0x60: {  	[sflag:s9] =	ssyncset.done $0x0  }
0x61: {  	s13 =	simm.s32 $0xB00;
	[sflag:s9] =	ssyncadd.s32 $0xFFFFF800  }
0x62: {  	[tilespmem:s1], [sflag:$0x3] =	stream.indirect.gather [hbm4b:s4+s26], $0x10, s13, s26, $0xb8;
	[tilespmem:$0x9F00] =	vst v63  }
0x63: {  	_ =	swait.ge [sflag:s10], $0x800  }
0x64: {  	[sflag:s10] =	ssyncset.done $0x0  }
0x65: {  	s11 =	simm.s32 $0x800;
	s12 =	simm.s32 $0xB80;
	[sflag:s10] =	ssyncadd.s32 $0xFFFFF800  }
.LBB2_4:
0x66: {  	[tilespmem:s20], [sflag:$0x4] =	stream.indirect.gather [hbm4b:s4+s26], $0x10, s12, s26, $0xb8;
	[tilespmem:$0x9F00] =	vst v63  }
0x67: {  	s12 =	smov.u32 s11  }
0x68: {  	p0 =	sne.s32 s11, $0x8800;
	s11 =	sadd.s32 $0x800, s11;
	_ =	swait.ge [sflag:s29], $0x800  }
0x69: {  	s12 =	sshra.s32 s12, $0x2;
	[sflag:s29] =	ssyncset.done $0x0  }
0x6a: {  	s13 =	sadd.s32 $0x2F80, s12;
	[sflag:s29] =	ssyncadd.s32 $0xFFFFF800  }
0x6b: {  	[spmem:s2] =	stream.indirect.scatter.add.f32 [tilespmem:s28], [sflag:$0x5], $0x10, s13, s26, $0xb8;
	[tilespmem:$0x9F00] =	vst v63  }
0x6c: {  	_ =	swait.ge [sflag:s31], $0x800  }
0x6d: {  	[sflag:s31] =	ssyncset.done $0x0  }
0x6e: {  	s13 =	sadd.s32 $0x3000, s12;
	[sflag:s31] =	ssyncadd.s32 $0xFFFFF800  }
0x6f: {  	[spmem:s2] =	stream.indirect.scatter.add.f32 [tilespmem:s30], [sflag:$0x6], $0x10, s13, s26, $0xb8;
	[tilespmem:$0x9F00] =	vst v63  }
0x70: {  	_ =	swait.ge [sflag:s0], $0x800  }
0x71: {  	[sflag:s0] =	ssyncset.done $0x0  }
0x72: {  	s13 =	sadd.s32 $0x3080, s12;
	[sflag:s0] =	ssyncadd.s32 $0xFFFFF800  }
0x73: {  	[spmem:s2] =	stream.indirect.scatter.add.f32 [tilespmem:s1], [sflag:$0x7], $0x10, s13, s26, $0xb8;
	[tilespmem:$0x9F00] =	vst v63  }
0x74: {  	_ =	swait.ge [sflag:s6], $0x800  }
0x75: {  	[sflag:s6] =	ssyncset.done $0x0  }
0x76: {  	s13 =	sadd.s32 $0x3100, s12;
	[sflag:s6] =	ssyncadd.s32 $0xFFFFF800  }
0x77: {  	[spmem:s2] =	stream.indirect.scatter.add.f32 [tilespmem:s20], [sflag:$0x8], $0x10, s13, s26, $0xb8;
	[tilespmem:$0x9F00] =	vst v63  }
0x78: {  	_ =	swait.ge [sflag:s7], $0x800  }
0x79: {  	[sflag:s7] =	ssyncset.done $0x0  }
0x7a: {  	s13 =	sadd.s32 $0xA00, s12;
	[sflag:s7] =	ssyncadd.s32 $0xFFFFF800  }
0x7b: {  	[tilespmem:s28], [sflag:$0x1] =	stream.indirect.gather [hbm4b:s4+s26], $0x10, s13, s26, $0xb8;
	[tilespmem:$0x9F00] =	vst v63  }
0x7c: {  	_ =	swait.ge [sflag:s8], $0x800  }
0x7d: {  	[sflag:s8] =	ssyncset.done $0x0  }
0x7e: {  	s13 =	sadd.s32 $0xA80, s12;
	[sflag:s8] =	ssyncadd.s32 $0xFFFFF800  }
0x7f: {  	[tilespmem:s30], [sflag:$0x2] =	stream.indirect.gather [hbm4b:s4+s26], $0x10, s13, s26, $0xb8;
	[tilespmem:$0x9F00] =	vst v63  }
0x80: {  	_ =	swait.ge [sflag:s9], $0x800  }
0x81: {  	[sflag:s9] =	ssyncset.done $0x0  }
.Ltmp1:
0x82: {  	s13 =	sadd.s32 $0xB00, s12;
	[sflag:s9] =	ssyncadd.s32 $0xFFFFF800;
	(pc) =	sbr.rel @p0 .LBB2_4-.Ltmp1, $4  }
0x83: {  	[tilespmem:s1], [sflag:$0x3] =	stream.indirect.gather [hbm4b:s4+s26], $0x10, s13, s26, $0xb8;
	[tilespmem:$0x9F00] =	vst v63  }
0x84: {  	_ =	swait.ge [sflag:s10], $0x800  }
0x85: {  	[sflag:s10] =	ssyncset.done $0x0  }
0x86: {  	s12 =	sadd.s32 $0xB80, s12;
	[sflag:s10] =	ssyncadd.s32 $0xFFFFF800  }
0x87: {  	[tilespmem:s20], [sflag:$0x4] =	stream.indirect.gather [hbm4b:s4+s26], $0x10, s12, s26, $0xb8;
	[tilespmem:$0x9F00] =	vst v63  }
0x88: {  	_ =	swait.ge [sflag:s29], $0x800  }
0x89: {  	[sflag:s29] =	ssyncset.done $0x0  }
0x8a: {  	s11 =	simm.s32 $0x5380;
	[sflag:s29] =	ssyncadd.s32 $0xFFFFF800  }
0x8b: {  	[spmem:s2] =	stream.indirect.scatter.add.f32 [tilespmem:s28], [sflag:$0x5], $0x10, s11, s26, $0xb8;
	[tilespmem:$0x9F00] =	vst v63  }
0x8c: {  	_ =	swait.ge [sflag:s31], $0x800  }
0x8d: {  	[sflag:s31] =	ssyncset.done $0x0  }
0x8e: {  	s13 =	simm.s32 $0x5400;
	[sflag:s31] =	ssyncadd.s32 $0xFFFFF800  }
0x8f: {  	[spmem:s2] =	stream.indirect.scatter.add.f32 [tilespmem:s30], [sflag:$0x6], $0x10, s13, s26, $0xb8;
	[tilespmem:$0x9F00] =	vst v63  }
0x90: {  	_ =	swait.ge [sflag:s0], $0x800  }
0x91: {  	[sflag:s0] =	ssyncset.done $0x0  }
0x92: {  	s12 =	simm.s32 $0x5480;
	[sflag:s0] =	ssyncadd.s32 $0xFFFFF800  }
0x93: {  	[spmem:s2] =	stream.indirect.scatter.add.f32 [tilespmem:s1], [sflag:$0x7], $0x10, s12, s26, $0xb8;
	[tilespmem:$0x9F00] =	vst v63  }
0x94: {  	_ =	swait.ge [sflag:s6], $0x800  }
0x95: {  	[sflag:s6] =	ssyncset.done $0x0  }
0x96: {  	s13 =	simm.s32 $0x5500;
	[sflag:s6] =	ssyncadd.s32 $0xFFFFF800  }
0x97: {  	[spmem:s2] =	stream.indirect.scatter.add.f32 [tilespmem:s20], [sflag:$0x8], $0x10, s13, s26, $0xb8;
	[tilespmem:$0x9F00] =	vst v63  }
0x98: {  	_ =	swait.ge [sflag:s7], $0x800  }
0x99: {  	[sflag:s7] =	ssyncset.done $0x0  }
0x9a: {  	[sflag:s7] =	ssyncadd.s32 $0xFFFFF800  }
0x9b: {  	_ =	swait.ge [sflag:s8], $0x800  }
0x9c: {  	[sflag:s8] =	ssyncset.done $0x0  }
0x9d: {  	[sflag:s8] =	ssyncadd.s32 $0xFFFFF800  }
0x9e: {  	_ =	swait.ge [sflag:s9], $0x800  }
0x9f: {  	[sflag:s9] =	ssyncset.done $0x0  }
0xa0: {  	[sflag:s9] =	ssyncadd.s32 $0xFFFFF800  }
0xa1: {  	_ =	swait.ge [sflag:s10], $0x800  }
0xa2: {  	[sflag:s10] =	ssyncset.done $0x0  }
0xa3: {  	s12 =	simm.s32 $0x2E00;
	[sflag:s10] =	ssyncadd.s32 $0xFFFFF800  }
0xa4: {  	[tilespmem:s28], [sflag:$0x1] =	stream.indirect.gather [hbm4b:s4+s26], $0x10, s12, s26, $0xb8;
	[tilespmem:$0x9F00] =	vst v63  }
0xa5: {  	_ =	swait.ge [sflag:s29], $0x800  }
0xa6: {  	[sflag:s29] =	ssyncset.done $0x0  }
0xa7: {  	s13 =	simm.s32 $0x5580;
	[sflag:s29] =	ssyncadd.s32 $0xFFFFF800  }
0xa8: {  	[spmem:s2] =	stream.indirect.scatter.add.f32 [tilespmem:s28], [sflag:$0x5], $0x10, s13, s26, $0xb8;
	[tilespmem:$0x9F00] =	vst v63  }
0xa9: {  	_ =	swait.ge [sflag:s7], $0x800  }
0xaa: {  	[sflag:s7] =	ssyncset.done $0x0  }
0xab: {  	s12 =	simm.s32 $0x2E80;
	[sflag:s7] =	ssyncadd.s32 $0xFFFFF800  }
0xac: {  	[tilespmem:s28], [sflag:$0x1] =	stream.indirect.gather [hbm4b:s4+s26], $0x10, s12, s26, $0xb8;
	[tilespmem:$0x9F00] =	vst v63  }
0xad: {  	_ =	swait.ge [sflag:s29], $0x800  }
0xae: {  	[sflag:s29] =	ssyncset.done $0x0  }
0xaf: {  	s13 =	simm.s32 $0x5600;
	[sflag:s29] =	ssyncadd.s32 $0xFFFFF800  }
0xb0: {  	[spmem:s2] =	stream.indirect.scatter.add.f32 [tilespmem:s28], [sflag:$0x5], $0x10, s13, s26, $0xb8;
	[tilespmem:$0x9F00] =	vst v63  }
0xb1: {  	_ =	swait.ge [sflag:s7], $0x800  }
0xb2: {  	[sflag:s7] =	ssyncset.done $0x0  }
0xb3: {  	s12 =	simm.s32 $0x2F00;
	[sflag:s7] =	ssyncadd.s32 $0xFFFFF800  }
0xb4: {  	[tilespmem:s28], [sflag:$0x1] =	stream.indirect.gather [hbm4b:s4+s26], $0x10, s12, s26, $0xb8;
	[tilespmem:$0x9F00] =	vst v63  }
0xb5: {  	_ =	swait.ge [sflag:s29], $0x800  }
0xb6: {  	[sflag:s29] =	ssyncset.done $0x0  }
0xb7: {  	s13 =	simm.s32 $0x5680;
	[sflag:s29] =	ssyncadd.s32 $0xFFFFF800  }
0xb8: {  	[spmem:s2] =	stream.indirect.scatter.add.f32 [tilespmem:s28], [sflag:$0x5], $0x10, s13, s26, $0xb8;
	[tilespmem:$0x9F00] =	vst v63  }
0xb9: {  	_ =	swait.ge [sflag:s7], $0x800  }
0xba: {  	[sflag:s7] =	ssyncset.done $0x0  }
0xbb: {  	s12 =	stileid.u32;
	[sflag:s7] =	ssyncadd.s32 $0xFFFFF800  }
0xbc: {  	s11 =	sshll.u32 s12, $0x6;
	[bflag:$0x0] =	sbarrier.arrive $0xFFFF  }
0xbd: {  	s11 =	sor.u32 $0x1C09, s11;
	s13 =	rddreg [dreg:$0x5]  }
0xbe: {  	[hbm:s13], [sflag:s11] =	dma.local [spmem:s21], $0x100  }
0xbf: {  	_ =	swait.ge [sflag:s18], $0x100  }
0xc0: {  	[sflag:s18] =	ssyncset.done $0x0  }
0xc1: {  	[sflag:s18] =	ssyncadd.s32 $0xFFFFFF00  }
0xc2: {  	[hbm:s14], [sflag:s11] =	dma.local [spmem:s22], $0x100  }
0xc3: {  	_ =	swait.ge [sflag:s18], $0x100  }
0xc4: {  	[sflag:s18] =	ssyncset.done $0x0  }
0xc5: {  	[sflag:s18] =	ssyncadd.s32 $0xFFFFFF00  }
0xc6: {  	[hbm:s15], [sflag:s11] =	dma.local [spmem:s23], $0x100  }
0xc7: {  	_ =	swait.ge [sflag:s18], $0x100  }
0xc8: {  	[sflag:s18] =	ssyncset.done $0x0  }
0xc9: {  	[sflag:s18] =	ssyncadd.s32 $0xFFFFFF00  }
0xca: {  	[hbm:s16], [sflag:s11] =	dma.local [spmem:s24], $0x100  }
0xcb: {  	_ =	swait.ge [sflag:s18], $0x100  }
0xcc: {  	[sflag:s18] =	ssyncset.done $0x0  }
0xcd: {  	[sflag:s18] =	ssyncadd.s32 $0xFFFFFF00  }
0xce: {  	[hbm:s17], [sflag:s11] =	dma.local [spmem:s25], $0x100  }
0xcf: {  	_ =	swait.ge [sflag:s18], $0x100  }
0xd0: {  	s3 =	sadd.s32 $0x1, s3;
	s13 =	rddreg [dreg:$0x6]  }
0xd1: {  	p0 =	sne.s32 s3, s13  }
.Ltmp2:
0xd2: {  	_ = 	snop;
	(pc) =	sbr.rel @p0 .LBB2_1-.Ltmp2, $3  }
0xd3: {  	_ =	sdelay $0x1  }
0xd4: {  	[sflag:s18] =	ssyncset.done $0x0  }
0xd5: {  	[sflag:s18] =	ssyncadd.s32 $0xFFFFFF00  }
0xd6: {  	_ =	sfence.sel $0x180000  }
0xd7: {  	[bflag:$0x0] =	sbarrier.arrive $0xFFFF  }
0xd8: {  	_ =	strace $0x9000004D  }
0xd9: {  	s0 =	stileid.u32;
	[bflag:$0x2] =	sbarrier.arrive $0xFFFF  }
0xda: {  	p0 =	sne.s32 s0, $0x0;
	s0 =	rddreg [dreg:$0x2]  }
0xdb: {  	s0 =	sadd.s32 @!p0 $0x100000, s0  }
0xdc: {  	[sflag:s0] =	ssyncadd.tile.s32 @!p0 $0x1;
	_ =	shalt  }
.Lfunc_end2:
_tile_overlayer_lowered:
.L_overlay_start_2:
0xdd: {  	(tag) =	ssettag $0x2  }
0xde: {  	s0 =	rddreg [dreg:$0x0];
	s2 =	stileid.u32  }
0xdf: {  	s1 =	rddreg [dreg:$0x1];
	p0 =	sne.s32 s2, $0x0  }
0xe0: {  	s3 =	rddreg [dreg:$0x2];
	[bflag:$0x3] =	sbarrier.arrive $0xFFFF;
	s2 =	simm.s32 @!p0 $0x1C09  }
0xe1: {  	[timem:s3], [sflag:s2] =	dma.local @!p0 [hbm:s0], s1  }
0xe2: {  	s0 =	simm.s32 @!p0 $0x9  }
0xe3: {  	_ =	swait.ge @!p0 [sflag:s0], s1  }
0xe4: {  	s1 =	ssub.s32 @!p0 $0x0, s1;
	[sflag:s0] =	ssyncset.done @!p0 $0x0  }
0xe5: {  	[sflag:s0] =	ssyncadd.s32 @!p0 s1  }
0xe6: {  	[bflag:$0x3] =	sbarrier.arrive $0xFFFF  }
0xe7: {  	_ =	shalt  }

// kernel: kernel.8.cloned.1.call-start
scs
__scs_entry_jumppad:
0x0: {  	(pc) =	sbr.rel $0x88, $3  }
0x1: {  	(tag) =	ssettag $0x0;
	lr =	simm.s32 $0x1  }
0x2: {  	[smem:$0x3F9B] =	sst lr;
	_ =	strace $0xD0000000  }
0x3: {  	_ = 	snop  }
0x4: {  	_ = 	snop  }
0x5: {  	_ = 	snop  }
0x6: {  	_ = 	snop  }
0x7: {  	_ = 	snop  }
__scs_overlays_trampoline_lowered:
0x8: {  	[smem:$0x3FAA] =	sst s0  }
0x9: {  	[smem:$0x3FAB] =	sst s1  }
0xa: {  	[smem:$0x3FAC] =	sst s2  }
0xb: {  	[smem:$0x3FAD] =	sst s3  }
0xc: {  	[smem:$0x3FAE] =	sst s4  }
0xd: {  	[smem:$0x3FAF] =	sst s5  }
0xe: {  	[smem:$0x3FB0] =	sst s6  }
0xf: {  	[smem:$0x3FB1] =	sst s7  }
0x10: {  	[smem:$0x3FB2] =	sst s8  }
0x11: {  	[smem:$0x3FB3] =	sst s9;
	s0 =	simm.s32 @!p0 $0x0  }
0x12: {  	s1 =	sld [smem:$0x3F99];
	s0 =	simm.s32 @p0 $0x1  }
0x13: {  	[smem:$0x3FB4] =	sst s0;
	s0 =	simm.s32 @!p1 $0x0  }
0x14: {  	s2 =	sld [smem:$0x3F98];
	s0 =	simm.s32 @p1 $0x1  }
0x15: {  	[smem:$0x3FB5] =	sst s0;
	s0 =	simm.s32 @!p2 $0x0  }
0x16: {  	s3 =	sld [smem:$0x3FDB];
	s0 =	simm.s32 @p2 $0x1  }
0x17: {  	s4 =	simm.s32 $0x1BF5;
	[smem:$0x3FB7] =	sst s0  }
0x18: {  	s0 =	sld [smem:$0x3F9A];
	_ =	swait.ge [sflag:s4], $0x0  }
0x19: {  	s7 =	sld [smem:$0x3F9B]  }
0x1a: {  	s8 =	sadd.s32 $0xFFFFE003, lr  }
0x1b: {  	s9 =	sadd.s32 $0xFFFFFEF7, lr;
	s5 =	simm.s32 $0xFFFFFFFF;
	p2 =	slt.u32 s8, $0xFFFFF086  }
0x1c: {  	p1 =	slt.u32 s9, $0xF7A;
	s5 =	simm.s32 @!p2 $0x0  }
0x1d: {  	s5 =	simm.s32 @p1 $0x1;
	p0 =	seq.s32 s7, s2  }
0x1e: {  	s7 =	smul.u32 @!p0 $0xF7A, s2;
	p2 =	seq.s32 @!p0 s5, $0x0  }
0x1f: {  	s9 =	smul.u32 $0xF7A, s1;
	s8 =	simm.s32 @!p0 $0x1BF5;
	p2 =	por !p2, p0  }
0x20: {  	[sflag:s8] =	ssyncset.s32 @!p0 $0xFFFFF086;
	s6 =	sadd.s32 @!p0 s3, s7;
	s7 =	simm.s32 @!p0 $0x108  }
0x21: {  	s3 =	sadd.s32 s3, s9;
	s6 =	sadd.s32 @!p0 $0x88, s6;
	s7 =	simm.s32 @p2 $0x1082  }
0x22: {  	[simem:s7], [sflag:s8] =	dma.local @!p0 [hbm:s6], $0xF7A  }
0x23: {  	s9 =	sor.u32 $0xD0000000, s2;
	s6 =	simm.s32 $0x108;
	_ =	swait.ge @!p0 [sflag:s8], $0x0  }
0x24: {  	s3 =	sadd.s32 $0x88, s3;
	s6 =	simm.s32 @!p1 $0x1082;
	[sflag:s4] =	ssyncset.s32 $0xFFFFF086  }
0x25: {  	[simem:s6], [sflag:s4] =	dma.local [hbm:s3], $0xF7A  }
0x26: {  	[smem:$0x3F9B] =	sst s1;
	(tag) =	ssettag s2;
	_ =	strace s9  }
0x27: {  	s1 =	sld [smem:$0x3FAB]  }
0x28: {  	s2 =	sld [smem:$0x3FAC]  }
0x29: {  	s4 =	sld [smem:$0x3FAE]  }
0x2a: {  	p0 =	seq.s32 s5, $0x0;
	s5 =	sld [smem:$0x3FAF]  }
0x2b: {  	s6 =	sld [smem:$0x3FB0]  }
0x2c: {  	s7 =	sld [smem:$0x3FB1]  }
0x2d: {  	s3 =	simm.s32 $0x108;
	s8 =	sld [smem:$0x3FB2]  }
0x2e: {  	s3 =	simm.s32 @!p0 $0x1082;
	s9 =	sld [smem:$0x3FB3]  }
0x2f: {  	lr =	sadd.s32 s0, s3;
	s0 =	sld [smem:$0x3FAA]  }
0x30: {  	s3 =	sld [smem:$0x3FAD]  }
0x31: {  	[smem:$0x3FB6] =	sst s10  }
0x32: {  	s10 =	sld [smem:$0x3FB4];
	_ =	sdelay $0x3  }
0x33: {  	p0 =	seq.s32 s10, $0x1;
	s10 =	sld [smem:$0x3FB6];
	_ =	sdelay $0x3  }
0x34: {  	[smem:$0x3FB6] =	sst s10  }
0x35: {  	s10 =	sld [smem:$0x3FB5];
	_ =	sdelay $0x3  }
0x36: {  	p1 =	seq.s32 s10, $0x1;
	s10 =	sld [smem:$0x3FB6];
	_ =	sdelay $0x3  }
0x37: {  	[smem:$0x3FB6] =	sst s10  }
0x38: {  	s10 =	sld [smem:$0x3FB7]  }
0x39: {  	_ = 	snop;
	(pc) =	sbr.ind lr, $3  }
0x3a: {  	_ = 	snop  }
0x3b: {  	_ = 	snop  }
0x3c: {  	p2 =	seq.s32 s10, $0x1;
	s10 =	sld [smem:$0x3FB6]  }
0x3d: {  	_ =	shalt  }
0x3e: {  	_ =	shalt  }
0x3f: {  	_ =	shalt  }
0x40: {  	_ =	shalt  }
0x41: {  	_ =	shalt  }
0x42: {  	_ =	shalt  }
0x43: {  	_ =	shalt  }
0x44: {  	_ =	shalt  }
0x45: {  	_ =	shalt  }
0x46: {  	_ =	shalt  }
0x47: {  	_ =	shalt  }
0x48: {  	_ =	shalt  }
0x49: {  	_ =	shalt  }
0x4a: {  	_ =	shalt  }
0x4b: {  	_ =	shalt  }
0x4c: {  	_ =	shalt  }
0x4d: {  	_ =	shalt  }
0x4e: {  	_ =	shalt  }
0x4f: {  	_ =	shalt  }
0x50: {  	_ =	shalt  }
0x51: {  	_ =	shalt  }
0x52: {  	_ =	shalt  }
0x53: {  	_ =	shalt  }
0x54: {  	_ =	shalt  }
0x55: {  	_ =	shalt  }
0x56: {  	_ =	shalt  }
0x57: {  	_ =	shalt  }
0x58: {  	_ =	shalt  }
0x59: {  	_ =	shalt  }
0x5a: {  	_ =	shalt  }
0x5b: {  	_ =	shalt  }
0x5c: {  	_ =	shalt  }
0x5d: {  	_ =	shalt  }
0x5e: {  	_ =	shalt  }
0x5f: {  	_ =	shalt  }
0x60: {  	_ =	shalt  }
0x61: {  	_ =	shalt  }
0x62: {  	_ =	shalt  }
0x63: {  	_ =	shalt  }
0x64: {  	_ =	shalt  }
0x65: {  	_ =	shalt  }
0x66: {  	_ =	shalt  }
0x67: {  	_ =	shalt  }
0x68: {  	_ =	shalt  }
0x69: {  	_ =	shalt  }
0x6a: {  	_ =	shalt  }
0x6b: {  	_ =	shalt  }
0x6c: {  	_ =	shalt  }
0x6d: {  	_ =	shalt  }
0x6e: {  	_ =	shalt  }
0x6f: {  	_ =	shalt  }
0x70: {  	_ =	shalt  }
0x71: {  	_ =	shalt  }
0x72: {  	_ =	shalt  }
0x73: {  	_ =	shalt  }
0x74: {  	_ =	shalt  }
0x75: {  	_ =	shalt  }
0x76: {  	_ =	shalt  }
0x77: {  	_ =	shalt  }
0x78: {  	_ =	shalt  }
0x79: {  	_ =	shalt  }
0x7a: {  	_ =	shalt  }
0x7b: {  	_ =	shalt  }
0x7c: {  	_ =	shalt  }
0x7d: {  	_ =	shalt  }
0x7e: {  	_ =	shalt  }
0x7f: {  	_ =	shalt  }
0x80: {  	_ =	shalt  }
0x81: {  	_ =	shalt  }
0x82: {  	_ =	shalt  }
0x83: {  	_ =	shalt  }
0x84: {  	_ =	shalt  }
0x85: {  	_ =	shalt  }
0x86: {  	_ =	shalt  }
0x87: {  	_ =	shalt  }
.Lfunc_end0:
.L_simem_size_0:
called_computation_lowered:
.L_overlay_start_0:
0x88: {  	s2 =	sld [smem:$0x3FD9]  }
0x89: {  	s3 =	sld [smem:$0x3FFE];
	_ =	sdelay $0x1  }
0x8a: {  	s1 =	srdreg.scid  }
0x8b: {  	s0 =	sand.u32 $0x1, s1  }
0x8c: {  	s16 =	sshll.u32 s0, $0xA;
	s2 =	sadd.s32 s3, s2  }
0x8d: {  	s2 =	sadd.s32 s2, s16  }
0x8e: {  	[smem:$0x3FC2] =	sst s2  }
0x8f: {  	_ = 	snop  }
0x90: {  	(tm) =	ssettm $0x1  }
0x91: {  	s17 =	sld [smem:$0x3FFB];
	_ =	sdelay $0x3  }
0x92: {  	_ =	strace s17  }
0x93: {  	s2 =	sld [smem:$0x3FFC];
	_ =	sdelay $0x3  }
0x94: {  	_ =	strace s2  }
0x95: {  	s2 =	sld [smem:$0x3FFD];
	_ =	sdelay $0x3  }
0x96: {  	_ =	strace s2  }
0x97: {  	_ =	strace $0x8FFFFFFF  }
0x98: {  	s18 =	sld [smem:$0x3FDB];
	_ =	sdelay $0x1  }
0x99: {  	s19 =	simm.s32 $_scs_section_size  }
0x9a: {  	s4 =	simm.s32 $_size__tile_overlayer_lowered;
	s5 =	simm.s32 $_tile_overlayer_lowered  }
0x9b: {  	s22 =	simm.s32 $0x1BFF;
	s21 =	sshll.u32 s5, $0x1;
	s2 =	sadd.s32 s19, s18  }
0x9c: {  	s6 =	simm.s32 $0x0;
	s20 =	sshll.u32 s4, $0x1;
	s4 =	sadd.s32 s21, s2  }
0x9d: {  	[timem:s6], [sflag:s22] =	dma.local [hbm:s4], s20  }
0x9e: {  	_ =	swait.ge [sflag:s22], s20  }
0x9f: {  	s3 =	ssub.s32 $0x0, s20;
	[sflag:s22] =	ssyncset.done $0x0  }
0xa0: {  	[sflag:s22] =	ssyncadd.s32 s3;
	_ =	sdelay $0x1  }
0xa1: {  	s23 =	simm.s32 $0x1B8B  }
0xa2: {  	_ =	swait.ge [sflag:s23], $0x1  }
0xa3: {  	[sflag:s23] =	ssyncset.done $0x0  }
0xa4: {  	s25 =	simm.s32 $0x1B8E;
	s24 =	sld [smem:$0x3FFE];
	[sflag:s23] =	ssyncadd.s32 $0xFFFFFFFF  }
0xa5: {  	s26 =	simm.s32 $execute0_lowered;
	[smem:$0x3FD2] =	sst s25  }
0xa6: {  	s4 =	sshll.u32 s26, $0x1;
	_ =	strace $0x80000046;
	[dreg:$0x1] =	wrdreg $0xFFFFFFFF  }
0xa7: {  	s28 =	simm.s32 $_size_execute0_lowered;
	s2 =	sadd.s32 s2, s4;
	[dreg:$0x0] =	wrdreg $0x0  }
0xa8: {  	s4 =	sshll.u32 s28, $0x1;
	[dreg:$0x2] =	wrdreg s2  }
0xa9: {  	[dreg:$0x3] =	wrdreg s4  }
0xaa: {  	[dreg:$0x4] =	wrdreg $0xC0  }
0xab: {  	_ =	task [dreg:s6], $0x5FFFF  }
0xac: {  	[dreg:$0x1] =	wrdreg $0xFFFFFFFF  }
0xad: {  	[dreg:$0x0] =	wrdreg $0x60  }
0xae: {  	[dreg:$0x2] =	wrdreg s24  }
0xaf: {  	[dreg:$0x3] =	wrdreg $0x37800  }
0xb0: {  	[dreg:$0x4] =	wrdreg $0x9  }
0xb1: {  	_ =	task.clear_ibuf [dreg:s6], $0x5FFFF;
	_ =	strace $0x90000046  }
0xb2: {  	s29 =	simm.s32 $0x9;
	_ =	strace $0x80000048  }
0xb3: {  	_ =	swait.ge [sflag:s29], $0x1  }
0xb4: {  	[sflag:s29] =	ssyncadd.s32 $0xFFFFFFFF  }
0xb5: {  	_ =	strace $0x90000048  }
0xb6: {  	_ =	sfence  }
0xb7: {  	s30 =	sld [smem:$0x0];
	_ =	sdelay $0x2  }
0xb8: {  	s31 =	sshll.u32 s1, $0xD;
	s1 =	sshrl.u32 s1, $0x2  }
0xb9: {  	s3 =	sand.u32 $0x4000, s31;
	s1 =	sadd.s32 s1, s30  }
0xba: {  	s0 =	sor.u32 s3, s0;
	s1 =	sshll.u32 s1, $0x11  }
0xbb: {  	s0 =	sor.u32 s1, s0  }
0xbc: {  	s0 =	sadd.s32 $0x8F2B, s0  }
0xbd: {  	[sflag:s0] =	ssyncadd.remote.s32 $0x1  }
0xbe: {  	_ =	sfence.sel $0xFFFF  }
0xbf: {  	[dreg:$0x0] =	wrdreg $0xFFFFFFFF;
	(pc) =	sbr.abs _section_cstart, $3  }
0xc0: {  	[dreg:$0x1] =	wrdreg $0xFFFFFFFF  }
0xc1: {  	_ =	task.clear_ibuf [dreg:s6], $0x2FFFF;
	_ =	strace $0x9FFFFFFF  }
0xc2: {  	(tm) =	ssettm $0x7FFFFFFF  }
0xc3: {  	_ =	shalt  }
tec
execute0_lowered:
.L_overlay_start_1:
0x0: {  	(tag) =	ssettag $0x1  }
0x1: {  	s5 =	rddreg [dreg:$0x0]  }
0x2: {  	s0 =	srdreg.scid;
	s2 =	rddreg [dreg:$0x1]  }
0x3: {  	s3 =	simm.s32 $0x0;
	s4 =	sand.u32 $0x1, s0;
	s0 =	stileid.u32  }
0x4: {  	[smem:$0x7FF] =	sst s3;
	s14 =	smul.u32 $0x28000, s4  }
0x5: {  	s16 =	sadd.s32 $0xB400, s5;
	s1 =	sshll.u32 s4, $0x4;
	s15 =	smul.u32 $0x2800, s0  }
0x6: {  	s4 =	ssub.s32 $0x2, s4;
	s7 =	smul.u32 $0xA000, s0;
	s6 =	sor.u32 s0, s1  }
0x7: {  	s1 =	rddreg [dreg:$0x2];
	_ =	strace $0x80000047;
	s23 =	sshrl.u32 s4, $0x1  }
0x8: {  	s6 =	smul.u32 $0x4F0, s6;
	s8 =	sadd.s32 s14, s15;
	s9 =	ssub.s32 s4, s23  }
0x9: {  	s24 =	sshrl.u32 s7, $0x2;
	s13 =	sadd.s32 $0x800, s15;
	s17 =	sadd.s32 $0x1000, s15  }
0xa: {  	s20 =	sadd.s32 s15, s2;
	s28 =	sadd.s32 $0x1800, s15;
	s22 =	sadd.s32 $0x2000, s15  }
0xb: {  	s25 =	sshrl.u32 s8, $0x3;
	s4 =	sadd.s32 s24, s2;
	s7 =	smax.u32 s9, $0x1  }
0xc: {  	s12 =	sadd.s32 s14, s13;
	s18 =	sadd.s32 s14, s17;
	s21 =	sadd.s32 s13, s2  }
0xd: {  	s19 =	sadd.s32 s14, s28;
	s23 =	sadd.s32 s17, s2;
	s30 =	sadd.s32 s14, s22  }
0xe: {  	s24 =	sadd.s32 s28, s2;
	s17 =	simm.s32 $0x1;
	s20 =	sshrl.u32 s20, $0x3  }
0xf: {  	s6 =	sadd.s32 s6, s5;
	s8 =	sadd.s32 $0x800, s4;
	s9 =	sadd.s32 $0x1000, s4  }
0x10: {  	s10 =	sadd.s32 $0x1800, s4;
	s11 =	sadd.s32 $0x2000, s4;
	s12 =	sshrl.u32 s12, $0x3  }
0x11: {  	s26 =	sshrl.u32 s18, $0x3;
	s29 =	sshrl.u32 s19, $0x3;
	s31 =	sshrl.u32 s30, $0x3  }
0x12: {  	s18 =	simm.s32 $0x1000;
	s19 =	simm.s32 $0x80;
	s21 =	sshrl.u32 s21, $0x3  }
0x13: {  	s5 =	sadd.s32 $0x1600, s6;
	s6 =	sadd.s32 s16, s25;
	s12 =	sadd.s32 s16, s12  }
0x14: {  	s13 =	sadd.s32 s16, s26;
	s14 =	sadd.s32 s16, s29;
	s15 =	sadd.s32 s16, s31  }
0x15: {  	s25 =	sadd.s32 s22, s2;
	s16 =	simm.s32 $0x800;
	s22 =	sshrl.u32 s23, $0x3  }
0x16: {  	v0 =	vimm.f32 $1.000000000e+00;
	v1 =	vimm.f32 $0.0e+00;
	s23 =	sshrl.u32 s24, $0x3;
	s24 =	sshrl.u32 s25, $0x3;
	s25 =	simm.s32 $0x0  }
.LBB2_1:
0x17: {  	s26 =	simm.s32 $0x0  }
.LBB2_2:
0x18: {  	p0 =	sne.s32 s26, $0x1FC0  }
.Ltmp0:
0x19: {  	_ = 	snop;
	(pc) =	sbr.rel @p0 .LBB2_2-.Ltmp0, $3  }
0x1a: {  	_ =	sdelay $0x1  }
0x1b: {  	s28 =	sshra.s32 s26, $0x2  }
0x1c: {  	s26 =	sadd.s32 $0x40, s26;
	[tilespmem:s28+$0x0] =	vst v0  }
0x1d: {  	s26 =	simm.s32 $0x40;
	s28 =	simm.s32 $0x0  }
.LBB2_4:
0x1e: {  	p0 =	sne.s32 s26, $0x1FC0;
	[tilespmem:s28+$0x800] =	vst v1;
	s28 =	smov.u32 s26;
	s26 =	sadd.s32 $0x40, s26  }
.Ltmp1:
0x1f: {  	(pc) =	sbr.rel @p0 .LBB2_4-.Ltmp1, $2  }
0x20: {  	_ =	sdelay $0x2  }
0x21: {  	s28 =	sshra.s32 s28, $0x2  }
0x22: {  	[tilespmem:s28+$0x800] =	vst v1  }
0x23: {  	[spmem:s4] =	stream.linear.scatter [tilespmem:s16], [sflag:$0x1], $0x800, $0x38;
	[tilespmem:$0x5F80] =	vst v63  }
0x24: {  	_ =	swait.ge [sflag:s17], $0x800  }
0x25: {  	[sflag:s17] =	ssyncset.done $0x0  }
0x26: {  	[sflag:s17] =	ssyncadd.s32 $0xFFFFF800  }
0x27: {  	[spmem:s8] =	stream.linear.scatter [tilespmem:s16], [sflag:$0x1], $0x800, $0x38;
	[tilespmem:$0x5F80] =	vst v63  }
0x28: {  	_ =	swait.ge [sflag:s17], $0x800  }
0x29: {  	[sflag:s17] =	ssyncset.done $0x0  }
0x2a: {  	[sflag:s17] =	ssyncadd.s32 $0xFFFFF800  }
0x2b: {  	[spmem:s9] =	stream.linear.scatter [tilespmem:s16], [sflag:$0x1], $0x800, $0x38;
	[tilespmem:$0x5F80] =	vst v63  }
0x2c: {  	_ =	swait.ge [sflag:s17], $0x800  }
0x2d: {  	[sflag:s17] =	ssyncset.done $0x0  }
0x2e: {  	[sflag:s17] =	ssyncadd.s32 $0xFFFFF800  }
0x2f: {  	[spmem:s10] =	stream.linear.scatter [tilespmem:s16], [sflag:$0x1], $0x800, $0x38;
	[tilespmem:$0x5F80] =	vst v63  }
0x30: {  	_ =	swait.ge [sflag:s17], $0x800  }
0x31: {  	[sflag:s17] =	ssyncset.done $0x0  }
0x32: {  	[sflag:s17] =	ssyncadd.s32 $0xFFFFF800  }
0x33: {  	[spmem:s11] =	stream.linear.scatter [tilespmem:s16], [sflag:$0x1], $0x800, $0x38;
	[tilespmem:$0x5F80] =	vst v63  }
0x34: {  	_ =	swait.ge [sflag:s17], $0x800  }
0x35: {  	[sflag:s17] =	ssyncset.done $0x0  }
0x36: {  	s26 =	simm.s32 $0x0;
	[sflag:s17] =	ssyncadd.s32 $0xFFFFF800  }
0x37: {  	[tilespmem:s18], [sflag:$0x1] =	stream.linear.gather [hbm4b:s5+s26], $0x2780, $0x38;
	[tilespmem:$0x5F80] =	vst v63  }
0x38: {  	_ =	swait.ge [sflag:s17], $0x2780  }
0x39: {  	[sflag:s17] =	ssyncset.done $0x0  }
0x3a: {  	[sflag:s17] =	ssyncadd.s32 $0xFFFFD880  }
0x3b: {  	s31 =	simm.s32 $0x1000;
	[bflag:$0x0] =	sbarrier.arrive $0xFFFF  }
0x3c: {  	[spmem:s2] =	stream.indirect.scatter.add.f32 [tilespmem:s3], [sflag:$0x1], $0x10, s31, s19, $0xb8;
	[tilespmem:$0x5F80] =	vst v63  }
0x3d: {  	s26 =	simm.s32 $0x200;
	_ =	swait.ge [sflag:s17], $0x800  }
.LBB2_6:
0x3e: {  	s28 =	sshra.s32 s26, $0x2;
	[sflag:s17] =	ssyncset.done $0x0;
	p0 =	sne.s32 s26, $0x9C00  }
.Ltmp2:
0x3f: {  	s28 =	sadd.s32 $0x1000, s28;
	[sflag:s17] =	ssyncadd.s32 $0xFFFFF800;
	(pc) =	sbr.rel @p0 .LBB2_6-.Ltmp2, $3  }
0x40: {  	[spmem:s2] =	stream.indirect.scatter.add.f32 [tilespmem:s3], [sflag:$0x1], $0x10, s28, s19, $0xb8;
	[tilespmem:$0x5F80] =	vst v63  }
0x41: {  	s26 =	sadd.s32 $0x200, s26;
	_ =	sdelay $0x1  }
0x42: {  	_ =	swait.ge [sflag:s17], $0x800  }
0x43: {  	[sflag:s17] =	ssyncset.done $0x0  }
0x44: {  	s26 =	sshll.u32 s0, $0x6;
	[sflag:s17] =	ssyncadd.s32 $0xFFFFF800  }
0x45: {  	s26 =	sor.u32 $0x1C01, s26;
	[bflag:$0x0] =	sbarrier.arrive $0xFFFF  }
0x46: {  	[hbm:s6], [sflag:s26] =	dma.local [spmem:s20], $0x100  }
0x47: {  	_ =	swait.ge [sflag:s17], $0x100  }
0x48: {  	[sflag:s17] =	ssyncset.done $0x0  }
0x49: {  	[sflag:s17] =	ssyncadd.s32 $0xFFFFFF00  }
0x4a: {  	[hbm:s12], [sflag:s26] =	dma.local [spmem:s21], $0x100  }
0x4b: {  	_ =	swait.ge [sflag:s17], $0x100  }
0x4c: {  	[sflag:s17] =	ssyncset.done $0x0  }
0x4d: {  	[sflag:s17] =	ssyncadd.s32 $0xFFFFFF00  }
0x4e: {  	[hbm:s13], [sflag:s26] =	dma.local [spmem:s22], $0x100  }
0x4f: {  	_ =	swait.ge [sflag:s17], $0x100  }
0x50: {  	[sflag:s17] =	ssyncset.done $0x0  }
0x51: {  	[sflag:s17] =	ssyncadd.s32 $0xFFFFFF00  }
0x52: {  	[hbm:s14], [sflag:s26] =	dma.local [spmem:s23], $0x100  }
0x53: {  	s25 =	sadd.s32 $0x1, s25;
	_ =	swait.ge [sflag:s17], $0x100  }
0x54: {  	p0 =	sne.s32 s25, s7;
	[sflag:s17] =	ssyncset.done $0x0  }
.Ltmp3:
0x55: {  	[sflag:s17] =	ssyncadd.s32 $0xFFFFFF00;
	(pc) =	sbr.rel @p0 .LBB2_1-.Ltmp3, $4  }
0x56: {  	[hbm:s15], [sflag:s26] =	dma.local [spmem:s24], $0x100  }
0x57: {  	_ =	swait.ge [sflag:s17], $0x100  }
0x58: {  	[sflag:s17] =	ssyncset.done $0x0  }
0x59: {  	[sflag:s17] =	ssyncadd.s32 $0xFFFFFF00  }
0x5a: {  	_ =	sfence.sel $0x180000  }
0x5b: {  	[bflag:$0x0] =	sbarrier.arrive $0xFFFF  }
0x5c: {  	p0 =	sne.s32 s0, $0x0;
	_ =	strace $0x90000047  }
0x5d: {  	s0 =	sadd.s32 @!p0 $0x100000, s1;
	[bflag:$0x2] =	sbarrier.arrive $0xFFFF  }
0x5e: {  	[sflag:s0] =	ssyncadd.tile.s32 @!p0 $0x1;
	_ =	shalt  }
.Lfunc_end2:
_tile_overlayer_lowered:
.L_overlay_start_2:
0x5f: {  	(tag) =	ssettag $0x2  }
0x60: {  	s0 =	rddreg [dreg:$0x0];
	s2 =	stileid.u32  }
0x61: {  	s1 =	rddreg [dreg:$0x1];
	p0 =	sne.s32 s2, $0x0  }
0x62: {  	s3 =	rddreg [dreg:$0x2];
	[bflag:$0x3] =	sbarrier.arrive $0xFFFF;
	s2 =	simm.s32 @!p0 $0x1C01  }
0x63: {  	[timem:s3], [sflag:s2] =	dma.local @!p0 [hbm:s0], s1  }
0x64: {  	s0 =	simm.s32 @!p0 $0x1  }
0x65: {  	_ =	swait.ge @!p0 [sflag:s0], s1  }
0x66: {  	s1 =	ssub.s32 @!p0 $0x0, s1;
	[sflag:s0] =	ssyncset.done @!p0 $0x0  }
0x67: {  	[sflag:s0] =	ssyncadd.s32 @!p0 s1  }
0x68: {  	[bflag:$0x3] =	sbarrier.arrive $0xFFFF  }
0x69: {  	_ =	shalt  }

</sc_bundles>
